<compile_context>
chip_gen: v7x
topology: tpu7x:2x2x1
jax: 0.10.2.dev20260603
libtpu: 0.0.44.dev20260713+nightly
codegen_flags: <defaults>
</compile_context>

<pallas_src>
import functools

import jax
import jax.numpy as jnp
from jax import lax
from jax.experimental import pallas as pl
from jax.experimental.pallas import tpu as pltpu
from jax.experimental.pallas import tpu_sc as plsc

D_ROW = 4096
D_COL = 64
D_ALL = D_ROW * D_COL
BATCH = 128
K = D_ROW * D_COL
NQ = 4
KQ = K // NQ

NUM_CORES = 2
NUM_SUBCORES = 16
NW = NUM_CORES * NUM_SUBCORES
KW = K // NW
KWQ = KQ // NW
CH = 256
NCHQ = KWQ // CH
FCH = 2048
CB = 16384
IB = 8
JB = 1024


def _t1_body(x_ref, o_ref):
    o_ref[...] = x_ref[...].T


def _t2_body0(y_ref, gft_ref, o_ref):
    for u in range(IB):
        o_ref[:, u, :] = y_ref[u].T * gft_ref[u][None, :]


def _t2_body1(y_ref, gft_ref, acc_ref, o_ref):
    del acc_ref
    for u in range(IB):
        o_ref[:, u, :] = y_ref[u].T * gft_ref[u][None, :]


def _gft_kernel(filt, fidx, gft_out, idx_v, gft_v, gsem):
    c = lax.axis_index("c")
    s = lax.axis_index("s")
    kw = (s * NUM_CORES + c) * KW
    pltpu.sync_copy(fidx.at[pl.ds(kw, KW)], idx_v)
    fcps = []
    for q in range(KW // FCH):
        sl = pl.ds(q * FCH, FCH)
        fcps.append(pltpu.async_copy(filt.at[idx_v.at[sl]], gft_v.at[sl], gsem))
    for cp in fcps:
        cp.wait()
    pltpu.sync_copy(gft_v, gft_out.at[pl.ds(kw, KW)])


def _make_gather_kernel(qoff):
    def _gather_kernel(xT, ridx, y_out, idx_v, rows0, rows1, gsem, wsem):
        c = lax.axis_index("c")
        s = lax.axis_index("s")
        kw = (s * NUM_CORES + c) * KWQ
        pltpu.sync_copy(ridx.at[pl.ds(qoff + kw, KWQ)], idx_v)

        def idx_sl(n):
            return idx_v.at[pl.ds(n * CH, CH)]

        def y_sl(n):
            return y_out.at[pl.ds(kw + n * CH, CH)]

        pltpu.async_copy(xT.at[idx_sl(0)], rows0, gsem)

        def step(n, buf, other):
            pltpu.make_async_copy(xT.at[idx_sl(n)], buf, gsem).wait()

            @pl.when(n + 1 < NCHQ)
            def _next():
                @pl.when(n >= 1)
                def _drain_prev_write():
                    pltpu.make_async_copy(other, y_sl(n - 1), wsem).wait()
                pltpu.async_copy(xT.at[idx_sl(n + 1)], other, gsem)

            pltpu.async_copy(buf, y_sl(n), wsem)

        def body(m, carry):
            step(m * 2, rows0, rows1)
            step(m * 2 + 1, rows1, rows0)
            return carry
        lax.fori_loop(0, NCHQ // 2, body, 0)

        pltpu.make_async_copy(rows0, y_sl(NCHQ - 2), wsem).wait()
        pltpu.make_async_copy(rows1, y_sl(NCHQ - 1), wsem).wait()
    return _gather_kernel


@jax.jit
def _mapper(x, filt_flat, ridx, fidx):
    mesh = plsc.VectorSubcoreMesh(
        core_axis_name="c", subcore_axis_name="s",
        num_cores=NUM_CORES, num_subcores=NUM_SUBCORES)
    sc_params = pltpu.CompilerParams(use_tc_tiling_on_sc=True)

    gft = functools.partial(
        pl.kernel,
        out_type=jax.ShapeDtypeStruct((K,), jnp.float32),
        mesh=mesh,
        compiler_params=sc_params,
        scratch_types=[
            pltpu.VMEM((KW,), jnp.int32),
            pltpu.VMEM((KW,), jnp.float32),
            pltpu.SemaphoreType.DMA,
        ],
    )(_gft_kernel)(filt_flat, fidx)

    xT = pl.pallas_call(
        _t1_body,
        grid=(D_ALL // CB,),
        in_specs=[pl.BlockSpec((BATCH, CB), lambda i: (0, i))],
        out_specs=pl.BlockSpec((CB, BATCH), lambda i: (i, 0)),
        out_shape=jax.ShapeDtypeStruct((D_ALL, BATCH), jnp.float32),
    )(x)

    ys = []
    for q in range(NQ):
        ys.append(functools.partial(
            pl.kernel,
            out_type=jax.ShapeDtypeStruct((KQ, BATCH), jnp.float32),
            mesh=mesh,
            compiler_params=sc_params,
            scratch_types=[
                pltpu.VMEM((KWQ,), jnp.int32),
                pltpu.VMEM((CH, BATCH), jnp.float32),
                pltpu.VMEM((CH, BATCH), jnp.float32),
                pltpu.SemaphoreType.DMA,
                pltpu.SemaphoreType.DMA,
            ],
        )(_make_gather_kernel(q * KQ))(xT, ridx))

    nqi = KQ // D_ROW
    gft2 = gft.reshape(D_COL, D_ROW)
    out = None
    for q in range(NQ):
        y3 = ys[q].reshape(nqi, D_ROW, BATCH)
        grid = (nqi // IB, D_ROW // JB)
        in_specs = [pl.BlockSpec((IB, JB, BATCH), lambda ib, jb: (ib, jb, 0)),
                    pl.BlockSpec((IB, JB), lambda ib, jb, q=q: (q * (nqi // IB) + ib, jb))]
        out_spec = pl.BlockSpec((BATCH, IB, JB),
                                lambda ib, jb, q=q: (0, q * (nqi // IB) + ib, jb))
        oshape = jax.ShapeDtypeStruct((BATCH, D_COL, D_ROW), jnp.float32)
        if out is None:
            out = pl.pallas_call(
                _t2_body0, grid=grid, in_specs=in_specs,
                out_specs=out_spec, out_shape=oshape,
            )(y3, gft2)
        else:
            out = pl.pallas_call(
                _t2_body1, grid=grid,
                in_specs=in_specs + [pl.BlockSpec(memory_space=pltpu.MemorySpace.HBM)],
                out_specs=out_spec, out_shape=oshape,
                input_output_aliases={2: 0},
            )(y3, gft2, out)
    return out


def kernel(x, filters, ind):
    x = x.reshape(-1, D_ALL)
    ind = ind.astype(jnp.int32)
    ridx = ind.reshape(-1)
    fidx = (ind + jnp.arange(D_COL, dtype=jnp.int32)[:, None] * D_ALL).reshape(-1)
    out3 = _mapper(x, filters.reshape(-1), ridx, fidx)
    return jnp.transpose(out3, (0, 2, 1))

# --- scband reference (transcript-rebuilt; emitter-appended) ---
"""Pipeline reference for scband-mapper-10462540333249 (READ-ONLY COPY).

The authoritative reference and input builder live on the scoring server;
editing this copy changes nothing except your own understanding.
"""

import jax, jax.numpy as jnp
import numpy as np

D_ROW = 4096
D_COL = 64
OUT_ROW = D_COL      # out_row defaults to d_column
MAP_SIZE = D_ROW     # map_size defaults to d_row
D_ALL = D_ROW * D_COL
BATCH = 128


def setup_inputs(seed: int = 0) -> dict:
    key = jax.random.key(seed)
    kx, kf = jax.random.split(key)
    x = jax.random.normal(kx, (BATCH, D_ALL), dtype=jnp.float32)
    # learned filters, torch.rand(d_all_input)/2 equivalent
    filters = jax.random.uniform(kf, (OUT_ROW, D_ALL), dtype=jnp.float32) * 0.5
    # renew_mask(): top map_size indices per filter, sorted ascending by filter value
    ind = jnp.argsort(filters, axis=1)[:, -MAP_SIZE:].astype(jnp.int32)
    return {"x": x, "filters": filters, "ind": ind}


def reference(x, filters, ind):
    # x: [B, d_all_input]; for each output row i: x[:, ind[i]] * filters[i][ind[i]]
    x = x.reshape(-1, D_ALL)
    gx = x[:, ind]                                   # [B, out_row, map_size] gather
    gf = jnp.take_along_axis(filters, ind, axis=1)   # [out_row, map_size] gather
    out = gx * gf[None, :, :]                        # elementwise mask-multiply
    # torch cats unsqueezed slices along dim 2 -> [B, map_size, out_row]
    return jnp.transpose(out, (0, 2, 1))

if __name__ == "__main__":
    import jax
    _d = setup_inputs()
    print(jax.jit(kernel)(*tuple(_d.values())))

</pallas_src>

<mosaic_0001>
#map = affine_map<(d0, d1) -> (0)>
module attributes {stable_mosaic.version = 14 : i64} {
  func.func @_gft_kernel(%arg0: i32, %arg1: i32, %arg2: memref<16777216xf32, #tpu.memory_space<hbm>>, %arg3: memref<262144xi32, #tpu.memory_space<hbm>>, %arg4: memref<262144xf32, #tpu.memory_space<hbm>>, %arg5: memref<8192xi32, #tpu.memory_space<vmem>>, %arg6: memref<8192xf32, #tpu.memory_space<vmem>>, %arg7: memref<!tpu.dma_semaphore, #tpu.memory_space<semaphore_mem>>) attributes {dimension_semantics = [#tpu.dimension_semantics<core_parallel>, #tpu.dimension_semantics<subcore_parallel>], iteration_bounds = array<i64: 2, 16>, scalar_prefetch = 0 : i64, scratch_operands = 3 : i64, tpu.core_type = #tpu.core_type<sc_vector_subcore>, window_params = [{transform_indices = #map}, {transform_indices = #map}, {transform_indices = #map}]} {
    %mul3A = arith.constant 2 : i32
    %mul3A_0 = arith.muli %arg1, %mul3A : i32
    %add3A = arith.addi %mul3A_0, %arg0 : i32
    %mul3A_1 = arith.constant 8192 : i32
    %mul3A_2 = arith.muli %add3A, %mul3A_1 : i32
    "tpu.region"() ({
      %run_scoped3A = tpu.sem_alloc : memref<!tpu.dma_semaphore, #tpu.memory_space<semaphore_mem>>
      %dma_start3A_49 = tpu.memref_slice %arg3[%mul3A_2] : memref<262144xi32, #tpu.memory_space<hbm>> -> memref<8192xi32, #tpu.memory_space<hbm>>
      %dma_start3A_50 = tpu.memref_slice %arg3[%mul3A_2] : memref<262144xi32, #tpu.memory_space<hbm>> -> memref<8192xi32, #tpu.memory_space<hbm>>
      tpu.enqueue_dma source(%dma_start3A_50 : memref<8192xi32, #tpu.memory_space<hbm>>) target(%arg5 : memref<8192xi32, #tpu.memory_space<vmem>>) target_semaphore(%run_scoped3A : memref<!tpu.dma_semaphore, #tpu.memory_space<semaphore_mem>>)
      %dma_wait3A_51 = tpu.memref_slice %arg3[%mul3A_2] : memref<262144xi32, #tpu.memory_space<hbm>> -> memref<8192xi32, #tpu.memory_space<hbm>>
      %dma_wait3A_52 = tpu.memref_slice %arg3[%mul3A_2] : memref<262144xi32, #tpu.memory_space<hbm>> -> memref<8192xi32, #tpu.memory_space<hbm>>
      tpu.wait_dma2 semaphore(%run_scoped3A : memref<!tpu.dma_semaphore, #tpu.memory_space<semaphore_mem>>) src(%dma_wait3A_52 : memref<8192xi32, #tpu.memory_space<hbm>>) dst(%arg5 : memref<8192xi32, #tpu.memory_space<vmem>>)
      tpu.yield
    }) : () -> ()
    %dma_start3A = arith.constant 0 : i32
    %dma_start3A_3 = tpu.memref_slice %arg6[%dma_start3A] : memref<8192xf32, #tpu.memory_space<vmem>> -> memref<2048xf32, #tpu.memory_space<vmem>>
    %dma_start3A_4 = arith.constant 0 : i32
    %dma_start3A_5 = tpu.memref_slice %arg5[%dma_start3A_4] : memref<8192xi32, #tpu.memory_space<vmem>> -> memref<2048xi32, #tpu.memory_space<vmem>>
    %dma_start3A_6 = arith.constant 0 : i32
    %dma_start3A_7 = tpu.memref_slice %arg2[%dma_start3A_6] : memref<16777216xf32, #tpu.memory_space<hbm>> -> memref<16777216xf32, #tpu.memory_space<hbm>>
    tpu.enqueue_indirect_dma source(%dma_start3A_7 : memref<16777216xf32, #tpu.memory_space<hbm>>) target(%dma_start3A_3 : memref<2048xf32, #tpu.memory_space<vmem>>) offsets(%dma_start3A_5 : memref<2048xi32, #tpu.memory_space<vmem>>) semaphore(%arg7 : memref<!tpu.dma_semaphore, #tpu.memory_space<semaphore_mem>>)
    %dma_start3A_8 = arith.constant 2048 : i32
    %dma_start3A_9 = tpu.memref_slice %arg6[%dma_start3A_8] : memref<8192xf32, #tpu.memory_space<vmem>> -> memref<2048xf32, #tpu.memory_space<vmem>>
    %dma_start3A_10 = arith.constant 2048 : i32
    %dma_start3A_11 = tpu.memref_slice %arg5[%dma_start3A_10] : memref<8192xi32, #tpu.memory_space<vmem>> -> memref<2048xi32, #tpu.memory_space<vmem>>
    %dma_start3A_12 = arith.constant 0 : i32
    %dma_start3A_13 = tpu.memref_slice %arg2[%dma_start3A_12] : memref<16777216xf32, #tpu.memory_space<hbm>> -> memref<16777216xf32, #tpu.memory_space<hbm>>
    tpu.enqueue_indirect_dma source(%dma_start3A_13 : memref<16777216xf32, #tpu.memory_space<hbm>>) target(%dma_start3A_9 : memref<2048xf32, #tpu.memory_space<vmem>>) offsets(%dma_start3A_11 : memref<2048xi32, #tpu.memory_space<vmem>>) semaphore(%arg7 : memref<!tpu.dma_semaphore, #tpu.memory_space<semaphore_mem>>)
    %dma_start3A_14 = arith.constant 4096 : i32
    %dma_start3A_15 = tpu.memref_slice %arg6[%dma_start3A_14] : memref<8192xf32, #tpu.memory_space<vmem>> -> memref<2048xf32, #tpu.memory_space<vmem>>
    %dma_start3A_16 = arith.constant 4096 : i32
    %dma_start3A_17 = tpu.memref_slice %arg5[%dma_start3A_16] : memref<8192xi32, #tpu.memory_space<vmem>> -> memref<2048xi32, #tpu.memory_space<vmem>>
    %dma_start3A_18 = arith.constant 0 : i32
    %dma_start3A_19 = tpu.memref_slice %arg2[%dma_start3A_18] : memref<16777216xf32, #tpu.memory_space<hbm>> -> memref<16777216xf32, #tpu.memory_space<hbm>>
    tpu.enqueue_indirect_dma source(%dma_start3A_19 : memref<16777216xf32, #tpu.memory_space<hbm>>) target(%dma_start3A_15 : memref<2048xf32, #tpu.memory_space<vmem>>) offsets(%dma_start3A_17 : memref<2048xi32, #tpu.memory_space<vmem>>) semaphore(%arg7 : memref<!tpu.dma_semaphore, #tpu.memory_space<semaphore_mem>>)
    %dma_start3A_20 = arith.constant 6144 : i32
    %dma_start3A_21 = tpu.memref_slice %arg6[%dma_start3A_20] : memref<8192xf32, #tpu.memory_space<vmem>> -> memref<2048xf32, #tpu.memory_space<vmem>>
    %dma_start3A_22 = arith.constant 6144 : i32
    %dma_start3A_23 = tpu.memref_slice %arg5[%dma_start3A_22] : memref<8192xi32, #tpu.memory_space<vmem>> -> memref<2048xi32, #tpu.memory_space<vmem>>
    %dma_start3A_24 = arith.constant 0 : i32
    %dma_start3A_25 = tpu.memref_slice %arg2[%dma_start3A_24] : memref<16777216xf32, #tpu.memory_space<hbm>> -> memref<16777216xf32, #tpu.memory_space<hbm>>
    tpu.enqueue_indirect_dma source(%dma_start3A_25 : memref<16777216xf32, #tpu.memory_space<hbm>>) target(%dma_start3A_21 : memref<2048xf32, #tpu.memory_space<vmem>>) offsets(%dma_start3A_23 : memref<2048xi32, #tpu.memory_space<vmem>>) semaphore(%arg7 : memref<!tpu.dma_semaphore, #tpu.memory_space<semaphore_mem>>)
    %dma_wait3A = arith.constant 0 : i32
    %dma_wait3A_26 = tpu.memref_slice %arg6[%dma_wait3A] : memref<8192xf32, #tpu.memory_space<vmem>> -> memref<2048xf32, #tpu.memory_space<vmem>>
    %dma_wait3A_27 = arith.constant 0 : i32
    %dma_wait3A_28 = tpu.memref_slice %arg5[%dma_wait3A_27] : memref<8192xi32, #tpu.memory_space<vmem>> -> memref<2048xi32, #tpu.memory_space<vmem>>
    %dma_wait3A_29 = arith.constant 0 : i32
    %dma_wait3A_30 = tpu.memref_slice %arg2[%dma_wait3A_29] : memref<16777216xf32, #tpu.memory_space<hbm>> -> memref<16777216xf32, #tpu.memory_space<hbm>>
    tpu.wait_indirect_dma semaphore(%arg7 : memref<!tpu.dma_semaphore, #tpu.memory_space<semaphore_mem>>) src(%dma_wait3A_30 : memref<16777216xf32, #tpu.memory_space<hbm>>) dst(%dma_wait3A_26 : memref<2048xf32, #tpu.memory_space<vmem>>)
    %dma_wait3A_31 = arith.constant 2048 : i32
    %dma_wait3A_32 = tpu.memref_slice %arg6[%dma_wait3A_31] : memref<8192xf32, #tpu.memory_space<vmem>> -> memref<2048xf32, #tpu.memory_space<vmem>>
    %dma_wait3A_33 = arith.constant 2048 : i32
    %dma_wait3A_34 = tpu.memref_slice %arg5[%dma_wait3A_33] : memref<8192xi32, #tpu.memory_space<vmem>> -> memref<2048xi32, #tpu.memory_space<vmem>>
    %dma_wait3A_35 = arith.constant 0 : i32
    %dma_wait3A_36 = tpu.memref_slice %arg2[%dma_wait3A_35] : memref<16777216xf32, #tpu.memory_space<hbm>> -> memref<16777216xf32, #tpu.memory_space<hbm>>
    tpu.wait_indirect_dma semaphore(%arg7 : memref<!tpu.dma_semaphore, #tpu.memory_space<semaphore_mem>>) src(%dma_wait3A_36 : memref<16777216xf32, #tpu.memory_space<hbm>>) dst(%dma_wait3A_32 : memref<2048xf32, #tpu.memory_space<vmem>>)
    %dma_wait3A_37 = arith.constant 4096 : i32
    %dma_wait3A_38 = tpu.memref_slice %arg6[%dma_wait3A_37] : memref<8192xf32, #tpu.memory_space<vmem>> -> memref<2048xf32, #tpu.memory_space<vmem>>
    %dma_wait3A_39 = arith.constant 4096 : i32
    %dma_wait3A_40 = tpu.memref_slice %arg5[%dma_wait3A_39] : memref<8192xi32, #tpu.memory_space<vmem>> -> memref<2048xi32, #tpu.memory_space<vmem>>
    %dma_wait3A_41 = arith.constant 0 : i32
    %dma_wait3A_42 = tpu.memref_slice %arg2[%dma_wait3A_41] : memref<16777216xf32, #tpu.memory_space<hbm>> -> memref<16777216xf32, #tpu.memory_space<hbm>>
    tpu.wait_indirect_dma semaphore(%arg7 : memref<!tpu.dma_semaphore, #tpu.memory_space<semaphore_mem>>) src(%dma_wait3A_42 : memref<16777216xf32, #tpu.memory_space<hbm>>) dst(%dma_wait3A_38 : memref<2048xf32, #tpu.memory_space<vmem>>)
    %dma_wait3A_43 = arith.constant 6144 : i32
    %dma_wait3A_44 = tpu.memref_slice %arg6[%dma_wait3A_43] : memref<8192xf32, #tpu.memory_space<vmem>> -> memref<2048xf32, #tpu.memory_space<vmem>>
    %dma_wait3A_45 = arith.constant 6144 : i32
    %dma_wait3A_46 = tpu.memref_slice %arg5[%dma_wait3A_45] : memref<8192xi32, #tpu.memory_space<vmem>> -> memref<2048xi32, #tpu.memory_space<vmem>>
    %dma_wait3A_47 = arith.constant 0 : i32
    %dma_wait3A_48 = tpu.memref_slice %arg2[%dma_wait3A_47] : memref<16777216xf32, #tpu.memory_space<hbm>> -> memref<16777216xf32, #tpu.memory_space<hbm>>
    tpu.wait_indirect_dma semaphore(%arg7 : memref<!tpu.dma_semaphore, #tpu.memory_space<semaphore_mem>>) src(%dma_wait3A_48 : memref<16777216xf32, #tpu.memory_space<hbm>>) dst(%dma_wait3A_44 : memref<2048xf32, #tpu.memory_space<vmem>>)
    "tpu.region"() ({
      %run_scoped3A = tpu.sem_alloc : memref<!tpu.dma_semaphore, #tpu.memory_space<semaphore_mem>>
      %dma_start3A_49 = tpu.memref_slice %arg4[%mul3A_2] : memref<262144xf32, #tpu.memory_space<hbm>> -> memref<8192xf32, #tpu.memory_space<hbm>>
      %dma_start3A_50 = tpu.memref_slice %arg4[%mul3A_2] : memref<262144xf32, #tpu.memory_space<hbm>> -> memref<8192xf32, #tpu.memory_space<hbm>>
      tpu.enqueue_dma source(%arg6 : memref<8192xf32, #tpu.memory_space<vmem>>) target(%dma_start3A_50 : memref<8192xf32, #tpu.memory_space<hbm>>) target_semaphore(%run_scoped3A : memref<!tpu.dma_semaphore, #tpu.memory_space<semaphore_mem>>)
      %dma_wait3A_51 = tpu.memref_slice %arg4[%mul3A_2] : memref<262144xf32, #tpu.memory_space<hbm>> -> memref<8192xf32, #tpu.memory_space<hbm>>
      %dma_wait3A_52 = tpu.memref_slice %arg4[%mul3A_2] : memref<262144xf32, #tpu.memory_space<hbm>> -> memref<8192xf32, #tpu.memory_space<hbm>>
      tpu.wait_dma2 semaphore(%run_scoped3A : memref<!tpu.dma_semaphore, #tpu.memory_space<semaphore_mem>>) src(%arg6 : memref<8192xf32, #tpu.memory_space<vmem>>) dst(%dma_wait3A_52 : memref<8192xf32, #tpu.memory_space<hbm>>)
      tpu.yield
    }) : () -> ()
    return
  }
}

#map = affine_map<(d0, d1) -> (0, 0)>
#map1 = affine_map<(d0, d1) -> (0)>
module attributes {stable_mosaic.version = 14 : i64} {
  func.func @_gather_kernel(%arg0: i32, %arg1: i32, %arg2: memref<262144x128xf32, #tpu.memory_space<hbm>>, %arg3: memref<262144xi32, #tpu.memory_space<hbm>>, %arg4: memref<65536x128xf32, #tpu.memory_space<hbm>>, %arg5: memref<2048xi32, #tpu.memory_space<vmem>>, %arg6: memref<256x128xf32, #tpu.memory_space<vmem>>, %arg7: memref<256x128xf32, #tpu.memory_space<vmem>>, %arg8: memref<!tpu.dma_semaphore, #tpu.memory_space<semaphore_mem>>, %arg9: memref<!tpu.dma_semaphore, #tpu.memory_space<semaphore_mem>>) attributes {dimension_semantics = [#tpu.dimension_semantics<core_parallel>, #tpu.dimension_semantics<subcore_parallel>], iteration_bounds = array<i64: 2, 16>, scalar_prefetch = 0 : i64, scratch_operands = 5 : i64, tpu.core_type = #tpu.core_type<sc_vector_subcore>, window_params = [{transform_indices = #map}, {transform_indices = #map1}, {transform_indices = #map}]} {
    %mul3A = arith.constant 2 : i32
    %mul3A_0 = arith.muli %arg1, %mul3A : i32
    %add3A = arith.addi %mul3A_0, %arg0 : i32
    %mul3A_1 = arith.constant 2048 : i32
    %mul3A_2 = arith.muli %add3A, %mul3A_1 : i32
    %add3A_3 = arith.constant 65536 : i32
    %add3A_4 = arith.addi %add3A_3, %mul3A_2 : i32
    "tpu.region"() ({
      %run_scoped3A = tpu.sem_alloc : memref<!tpu.dma_semaphore, #tpu.memory_space<semaphore_mem>>
      %dma_start3A_25 = tpu.memref_slice %arg3[%add3A_4] : memref<262144xi32, #tpu.memory_space<hbm>> -> memref<2048xi32, #tpu.memory_space<hbm>>
      %dma_start3A_26 = tpu.memref_slice %arg3[%add3A_4] : memref<262144xi32, #tpu.memory_space<hbm>> -> memref<2048xi32, #tpu.memory_space<hbm>>
      tpu.enqueue_dma source(%dma_start3A_26 : memref<2048xi32, #tpu.memory_space<hbm>>) target(%arg5 : memref<2048xi32, #tpu.memory_space<vmem>>) target_semaphore(%run_scoped3A : memref<!tpu.dma_semaphore, #tpu.memory_space<semaphore_mem>>)
      %dma_wait3A_27 = tpu.memref_slice %arg3[%add3A_4] : memref<262144xi32, #tpu.memory_space<hbm>> -> memref<2048xi32, #tpu.memory_space<hbm>>
      %dma_wait3A_28 = tpu.memref_slice %arg3[%add3A_4] : memref<262144xi32, #tpu.memory_space<hbm>> -> memref<2048xi32, #tpu.memory_space<hbm>>
      tpu.wait_dma2 semaphore(%run_scoped3A : memref<!tpu.dma_semaphore, #tpu.memory_space<semaphore_mem>>) src(%dma_wait3A_28 : memref<2048xi32, #tpu.memory_space<hbm>>) dst(%arg5 : memref<2048xi32, #tpu.memory_space<vmem>>)
      tpu.yield
    }) : () -> ()
    %dma_start3A = arith.constant 0 : i32
    %dma_start3A_5 = tpu.memref_slice %arg5[%dma_start3A] : memref<2048xi32, #tpu.memory_space<vmem>> -> memref<256xi32, #tpu.memory_space<vmem>>
    %dma_start3A_6 = arith.constant 0 : i32
    %dma_start3A_7 = arith.constant 0 : i32
    %dma_start3A_8 = tpu.memref_slice %arg2[%dma_start3A_6, %dma_start3A_7] : memref<262144x128xf32, #tpu.memory_space<hbm>> -> memref<262144x128xf32, #tpu.memory_space<hbm>>
    tpu.enqueue_indirect_dma source(%dma_start3A_8 : memref<262144x128xf32, #tpu.memory_space<hbm>>) target(%arg6 : memref<256x128xf32, #tpu.memory_space<vmem>>) offsets(%dma_start3A_5 : memref<256xi32, #tpu.memory_space<vmem>>) semaphore(%arg8 : memref<!tpu.dma_semaphore, #tpu.memory_space<semaphore_mem>>)
    %scan3A = arith.constant 0 : i32
    %scan3A_9 = arith.constant 0 : i32
    %scan3A_10 = arith.constant 4 : i32
    %scan3A_11 = arith.addi %scan3A_9, %scan3A_10 : i32
    %scan3A_12 = arith.constant 1 : i32
    scf.for %scan3A_25 = %scan3A_9 to %scan3A_11 step %scan3A_12  : i32 {
      %mul3A_26 = arith.constant 2 : i32
      %mul3A_27 = arith.muli %scan3A_25, %mul3A_26 : i32
      %mul3A_28 = arith.constant 256 : i32
      %mul3A_29 = arith.muli %mul3A_27, %mul3A_28 : i32
      %dma_wait3A_30 = tpu.memref_slice %arg5[%mul3A_29] : memref<2048xi32, #tpu.memory_space<vmem>> -> memref<256xi32, #tpu.memory_space<vmem>>
      %dma_wait3A_31 = arith.constant 0 : i32
      %dma_wait3A_32 = arith.constant 0 : i32
      %dma_wait3A_33 = tpu.memref_slice %arg2[%dma_wait3A_31, %dma_wait3A_32] : memref<262144x128xf32, #tpu.memory_space<hbm>> -> memref<262144x128xf32, #tpu.memory_space<hbm>>
      tpu.wait_indirect_dma semaphore(%arg8 : memref<!tpu.dma_semaphore, #tpu.memory_space<semaphore_mem>>) src(%dma_wait3A_33 : memref<262144x128xf32, #tpu.memory_space<hbm>>) dst(%arg6 : memref<256x128xf32, #tpu.memory_space<vmem>>)
      %add3A_34 = arith.constant 1 : i32
      %add3A_35 = arith.addi %mul3A_27, %add3A_34 : i32
      %lt3A = arith.constant 8 : i32
      %lt3A_36 = arith.cmpi slt, %add3A_35, %lt3A : i32
      %convert_element_type3A = arith.extui %lt3A_36 : i1 to i32
      %cond3A = arith.constant 0 : i32
      %cond3A_37 = arith.cmpi ne, %convert_element_type3A, %cond3A : i32
      scf.if %cond3A_37 {
        %ge3A = arith.constant 1 : i32
        %ge3A_69 = arith.cmpi sge, %mul3A_27, %ge3A : i32
        %convert_element_type3A_70 = arith.extui %ge3A_69 : i1 to i32
        %cond3A_71 = arith.constant 0 : i32
        %cond3A_72 = arith.cmpi ne, %convert_element_type3A_70, %cond3A_71 : i32
        scf.if %cond3A_72 {
          %sub3A = arith.constant 1 : i32
          %sub3A_81 = arith.subi %mul3A_27, %sub3A : i32
          %mul3A_82 = arith.constant 256 : i32
          %mul3A_83 = arith.muli %sub3A_81, %mul3A_82 : i32
          %add3A_84 = arith.addi %mul3A_2, %mul3A_83 : i32
          %dma_wait3A_85 = arith.constant 0 : i32
          %dma_wait3A_86 = tpu.memref_slice %arg4[%add3A_84, %dma_wait3A_85] : memref<65536x128xf32, #tpu.memory_space<hbm>> -> memref<256x128xf32, #tpu.memory_space<hbm>>
          %dma_wait3A_87 = arith.constant 0 : i32
          %dma_wait3A_88 = tpu.memref_slice %arg4[%add3A_84, %dma_wait3A_87] : memref<65536x128xf32, #tpu.memory_space<hbm>> -> memref<256x128xf32, #tpu.memory_space<hbm>>
          tpu.wait_dma2 semaphore(%arg9 : memref<!tpu.dma_semaphore, #tpu.memory_space<semaphore_mem>>) src(%arg7 : memref<256x128xf32, #tpu.memory_space<vmem>>) dst(%dma_wait3A_88 : memref<256x128xf32, #tpu.memory_space<hbm>>)
        } else {
        }
        %add3A_73 = arith.constant 1 : i32
        %add3A_74 = arith.addi %mul3A_27, %add3A_73 : i32
        %mul3A_75 = arith.constant 256 : i32
        %mul3A_76 = arith.muli %add3A_74, %mul3A_75 : i32
        %dma_start3A_77 = tpu.memref_slice %arg5[%mul3A_76] : memref<2048xi32, #tpu.memory_space<vmem>> -> memref<256xi32, #tpu.memory_space<vmem>>
        %dma_start3A_78 = arith.constant 0 : i32
        %dma_start3A_79 = arith.constant 0 : i32
        %dma_start3A_80 = tpu.memref_slice %arg2[%dma_start3A_78, %dma_start3A_79] : memref<262144x128xf32, #tpu.memory_space<hbm>> -> memref<262144x128xf32, #tpu.memory_space<hbm>>
        tpu.enqueue_indirect_dma source(%dma_start3A_80 : memref<262144x128xf32, #tpu.memory_space<hbm>>) target(%arg7 : memref<256x128xf32, #tpu.memory_space<vmem>>) offsets(%dma_start3A_77 : memref<256xi32, #tpu.memory_space<vmem>>) semaphore(%arg8 : memref<!tpu.dma_semaphore, #tpu.memory_space<semaphore_mem>>)
      } else {
      }
      %mul3A_38 = arith.constant 256 : i32
      %mul3A_39 = arith.muli %mul3A_27, %mul3A_38 : i32
      %add3A_40 = arith.addi %mul3A_2, %mul3A_39 : i32
      %dma_start3A_41 = arith.constant 0 : i32
      %dma_start3A_42 = tpu.memref_slice %arg4[%add3A_40, %dma_start3A_41] : memref<65536x128xf32, #tpu.memory_space<hbm>> -> memref<256x128xf32, #tpu.memory_space<hbm>>
      %dma_start3A_43 = arith.constant 0 : i32
      %dma_start3A_44 = tpu.memref_slice %arg4[%add3A_40, %dma_start3A_43] : memref<65536x128xf32, #tpu.memory_space<hbm>> -> memref<256x128xf32, #tpu.memory_space<hbm>>
      tpu.enqueue_dma source(%arg6 : memref<256x128xf32, #tpu.memory_space<vmem>>) target(%dma_start3A_44 : memref<256x128xf32, #tpu.memory_space<hbm>>) target_semaphore(%arg9 : memref<!tpu.dma_semaphore, #tpu.memory_space<semaphore_mem>>)
      %mul3A_45 = arith.constant 2 : i32
      %mul3A_46 = arith.muli %scan3A_25, %mul3A_45 : i32
      %add3A_47 = arith.constant 1 : i32
      %add3A_48 = arith.addi %mul3A_46, %add3A_47 : i32
      %mul3A_49 = arith.constant 256 : i32
      %mul3A_50 = arith.muli %add3A_48, %mul3A_49 : i32
      %dma_wait3A_51 = tpu.memref_slice %arg5[%mul3A_50] : memref<2048xi32, #tpu.memory_space<vmem>> -> memref<256xi32, #tpu.memory_space<vmem>>
      %dma_wait3A_52 = arith.constant 0 : i32
      %dma_wait3A_53 = arith.constant 0 : i32
      %dma_wait3A_54 = tpu.memref_slice %arg2[%dma_wait3A_52, %dma_wait3A_53] : memref<262144x128xf32, #tpu.memory_space<hbm>> -> memref<262144x128xf32, #tpu.memory_space<hbm>>
      tpu.wait_indirect_dma semaphore(%arg8 : memref<!tpu.dma_semaphore, #tpu.memory_space<semaphore_mem>>) src(%dma_wait3A_54 : memref<262144x128xf32, #tpu.memory_space<hbm>>) dst(%arg7 : memref<256x128xf32, #tpu.memory_space<vmem>>)
      %add3A_55 = arith.constant 1 : i32
      %add3A_56 = arith.addi %add3A_48, %add3A_55 : i32
      %lt3A_57 = arith.constant 8 : i32
      %lt3A_58 = arith.cmpi slt, %add3A_56, %lt3A_57 : i32
      %convert_element_type3A_59 = arith.extui %lt3A_58 : i1 to i32
      %cond3A_60 = arith.constant 0 : i32
      %cond3A_61 = arith.cmpi ne, %convert_element_type3A_59, %cond3A_60 : i32
      scf.if %cond3A_61 {
        %ge3A = arith.constant 1 : i32
        %ge3A_69 = arith.cmpi sge, %add3A_48, %ge3A : i32
        %convert_element_type3A_70 = arith.extui %ge3A_69 : i1 to i32
        %cond3A_71 = arith.constant 0 : i32
        %cond3A_72 = arith.cmpi ne, %convert_element_type3A_70, %cond3A_71 : i32
        scf.if %cond3A_72 {
          %sub3A = arith.constant 1 : i32
          %sub3A_81 = arith.subi %add3A_48, %sub3A : i32
          %mul3A_82 = arith.constant 256 : i32
          %mul3A_83 = arith.muli %sub3A_81, %mul3A_82 : i32
          %add3A_84 = arith.addi %mul3A_2, %mul3A_83 : i32
          %dma_wait3A_85 = arith.constant 0 : i32
          %dma_wait3A_86 = tpu.memref_slice %arg4[%add3A_84, %dma_wait3A_85] : memref<65536x128xf32, #tpu.memory_space<hbm>> -> memref<256x128xf32, #tpu.memory_space<hbm>>
          %dma_wait3A_87 = arith.constant 0 : i32
          %dma_wait3A_88 = tpu.memref_slice %arg4[%add3A_84, %dma_wait3A_87] : memref<65536x128xf32, #tpu.memory_space<hbm>> -> memref<256x128xf32, #tpu.memory_space<hbm>>
          tpu.wait_dma2 semaphore(%arg9 : memref<!tpu.dma_semaphore, #tpu.memory_space<semaphore_mem>>) src(%arg6 : memref<256x128xf32, #tpu.memory_space<vmem>>) dst(%dma_wait3A_88 : memref<256x128xf32, #tpu.memory_space<hbm>>)
        } else {
        }
        %add3A_73 = arith.constant 1 : i32
        %add3A_74 = arith.addi %add3A_48, %add3A_73 : i32
        %mul3A_75 = arith.constant 256 : i32
        %mul3A_76 = arith.muli %add3A_74, %mul3A_75 : i32
        %dma_start3A_77 = tpu.memref_slice %arg5[%mul3A_76] : memref<2048xi32, #tpu.memory_space<vmem>> -> memref<256xi32, #tpu.memory_space<vmem>>
        %dma_start3A_78 = arith.constant 0 : i32
        %dma_start3A_79 = arith.constant 0 : i32
        %dma_start3A_80 = tpu.memref_slice %arg2[%dma_start3A_78, %dma_start3A_79] : memref<262144x128xf32, #tpu.memory_space<hbm>> -> memref<262144x128xf32, #tpu.memory_space<hbm>>
        tpu.enqueue_indirect_dma source(%dma_start3A_80 : memref<262144x128xf32, #tpu.memory_space<hbm>>) target(%arg6 : memref<256x128xf32, #tpu.memory_space<vmem>>) offsets(%dma_start3A_77 : memref<256xi32, #tpu.memory_space<vmem>>) semaphore(%arg8 : memref<!tpu.dma_semaphore, #tpu.memory_space<semaphore_mem>>)
      } else {
      }
      %mul3A_62 = arith.constant 256 : i32
      %mul3A_63 = arith.muli %add3A_48, %mul3A_62 : i32
      %add3A_64 = arith.addi %mul3A_2, %mul3A_63 : i32
      %dma_start3A_65 = arith.constant 0 : i32
      %dma_start3A_66 = tpu.memref_slice %arg4[%add3A_64, %dma_start3A_65] : memref<65536x128xf32, #tpu.memory_space<hbm>> -> memref<256x128xf32, #tpu.memory_space<hbm>>
      %dma_start3A_67 = arith.constant 0 : i32
      %dma_start3A_68 = tpu.memref_slice %arg4[%add3A_64, %dma_start3A_67] : memref<65536x128xf32, #tpu.memory_space<hbm>> -> memref<256x128xf32, #tpu.memory_space<hbm>>
      tpu.enqueue_dma source(%arg7 : memref<256x128xf32, #tpu.memory_space<vmem>>) target(%dma_start3A_68 : memref<256x128xf32, #tpu.memory_space<hbm>>) target_semaphore(%arg9 : memref<!tpu.dma_semaphore, #tpu.memory_space<semaphore_mem>>)
    }
    %scan3A_13 = arith.constant 4 : i32
    %add3A_14 = arith.constant 1536 : i32
    %add3A_15 = arith.addi %mul3A_2, %add3A_14 : i32
    %dma_wait3A = arith.constant 0 : i32
    %dma_wait3A_16 = tpu.memref_slice %arg4[%add3A_15, %dma_wait3A] : memref<65536x128xf32, #tpu.memory_space<hbm>> -> memref<256x128xf32, #tpu.memory_space<hbm>>
    %dma_wait3A_17 = arith.constant 0 : i32
    %dma_wait3A_18 = tpu.memref_slice %arg4[%add3A_15, %dma_wait3A_17] : memref<65536x128xf32, #tpu.memory_space<hbm>> -> memref<256x128xf32, #tpu.memory_space<hbm>>
    tpu.wait_dma2 semaphore(%arg9 : memref<!tpu.dma_semaphore, #tpu.memory_space<semaphore_mem>>) src(%arg6 : memref<256x128xf32, #tpu.memory_space<vmem>>) dst(%dma_wait3A_18 : memref<256x128xf32, #tpu.memory_space<hbm>>)
    %add3A_19 = arith.constant 1792 : i32
    %add3A_20 = arith.addi %mul3A_2, %add3A_19 : i32
    %dma_wait3A_21 = arith.constant 0 : i32
    %dma_wait3A_22 = tpu.memref_slice %arg4[%add3A_20, %dma_wait3A_21] : memref<65536x128xf32, #tpu.memory_space<hbm>> -> memref<256x128xf32, #tpu.memory_space<hbm>>
    %dma_wait3A_23 = arith.constant 0 : i32
    %dma_wait3A_24 = tpu.memref_slice %arg4[%add3A_20, %dma_wait3A_23] : memref<65536x128xf32, #tpu.memory_space<hbm>> -> memref<256x128xf32, #tpu.memory_space<hbm>>
    tpu.wait_dma2 semaphore(%arg9 : memref<!tpu.dma_semaphore, #tpu.memory_space<semaphore_mem>>) src(%arg7 : memref<256x128xf32, #tpu.memory_space<vmem>>) dst(%dma_wait3A_24 : memref<256x128xf32, #tpu.memory_space<hbm>>)
    return
  }
}

#map = affine_map<(d0, d1) -> (0, 0)>
#map1 = affine_map<(d0, d1) -> (0)>
module attributes {stable_mosaic.version = 14 : i64} {
  func.func @_gather_kernel(%arg0: i32, %arg1: i32, %arg2: memref<262144x128xf32, #tpu.memory_space<hbm>>, %arg3: memref<262144xi32, #tpu.memory_space<hbm>>, %arg4: memref<65536x128xf32, #tpu.memory_space<hbm>>, %arg5: memref<2048xi32, #tpu.memory_space<vmem>>, %arg6: memref<256x128xf32, #tpu.memory_space<vmem>>, %arg7: memref<256x128xf32, #tpu.memory_space<vmem>>, %arg8: memref<!tpu.dma_semaphore, #tpu.memory_space<semaphore_mem>>, %arg9: memref<!tpu.dma_semaphore, #tpu.memory_space<semaphore_mem>>) attributes {dimension_semantics = [#tpu.dimension_semantics<core_parallel>, #tpu.dimension_semantics<subcore_parallel>], iteration_bounds = array<i64: 2, 16>, scalar_prefetch = 0 : i64, scratch_operands = 5 : i64, tpu.core_type = #tpu.core_type<sc_vector_subcore>, window_params = [{transform_indices = #map}, {transform_indices = #map1}, {transform_indices = #map}]} {
    %mul3A = arith.constant 2 : i32
    %mul3A_0 = arith.muli %arg1, %mul3A : i32
    %add3A = arith.addi %mul3A_0, %arg0 : i32
    %mul3A_1 = arith.constant 2048 : i32
    %mul3A_2 = arith.muli %add3A, %mul3A_1 : i32
    %add3A_3 = arith.constant 0 : i32
    %add3A_4 = arith.addi %add3A_3, %mul3A_2 : i32
    "tpu.region"() ({
      %run_scoped3A = tpu.sem_alloc : memref<!tpu.dma_semaphore, #tpu.memory_space<semaphore_mem>>
      %dma_start3A_25 = tpu.memref_slice %arg3[%add3A_4] : memref<262144xi32, #tpu.memory_space<hbm>> -> memref<2048xi32, #tpu.memory_space<hbm>>
      %dma_start3A_26 = tpu.memref_slice %arg3[%add3A_4] : memref<262144xi32, #tpu.memory_space<hbm>> -> memref<2048xi32, #tpu.memory_space<hbm>>
      tpu.enqueue_dma source(%dma_start3A_26 : memref<2048xi32, #tpu.memory_space<hbm>>) target(%arg5 : memref<2048xi32, #tpu.memory_space<vmem>>) target_semaphore(%run_scoped3A : memref<!tpu.dma_semaphore, #tpu.memory_space<semaphore_mem>>)
      %dma_wait3A_27 = tpu.memref_slice %arg3[%add3A_4] : memref<262144xi32, #tpu.memory_space<hbm>> -> memref<2048xi32, #tpu.memory_space<hbm>>
      %dma_wait3A_28 = tpu.memref_slice %arg3[%add3A_4] : memref<262144xi32, #tpu.memory_space<hbm>> -> memref<2048xi32, #tpu.memory_space<hbm>>
      tpu.wait_dma2 semaphore(%run_scoped3A : memref<!tpu.dma_semaphore, #tpu.memory_space<semaphore_mem>>) src(%dma_wait3A_28 : memref<2048xi32, #tpu.memory_space<hbm>>) dst(%arg5 : memref<2048xi32, #tpu.memory_space<vmem>>)
      tpu.yield
    }) : () -> ()
    %dma_start3A = arith.constant 0 : i32
    %dma_start3A_5 = tpu.memref_slice %arg5[%dma_start3A] : memref<2048xi32, #tpu.memory_space<vmem>> -> memref<256xi32, #tpu.memory_space<vmem>>
    %dma_start3A_6 = arith.constant 0 : i32
    %dma_start3A_7 = arith.constant 0 : i32
    %dma_start3A_8 = tpu.memref_slice %arg2[%dma_start3A_6, %dma_start3A_7] : memref<262144x128xf32, #tpu.memory_space<hbm>> -> memref<262144x128xf32, #tpu.memory_space<hbm>>
    tpu.enqueue_indirect_dma source(%dma_start3A_8 : memref<262144x128xf32, #tpu.memory_space<hbm>>) target(%arg6 : memref<256x128xf32, #tpu.memory_space<vmem>>) offsets(%dma_start3A_5 : memref<256xi32, #tpu.memory_space<vmem>>) semaphore(%arg8 : memref<!tpu.dma_semaphore, #tpu.memory_space<semaphore_mem>>)
    %scan3A = arith.constant 0 : i32
    %scan3A_9 = arith.constant 0 : i32
    %scan3A_10 = arith.constant 4 : i32
    %scan3A_11 = arith.addi %scan3A_9, %scan3A_10 : i32
    %scan3A_12 = arith.constant 1 : i32
    scf.for %scan3A_25 = %scan3A_9 to %scan3A_11 step %scan3A_12  : i32 {
      %mul3A_26 = arith.constant 2 : i32
      %mul3A_27 = arith.muli %scan3A_25, %mul3A_26 : i32
      %mul3A_28 = arith.constant 256 : i32
      %mul3A_29 = arith.muli %mul3A_27, %mul3A_28 : i32
      %dma_wait3A_30 = tpu.memref_slice %arg5[%mul3A_29] : memref<2048xi32, #tpu.memory_space<vmem>> -> memref<256xi32, #tpu.memory_space<vmem>>
      %dma_wait3A_31 = arith.constant 0 : i32
      %dma_wait3A_32 = arith.constant 0 : i32
      %dma_wait3A_33 = tpu.memref_slice %arg2[%dma_wait3A_31, %dma_wait3A_32] : memref<262144x128xf32, #tpu.memory_space<hbm>> -> memref<262144x128xf32, #tpu.memory_space<hbm>>
      tpu.wait_indirect_dma semaphore(%arg8 : memref<!tpu.dma_semaphore, #tpu.memory_space<semaphore_mem>>) src(%dma_wait3A_33 : memref<262144x128xf32, #tpu.memory_space<hbm>>) dst(%arg6 : memref<256x128xf32, #tpu.memory_space<vmem>>)
      %add3A_34 = arith.constant 1 : i32
      %add3A_35 = arith.addi %mul3A_27, %add3A_34 : i32
      %lt3A = arith.constant 8 : i32
      %lt3A_36 = arith.cmpi slt, %add3A_35, %lt3A : i32
      %convert_element_type3A = arith.extui %lt3A_36 : i1 to i32
      %cond3A = arith.constant 0 : i32
      %cond3A_37 = arith.cmpi ne, %convert_element_type3A, %cond3A : i32
      scf.if %cond3A_37 {
        %ge3A = arith.constant 1 : i32
        %ge3A_69 = arith.cmpi sge, %mul3A_27, %ge3A : i32
        %convert_element_type3A_70 = arith.extui %ge3A_69 : i1 to i32
        %cond3A_71 = arith.constant 0 : i32
        %cond3A_72 = arith.cmpi ne, %convert_element_type3A_70, %cond3A_71 : i32
        scf.if %cond3A_72 {
          %sub3A = arith.constant 1 : i32
          %sub3A_81 = arith.subi %mul3A_27, %sub3A : i32
          %mul3A_82 = arith.constant 256 : i32
          %mul3A_83 = arith.muli %sub3A_81, %mul3A_82 : i32
          %add3A_84 = arith.addi %mul3A_2, %mul3A_83 : i32
          %dma_wait3A_85 = arith.constant 0 : i32
          %dma_wait3A_86 = tpu.memref_slice %arg4[%add3A_84, %dma_wait3A_85] : memref<65536x128xf32, #tpu.memory_space<hbm>> -> memref<256x128xf32, #tpu.memory_space<hbm>>
          %dma_wait3A_87 = arith.constant 0 : i32
          %dma_wait3A_88 = tpu.memref_slice %arg4[%add3A_84, %dma_wait3A_87] : memref<65536x128xf32, #tpu.memory_space<hbm>> -> memref<256x128xf32, #tpu.memory_space<hbm>>
          tpu.wait_dma2 semaphore(%arg9 : memref<!tpu.dma_semaphore, #tpu.memory_space<semaphore_mem>>) src(%arg7 : memref<256x128xf32, #tpu.memory_space<vmem>>) dst(%dma_wait3A_88 : memref<256x128xf32, #tpu.memory_space<hbm>>)
        } else {
        }
        %add3A_73 = arith.constant 1 : i32
        %add3A_74 = arith.addi %mul3A_27, %add3A_73 : i32
        %mul3A_75 = arith.constant 256 : i32
        %mul3A_76 = arith.muli %add3A_74, %mul3A_75 : i32
        %dma_start3A_77 = tpu.memref_slice %arg5[%mul3A_76] : memref<2048xi32, #tpu.memory_space<vmem>> -> memref<256xi32, #tpu.memory_space<vmem>>
        %dma_start3A_78 = arith.constant 0 : i32
        %dma_start3A_79 = arith.constant 0 : i32
        %dma_start3A_80 = tpu.memref_slice %arg2[%dma_start3A_78, %dma_start3A_79] : memref<262144x128xf32, #tpu.memory_space<hbm>> -> memref<262144x128xf32, #tpu.memory_space<hbm>>
        tpu.enqueue_indirect_dma source(%dma_start3A_80 : memref<262144x128xf32, #tpu.memory_space<hbm>>) target(%arg7 : memref<256x128xf32, #tpu.memory_space<vmem>>) offsets(%dma_start3A_77 : memref<256xi32, #tpu.memory_space<vmem>>) semaphore(%arg8 : memref<!tpu.dma_semaphore, #tpu.memory_space<semaphore_mem>>)
      } else {
      }
      %mul3A_38 = arith.constant 256 : i32
      %mul3A_39 = arith.muli %mul3A_27, %mul3A_38 : i32
      %add3A_40 = arith.addi %mul3A_2, %mul3A_39 : i32
      %dma_start3A_41 = arith.constant 0 : i32
      %dma_start3A_42 = tpu.memref_slice %arg4[%add3A_40, %dma_start3A_41] : memref<65536x128xf32, #tpu.memory_space<hbm>> -> memref<256x128xf32, #tpu.memory_space<hbm>>
      %dma_start3A_43 = arith.constant 0 : i32
      %dma_start3A_44 = tpu.memref_slice %arg4[%add3A_40, %dma_start3A_43] : memref<65536x128xf32, #tpu.memory_space<hbm>> -> memref<256x128xf32, #tpu.memory_space<hbm>>
      tpu.enqueue_dma source(%arg6 : memref<256x128xf32, #tpu.memory_space<vmem>>) target(%dma_start3A_44 : memref<256x128xf32, #tpu.memory_space<hbm>>) target_semaphore(%arg9 : memref<!tpu.dma_semaphore, #tpu.memory_space<semaphore_mem>>)
      %mul3A_45 = arith.constant 2 : i32
      %mul3A_46 = arith.muli %scan3A_25, %mul3A_45 : i32
      %add3A_47 = arith.constant 1 : i32
      %add3A_48 = arith.addi %mul3A_46, %add3A_47 : i32
      %mul3A_49 = arith.constant 256 : i32
      %mul3A_50 = arith.muli %add3A_48, %mul3A_49 : i32
      %dma_wait3A_51 = tpu.memref_slice %arg5[%mul3A_50] : memref<2048xi32, #tpu.memory_space<vmem>> -> memref<256xi32, #tpu.memory_space<vmem>>
      %dma_wait3A_52 = arith.constant 0 : i32
      %dma_wait3A_53 = arith.constant 0 : i32
      %dma_wait3A_54 = tpu.memref_slice %arg2[%dma_wait3A_52, %dma_wait3A_53] : memref<262144x128xf32, #tpu.memory_space<hbm>> -> memref<262144x128xf32, #tpu.memory_space<hbm>>
      tpu.wait_indirect_dma semaphore(%arg8 : memref<!tpu.dma_semaphore, #tpu.memory_space<semaphore_mem>>) src(%dma_wait3A_54 : memref<262144x128xf32, #tpu.memory_space<hbm>>) dst(%arg7 : memref<256x128xf32, #tpu.memory_space<vmem>>)
      %add3A_55 = arith.constant 1 : i32
      %add3A_56 = arith.addi %add3A_48, %add3A_55 : i32
      %lt3A_57 = arith.constant 8 : i32
      %lt3A_58 = arith.cmpi slt, %add3A_56, %lt3A_57 : i32
      %convert_element_type3A_59 = arith.extui %lt3A_58 : i1 to i32
      %cond3A_60 = arith.constant 0 : i32
      %cond3A_61 = arith.cmpi ne, %convert_element_type3A_59, %cond3A_60 : i32
      scf.if %cond3A_61 {
        %ge3A = arith.constant 1 : i32
        %ge3A_69 = arith.cmpi sge, %add3A_48, %ge3A : i32
        %convert_element_type3A_70 = arith.extui %ge3A_69 : i1 to i32
        %cond3A_71 = arith.constant 0 : i32
        %cond3A_72 = arith.cmpi ne, %convert_element_type3A_70, %cond3A_71 : i32
        scf.if %cond3A_72 {
          %sub3A = arith.constant 1 : i32
          %sub3A_81 = arith.subi %add3A_48, %sub3A : i32
          %mul3A_82 = arith.constant 256 : i32
          %mul3A_83 = arith.muli %sub3A_81, %mul3A_82 : i32
          %add3A_84 = arith.addi %mul3A_2, %mul3A_83 : i32
          %dma_wait3A_85 = arith.constant 0 : i32
          %dma_wait3A_86 = tpu.memref_slice %arg4[%add3A_84, %dma_wait3A_85] : memref<65536x128xf32, #tpu.memory_space<hbm>> -> memref<256x128xf32, #tpu.memory_space<hbm>>
          %dma_wait3A_87 = arith.constant 0 : i32
          %dma_wait3A_88 = tpu.memref_slice %arg4[%add3A_84, %dma_wait3A_87] : memref<65536x128xf32, #tpu.memory_space<hbm>> -> memref<256x128xf32, #tpu.memory_space<hbm>>
          tpu.wait_dma2 semaphore(%arg9 : memref<!tpu.dma_semaphore, #tpu.memory_space<semaphore_mem>>) src(%arg6 : memref<256x128xf32, #tpu.memory_space<vmem>>) dst(%dma_wait3A_88 : memref<256x128xf32, #tpu.memory_space<hbm>>)
        } else {
        }
        %add3A_73 = arith.constant 1 : i32
        %add3A_74 = arith.addi %add3A_48, %add3A_73 : i32
        %mul3A_75 = arith.constant 256 : i32
        %mul3A_76 = arith.muli %add3A_74, %mul3A_75 : i32
        %dma_start3A_77 = tpu.memref_slice %arg5[%mul3A_76] : memref<2048xi32, #tpu.memory_space<vmem>> -> memref<256xi32, #tpu.memory_space<vmem>>
        %dma_start3A_78 = arith.constant 0 : i32
        %dma_start3A_79 = arith.constant 0 : i32
        %dma_start3A_80 = tpu.memref_slice %arg2[%dma_start3A_78, %dma_start3A_79] : memref<262144x128xf32, #tpu.memory_space<hbm>> -> memref<262144x128xf32, #tpu.memory_space<hbm>>
        tpu.enqueue_indirect_dma source(%dma_start3A_80 : memref<262144x128xf32, #tpu.memory_space<hbm>>) target(%arg6 : memref<256x128xf32, #tpu.memory_space<vmem>>) offsets(%dma_start3A_77 : memref<256xi32, #tpu.memory_space<vmem>>) semaphore(%arg8 : memref<!tpu.dma_semaphore, #tpu.memory_space<semaphore_mem>>)
      } else {
      }
      %mul3A_62 = arith.constant 256 : i32
      %mul3A_63 = arith.muli %add3A_48, %mul3A_62 : i32
      %add3A_64 = arith.addi %mul3A_2, %mul3A_63 : i32
      %dma_start3A_65 = arith.constant 0 : i32
      %dma_start3A_66 = tpu.memref_slice %arg4[%add3A_64, %dma_start3A_65] : memref<65536x128xf32, #tpu.memory_space<hbm>> -> memref<256x128xf32, #tpu.memory_space<hbm>>
      %dma_start3A_67 = arith.constant 0 : i32
      %dma_start3A_68 = tpu.memref_slice %arg4[%add3A_64, %dma_start3A_67] : memref<65536x128xf32, #tpu.memory_space<hbm>> -> memref<256x128xf32, #tpu.memory_space<hbm>>
      tpu.enqueue_dma source(%arg7 : memref<256x128xf32, #tpu.memory_space<vmem>>) target(%dma_start3A_68 : memref<256x128xf32, #tpu.memory_space<hbm>>) target_semaphore(%arg9 : memref<!tpu.dma_semaphore, #tpu.memory_space<semaphore_mem>>)
    }
    %scan3A_13 = arith.constant 4 : i32
    %add3A_14 = arith.constant 1536 : i32
    %add3A_15 = arith.addi %mul3A_2, %add3A_14 : i32
    %dma_wait3A = arith.constant 0 : i32
    %dma_wait3A_16 = tpu.memref_slice %arg4[%add3A_15, %dma_wait3A] : memref<65536x128xf32, #tpu.memory_space<hbm>> -> memref<256x128xf32, #tpu.memory_space<hbm>>
    %dma_wait3A_17 = arith.constant 0 : i32
    %dma_wait3A_18 = tpu.memref_slice %arg4[%add3A_15, %dma_wait3A_17] : memref<65536x128xf32, #tpu.memory_space<hbm>> -> memref<256x128xf32, #tpu.memory_space<hbm>>
    tpu.wait_dma2 semaphore(%arg9 : memref<!tpu.dma_semaphore, #tpu.memory_space<semaphore_mem>>) src(%arg6 : memref<256x128xf32, #tpu.memory_space<vmem>>) dst(%dma_wait3A_18 : memref<256x128xf32, #tpu.memory_space<hbm>>)
    %add3A_19 = arith.constant 1792 : i32
    %add3A_20 = arith.addi %mul3A_2, %add3A_19 : i32
    %dma_wait3A_21 = arith.constant 0 : i32
    %dma_wait3A_22 = tpu.memref_slice %arg4[%add3A_20, %dma_wait3A_21] : memref<65536x128xf32, #tpu.memory_space<hbm>> -> memref<256x128xf32, #tpu.memory_space<hbm>>
    %dma_wait3A_23 = arith.constant 0 : i32
    %dma_wait3A_24 = tpu.memref_slice %arg4[%add3A_20, %dma_wait3A_23] : memref<65536x128xf32, #tpu.memory_space<hbm>> -> memref<256x128xf32, #tpu.memory_space<hbm>>
    tpu.wait_dma2 semaphore(%arg9 : memref<!tpu.dma_semaphore, #tpu.memory_space<semaphore_mem>>) src(%arg7 : memref<256x128xf32, #tpu.memory_space<vmem>>) dst(%dma_wait3A_24 : memref<256x128xf32, #tpu.memory_space<hbm>>)
    return
  }
}

#map = affine_map<(d0, d1) -> (0, 0)>
#map1 = affine_map<(d0, d1) -> (0)>
module attributes {stable_mosaic.version = 14 : i64} {
  func.func @_gather_kernel(%arg0: i32, %arg1: i32, %arg2: memref<262144x128xf32, #tpu.memory_space<hbm>>, %arg3: memref<262144xi32, #tpu.memory_space<hbm>>, %arg4: memref<65536x128xf32, #tpu.memory_space<hbm>>, %arg5: memref<2048xi32, #tpu.memory_space<vmem>>, %arg6: memref<256x128xf32, #tpu.memory_space<vmem>>, %arg7: memref<256x128xf32, #tpu.memory_space<vmem>>, %arg8: memref<!tpu.dma_semaphore, #tpu.memory_space<semaphore_mem>>, %arg9: memref<!tpu.dma_semaphore, #tpu.memory_space<semaphore_mem>>) attributes {dimension_semantics = [#tpu.dimension_semantics<core_parallel>, #tpu.dimension_semantics<subcore_parallel>], iteration_bounds = array<i64: 2, 16>, scalar_prefetch = 0 : i64, scratch_operands = 5 : i64, tpu.core_type = #tpu.core_type<sc_vector_subcore>, window_params = [{transform_indices = #map}, {transform_indices = #map1}, {transform_indices = #map}]} {
    %mul3A = arith.constant 2 : i32
    %mul3A_0 = arith.muli %arg1, %mul3A : i32
    %add3A = arith.addi %mul3A_0, %arg0 : i32
    %mul3A_1 = arith.constant 2048 : i32
    %mul3A_2 = arith.muli %add3A, %mul3A_1 : i32
    %add3A_3 = arith.constant 131072 : i32
    %add3A_4 = arith.addi %add3A_3, %mul3A_2 : i32
    "tpu.region"() ({
      %run_scoped3A = tpu.sem_alloc : memref<!tpu.dma_semaphore, #tpu.memory_space<semaphore_mem>>
      %dma_start3A_25 = tpu.memref_slice %arg3[%add3A_4] : memref<262144xi32, #tpu.memory_space<hbm>> -> memref<2048xi32, #tpu.memory_space<hbm>>
      %dma_start3A_26 = tpu.memref_slice %arg3[%add3A_4] : memref<262144xi32, #tpu.memory_space<hbm>> -> memref<2048xi32, #tpu.memory_space<hbm>>
      tpu.enqueue_dma source(%dma_start3A_26 : memref<2048xi32, #tpu.memory_space<hbm>>) target(%arg5 : memref<2048xi32, #tpu.memory_space<vmem>>) target_semaphore(%run_scoped3A : memref<!tpu.dma_semaphore, #tpu.memory_space<semaphore_mem>>)
      %dma_wait3A_27 = tpu.memref_slice %arg3[%add3A_4] : memref<262144xi32, #tpu.memory_space<hbm>> -> memref<2048xi32, #tpu.memory_space<hbm>>
      %dma_wait3A_28 = tpu.memref_slice %arg3[%add3A_4] : memref<262144xi32, #tpu.memory_space<hbm>> -> memref<2048xi32, #tpu.memory_space<hbm>>
      tpu.wait_dma2 semaphore(%run_scoped3A : memref<!tpu.dma_semaphore, #tpu.memory_space<semaphore_mem>>) src(%dma_wait3A_28 : memref<2048xi32, #tpu.memory_space<hbm>>) dst(%arg5 : memref<2048xi32, #tpu.memory_space<vmem>>)
      tpu.yield
    }) : () -> ()
    %dma_start3A = arith.constant 0 : i32
    %dma_start3A_5 = tpu.memref_slice %arg5[%dma_start3A] : memref<2048xi32, #tpu.memory_space<vmem>> -> memref<256xi32, #tpu.memory_space<vmem>>
    %dma_start3A_6 = arith.constant 0 : i32
    %dma_start3A_7 = arith.constant 0 : i32
    %dma_start3A_8 = tpu.memref_slice %arg2[%dma_start3A_6, %dma_start3A_7] : memref<262144x128xf32, #tpu.memory_space<hbm>> -> memref<262144x128xf32, #tpu.memory_space<hbm>>
    tpu.enqueue_indirect_dma source(%dma_start3A_8 : memref<262144x128xf32, #tpu.memory_space<hbm>>) target(%arg6 : memref<256x128xf32, #tpu.memory_space<vmem>>) offsets(%dma_start3A_5 : memref<256xi32, #tpu.memory_space<vmem>>) semaphore(%arg8 : memref<!tpu.dma_semaphore, #tpu.memory_space<semaphore_mem>>)
    %scan3A = arith.constant 0 : i32
    %scan3A_9 = arith.constant 0 : i32
    %scan3A_10 = arith.constant 4 : i32
    %scan3A_11 = arith.addi %scan3A_9, %scan3A_10 : i32
    %scan3A_12 = arith.constant 1 : i32
    scf.for %scan3A_25 = %scan3A_9 to %scan3A_11 step %scan3A_12  : i32 {
      %mul3A_26 = arith.constant 2 : i32
      %mul3A_27 = arith.muli %scan3A_25, %mul3A_26 : i32
      %mul3A_28 = arith.constant 256 : i32
      %mul3A_29 = arith.muli %mul3A_27, %mul3A_28 : i32
      %dma_wait3A_30 = tpu.memref_slice %arg5[%mul3A_29] : memref<2048xi32, #tpu.memory_space<vmem>> -> memref<256xi32, #tpu.memory_space<vmem>>
      %dma_wait3A_31 = arith.constant 0 : i32
      %dma_wait3A_32 = arith.constant 0 : i32
      %dma_wait3A_33 = tpu.memref_slice %arg2[%dma_wait3A_31, %dma_wait3A_32] : memref<262144x128xf32, #tpu.memory_space<hbm>> -> memref<262144x128xf32, #tpu.memory_space<hbm>>
      tpu.wait_indirect_dma semaphore(%arg8 : memref<!tpu.dma_semaphore, #tpu.memory_space<semaphore_mem>>) src(%dma_wait3A_33 : memref<262144x128xf32, #tpu.memory_space<hbm>>) dst(%arg6 : memref<256x128xf32, #tpu.memory_space<vmem>>)
      %add3A_34 = arith.constant 1 : i32
      %add3A_35 = arith.addi %mul3A_27, %add3A_34 : i32
      %lt3A = arith.constant 8 : i32
      %lt3A_36 = arith.cmpi slt, %add3A_35, %lt3A : i32
      %convert_element_type3A = arith.extui %lt3A_36 : i1 to i32
      %cond3A = arith.constant 0 : i32
      %cond3A_37 = arith.cmpi ne, %convert_element_type3A, %cond3A : i32
      scf.if %cond3A_37 {
        %ge3A = arith.constant 1 : i32
        %ge3A_69 = arith.cmpi sge, %mul3A_27, %ge3A : i32
        %convert_element_type3A_70 = arith.extui %ge3A_69 : i1 to i32
        %cond3A_71 = arith.constant 0 : i32
        %cond3A_72 = arith.cmpi ne, %convert_element_type3A_70, %cond3A_71 : i32
        scf.if %cond3A_72 {
          %sub3A = arith.constant 1 : i32
          %sub3A_81 = arith.subi %mul3A_27, %sub3A : i32
          %mul3A_82 = arith.constant 256 : i32
          %mul3A_83 = arith.muli %sub3A_81, %mul3A_82 : i32
          %add3A_84 = arith.addi %mul3A_2, %mul3A_83 : i32
          %dma_wait3A_85 = arith.constant 0 : i32
          %dma_wait3A_86 = tpu.memref_slice %arg4[%add3A_84, %dma_wait3A_85] : memref<65536x128xf32, #tpu.memory_space<hbm>> -> memref<256x128xf32, #tpu.memory_space<hbm>>
          %dma_wait3A_87 = arith.constant 0 : i32
          %dma_wait3A_88 = tpu.memref_slice %arg4[%add3A_84, %dma_wait3A_87] : memref<65536x128xf32, #tpu.memory_space<hbm>> -> memref<256x128xf32, #tpu.memory_space<hbm>>
          tpu.wait_dma2 semaphore(%arg9 : memref<!tpu.dma_semaphore, #tpu.memory_space<semaphore_mem>>) src(%arg7 : memref<256x128xf32, #tpu.memory_space<vmem>>) dst(%dma_wait3A_88 : memref<256x128xf32, #tpu.memory_space<hbm>>)
        } else {
        }
        %add3A_73 = arith.constant 1 : i32
        %add3A_74 = arith.addi %mul3A_27, %add3A_73 : i32
        %mul3A_75 = arith.constant 256 : i32
        %mul3A_76 = arith.muli %add3A_74, %mul3A_75 : i32
        %dma_start3A_77 = tpu.memref_slice %arg5[%mul3A_76] : memref<2048xi32, #tpu.memory_space<vmem>> -> memref<256xi32, #tpu.memory_space<vmem>>
        %dma_start3A_78 = arith.constant 0 : i32
        %dma_start3A_79 = arith.constant 0 : i32
        %dma_start3A_80 = tpu.memref_slice %arg2[%dma_start3A_78, %dma_start3A_79] : memref<262144x128xf32, #tpu.memory_space<hbm>> -> memref<262144x128xf32, #tpu.memory_space<hbm>>
        tpu.enqueue_indirect_dma source(%dma_start3A_80 : memref<262144x128xf32, #tpu.memory_space<hbm>>) target(%arg7 : memref<256x128xf32, #tpu.memory_space<vmem>>) offsets(%dma_start3A_77 : memref<256xi32, #tpu.memory_space<vmem>>) semaphore(%arg8 : memref<!tpu.dma_semaphore, #tpu.memory_space<semaphore_mem>>)
      } else {
      }
      %mul3A_38 = arith.constant 256 : i32
      %mul3A_39 = arith.muli %mul3A_27, %mul3A_38 : i32
      %add3A_40 = arith.addi %mul3A_2, %mul3A_39 : i32
      %dma_start3A_41 = arith.constant 0 : i32
      %dma_start3A_42 = tpu.memref_slice %arg4[%add3A_40, %dma_start3A_41] : memref<65536x128xf32, #tpu.memory_space<hbm>> -> memref<256x128xf32, #tpu.memory_space<hbm>>
      %dma_start3A_43 = arith.constant 0 : i32
      %dma_start3A_44 = tpu.memref_slice %arg4[%add3A_40, %dma_start3A_43] : memref<65536x128xf32, #tpu.memory_space<hbm>> -> memref<256x128xf32, #tpu.memory_space<hbm>>
      tpu.enqueue_dma source(%arg6 : memref<256x128xf32, #tpu.memory_space<vmem>>) target(%dma_start3A_44 : memref<256x128xf32, #tpu.memory_space<hbm>>) target_semaphore(%arg9 : memref<!tpu.dma_semaphore, #tpu.memory_space<semaphore_mem>>)
      %mul3A_45 = arith.constant 2 : i32
      %mul3A_46 = arith.muli %scan3A_25, %mul3A_45 : i32
      %add3A_47 = arith.constant 1 : i32
      %add3A_48 = arith.addi %mul3A_46, %add3A_47 : i32
      %mul3A_49 = arith.constant 256 : i32
      %mul3A_50 = arith.muli %add3A_48, %mul3A_49 : i32
      %dma_wait3A_51 = tpu.memref_slice %arg5[%mul3A_50] : memref<2048xi32, #tpu.memory_space<vmem>> -> memref<256xi32, #tpu.memory_space<vmem>>
      %dma_wait3A_52 = arith.constant 0 : i32
      %dma_wait3A_53 = arith.constant 0 : i32
      %dma_wait3A_54 = tpu.memref_slice %arg2[%dma_wait3A_52, %dma_wait3A_53] : memref<262144x128xf32, #tpu.memory_space<hbm>> -> memref<262144x128xf32, #tpu.memory_space<hbm>>
      tpu.wait_indirect_dma semaphore(%arg8 : memref<!tpu.dma_semaphore, #tpu.memory_space<semaphore_mem>>) src(%dma_wait3A_54 : memref<262144x128xf32, #tpu.memory_space<hbm>>) dst(%arg7 : memref<256x128xf32, #tpu.memory_space<vmem>>)
      %add3A_55 = arith.constant 1 : i32
      %add3A_56 = arith.addi %add3A_48, %add3A_55 : i32
      %lt3A_57 = arith.constant 8 : i32
      %lt3A_58 = arith.cmpi slt, %add3A_56, %lt3A_57 : i32
      %convert_element_type3A_59 = arith.extui %lt3A_58 : i1 to i32
      %cond3A_60 = arith.constant 0 : i32
      %cond3A_61 = arith.cmpi ne, %convert_element_type3A_59, %cond3A_60 : i32
      scf.if %cond3A_61 {
        %ge3A = arith.constant 1 : i32
        %ge3A_69 = arith.cmpi sge, %add3A_48, %ge3A : i32
        %convert_element_type3A_70 = arith.extui %ge3A_69 : i1 to i32
        %cond3A_71 = arith.constant 0 : i32
        %cond3A_72 = arith.cmpi ne, %convert_element_type3A_70, %cond3A_71 : i32
        scf.if %cond3A_72 {
          %sub3A = arith.constant 1 : i32
          %sub3A_81 = arith.subi %add3A_48, %sub3A : i32
          %mul3A_82 = arith.constant 256 : i32
          %mul3A_83 = arith.muli %sub3A_81, %mul3A_82 : i32
          %add3A_84 = arith.addi %mul3A_2, %mul3A_83 : i32
          %dma_wait3A_85 = arith.constant 0 : i32
          %dma_wait3A_86 = tpu.memref_slice %arg4[%add3A_84, %dma_wait3A_85] : memref<65536x128xf32, #tpu.memory_space<hbm>> -> memref<256x128xf32, #tpu.memory_space<hbm>>
          %dma_wait3A_87 = arith.constant 0 : i32
          %dma_wait3A_88 = tpu.memref_slice %arg4[%add3A_84, %dma_wait3A_87] : memref<65536x128xf32, #tpu.memory_space<hbm>> -> memref<256x128xf32, #tpu.memory_space<hbm>>
          tpu.wait_dma2 semaphore(%arg9 : memref<!tpu.dma_semaphore, #tpu.memory_space<semaphore_mem>>) src(%arg6 : memref<256x128xf32, #tpu.memory_space<vmem>>) dst(%dma_wait3A_88 : memref<256x128xf32, #tpu.memory_space<hbm>>)
        } else {
        }
        %add3A_73 = arith.constant 1 : i32
        %add3A_74 = arith.addi %add3A_48, %add3A_73 : i32
        %mul3A_75 = arith.constant 256 : i32
        %mul3A_76 = arith.muli %add3A_74, %mul3A_75 : i32
        %dma_start3A_77 = tpu.memref_slice %arg5[%mul3A_76] : memref<2048xi32, #tpu.memory_space<vmem>> -> memref<256xi32, #tpu.memory_space<vmem>>
        %dma_start3A_78 = arith.constant 0 : i32
        %dma_start3A_79 = arith.constant 0 : i32
        %dma_start3A_80 = tpu.memref_slice %arg2[%dma_start3A_78, %dma_start3A_79] : memref<262144x128xf32, #tpu.memory_space<hbm>> -> memref<262144x128xf32, #tpu.memory_space<hbm>>
        tpu.enqueue_indirect_dma source(%dma_start3A_80 : memref<262144x128xf32, #tpu.memory_space<hbm>>) target(%arg6 : memref<256x128xf32, #tpu.memory_space<vmem>>) offsets(%dma_start3A_77 : memref<256xi32, #tpu.memory_space<vmem>>) semaphore(%arg8 : memref<!tpu.dma_semaphore, #tpu.memory_space<semaphore_mem>>)
      } else {
      }
      %mul3A_62 = arith.constant 256 : i32
      %mul3A_63 = arith.muli %add3A_48, %mul3A_62 : i32
      %add3A_64 = arith.addi %mul3A_2, %mul3A_63 : i32
      %dma_start3A_65 = arith.constant 0 : i32
      %dma_start3A_66 = tpu.memref_slice %arg4[%add3A_64, %dma_start3A_65] : memref<65536x128xf32, #tpu.memory_space<hbm>> -> memref<256x128xf32, #tpu.memory_space<hbm>>
      %dma_start3A_67 = arith.constant 0 : i32
      %dma_start3A_68 = tpu.memref_slice %arg4[%add3A_64, %dma_start3A_67] : memref<65536x128xf32, #tpu.memory_space<hbm>> -> memref<256x128xf32, #tpu.memory_space<hbm>>
      tpu.enqueue_dma source(%arg7 : memref<256x128xf32, #tpu.memory_space<vmem>>) target(%dma_start3A_68 : memref<256x128xf32, #tpu.memory_space<hbm>>) target_semaphore(%arg9 : memref<!tpu.dma_semaphore, #tpu.memory_space<semaphore_mem>>)
    }
    %scan3A_13 = arith.constant 4 : i32
    %add3A_14 = arith.constant 1536 : i32
    %add3A_15 = arith.addi %mul3A_2, %add3A_14 : i32
    %dma_wait3A = arith.constant 0 : i32
    %dma_wait3A_16 = tpu.memref_slice %arg4[%add3A_15, %dma_wait3A] : memref<65536x128xf32, #tpu.memory_space<hbm>> -> memref<256x128xf32, #tpu.memory_space<hbm>>
    %dma_wait3A_17 = arith.constant 0 : i32
    %dma_wait3A_18 = tpu.memref_slice %arg4[%add3A_15, %dma_wait3A_17] : memref<65536x128xf32, #tpu.memory_space<hbm>> -> memref<256x128xf32, #tpu.memory_space<hbm>>
    tpu.wait_dma2 semaphore(%arg9 : memref<!tpu.dma_semaphore, #tpu.memory_space<semaphore_mem>>) src(%arg6 : memref<256x128xf32, #tpu.memory_space<vmem>>) dst(%dma_wait3A_18 : memref<256x128xf32, #tpu.memory_space<hbm>>)
    %add3A_19 = arith.constant 1792 : i32
    %add3A_20 = arith.addi %mul3A_2, %add3A_19 : i32
    %dma_wait3A_21 = arith.constant 0 : i32
    %dma_wait3A_22 = tpu.memref_slice %arg4[%add3A_20, %dma_wait3A_21] : memref<65536x128xf32, #tpu.memory_space<hbm>> -> memref<256x128xf32, #tpu.memory_space<hbm>>
    %dma_wait3A_23 = arith.constant 0 : i32
    %dma_wait3A_24 = tpu.memref_slice %arg4[%add3A_20, %dma_wait3A_23] : memref<65536x128xf32, #tpu.memory_space<hbm>> -> memref<256x128xf32, #tpu.memory_space<hbm>>
    tpu.wait_dma2 semaphore(%arg9 : memref<!tpu.dma_semaphore, #tpu.memory_space<semaphore_mem>>) src(%arg7 : memref<256x128xf32, #tpu.memory_space<vmem>>) dst(%dma_wait3A_24 : memref<256x128xf32, #tpu.memory_space<hbm>>)
    return
  }
}

#map = affine_map<(d0, d1) -> (0, 0)>
#map1 = affine_map<(d0, d1) -> (0)>
module attributes {stable_mosaic.version = 14 : i64} {
  func.func @_gather_kernel(%arg0: i32, %arg1: i32, %arg2: memref<262144x128xf32, #tpu.memory_space<hbm>>, %arg3: memref<262144xi32, #tpu.memory_space<hbm>>, %arg4: memref<65536x128xf32, #tpu.memory_space<hbm>>, %arg5: memref<2048xi32, #tpu.memory_space<vmem>>, %arg6: memref<256x128xf32, #tpu.memory_space<vmem>>, %arg7: memref<256x128xf32, #tpu.memory_space<vmem>>, %arg8: memref<!tpu.dma_semaphore, #tpu.memory_space<semaphore_mem>>, %arg9: memref<!tpu.dma_semaphore, #tpu.memory_space<semaphore_mem>>) attributes {dimension_semantics = [#tpu.dimension_semantics<core_parallel>, #tpu.dimension_semantics<subcore_parallel>], iteration_bounds = array<i64: 2, 16>, scalar_prefetch = 0 : i64, scratch_operands = 5 : i64, tpu.core_type = #tpu.core_type<sc_vector_subcore>, window_params = [{transform_indices = #map}, {transform_indices = #map1}, {transform_indices = #map}]} {
    %mul3A = arith.constant 2 : i32
    %mul3A_0 = arith.muli %arg1, %mul3A : i32
    %add3A = arith.addi %mul3A_0, %arg0 : i32
    %mul3A_1 = arith.constant 2048 : i32
    %mul3A_2 = arith.muli %add3A, %mul3A_1 : i32
    %add3A_3 = arith.constant 196608 : i32
    %add3A_4 = arith.addi %add3A_3, %mul3A_2 : i32
    "tpu.region"() ({
      %run_scoped3A = tpu.sem_alloc : memref<!tpu.dma_semaphore, #tpu.memory_space<semaphore_mem>>
      %dma_start3A_25 = tpu.memref_slice %arg3[%add3A_4] : memref<262144xi32, #tpu.memory_space<hbm>> -> memref<2048xi32, #tpu.memory_space<hbm>>
      %dma_start3A_26 = tpu.memref_slice %arg3[%add3A_4] : memref<262144xi32, #tpu.memory_space<hbm>> -> memref<2048xi32, #tpu.memory_space<hbm>>
      tpu.enqueue_dma source(%dma_start3A_26 : memref<2048xi32, #tpu.memory_space<hbm>>) target(%arg5 : memref<2048xi32, #tpu.memory_space<vmem>>) target_semaphore(%run_scoped3A : memref<!tpu.dma_semaphore, #tpu.memory_space<semaphore_mem>>)
      %dma_wait3A_27 = tpu.memref_slice %arg3[%add3A_4] : memref<262144xi32, #tpu.memory_space<hbm>> -> memref<2048xi32, #tpu.memory_space<hbm>>
      %dma_wait3A_28 = tpu.memref_slice %arg3[%add3A_4] : memref<262144xi32, #tpu.memory_space<hbm>> -> memref<2048xi32, #tpu.memory_space<hbm>>
      tpu.wait_dma2 semaphore(%run_scoped3A : memref<!tpu.dma_semaphore, #tpu.memory_space<semaphore_mem>>) src(%dma_wait3A_28 : memref<2048xi32, #tpu.memory_space<hbm>>) dst(%arg5 : memref<2048xi32, #tpu.memory_space<vmem>>)
      tpu.yield
    }) : () -> ()
    %dma_start3A = arith.constant 0 : i32
    %dma_start3A_5 = tpu.memref_slice %arg5[%dma_start3A] : memref<2048xi32, #tpu.memory_space<vmem>> -> memref<256xi32, #tpu.memory_space<vmem>>
    %dma_start3A_6 = arith.constant 0 : i32
    %dma_start3A_7 = arith.constant 0 : i32
    %dma_start3A_8 = tpu.memref_slice %arg2[%dma_start3A_6, %dma_start3A_7] : memref<262144x128xf32, #tpu.memory_space<hbm>> -> memref<262144x128xf32, #tpu.memory_space<hbm>>
    tpu.enqueue_indirect_dma source(%dma_start3A_8 : memref<262144x128xf32, #tpu.memory_space<hbm>>) target(%arg6 : memref<256x128xf32, #tpu.memory_space<vmem>>) offsets(%dma_start3A_5 : memref<256xi32, #tpu.memory_space<vmem>>) semaphore(%arg8 : memref<!tpu.dma_semaphore, #tpu.memory_space<semaphore_mem>>)
    %scan3A = arith.constant 0 : i32
    %scan3A_9 = arith.constant 0 : i32
    %scan3A_10 = arith.constant 4 : i32
    %scan3A_11 = arith.addi %scan3A_9, %scan3A_10 : i32
    %scan3A_12 = arith.constant 1 : i32
    scf.for %scan3A_25 = %scan3A_9 to %scan3A_11 step %scan3A_12  : i32 {
      %mul3A_26 = arith.constant 2 : i32
      %mul3A_27 = arith.muli %scan3A_25, %mul3A_26 : i32
      %mul3A_28 = arith.constant 256 : i32
      %mul3A_29 = arith.muli %mul3A_27, %mul3A_28 : i32
      %dma_wait3A_30 = tpu.memref_slice %arg5[%mul3A_29] : memref<2048xi32, #tpu.memory_space<vmem>> -> memref<256xi32, #tpu.memory_space<vmem>>
      %dma_wait3A_31 = arith.constant 0 : i32
      %dma_wait3A_32 = arith.constant 0 : i32
      %dma_wait3A_33 = tpu.memref_slice %arg2[%dma_wait3A_31, %dma_wait3A_32] : memref<262144x128xf32, #tpu.memory_space<hbm>> -> memref<262144x128xf32, #tpu.memory_space<hbm>>
      tpu.wait_indirect_dma semaphore(%arg8 : memref<!tpu.dma_semaphore, #tpu.memory_space<semaphore_mem>>) src(%dma_wait3A_33 : memref<262144x128xf32, #tpu.memory_space<hbm>>) dst(%arg6 : memref<256x128xf32, #tpu.memory_space<vmem>>)
      %add3A_34 = arith.constant 1 : i32
      %add3A_35 = arith.addi %mul3A_27, %add3A_34 : i32
      %lt3A = arith.constant 8 : i32
      %lt3A_36 = arith.cmpi slt, %add3A_35, %lt3A : i32
      %convert_element_type3A = arith.extui %lt3A_36 : i1 to i32
      %cond3A = arith.constant 0 : i32
      %cond3A_37 = arith.cmpi ne, %convert_element_type3A, %cond3A : i32
      scf.if %cond3A_37 {
        %ge3A = arith.constant 1 : i32
        %ge3A_69 = arith.cmpi sge, %mul3A_27, %ge3A : i32
        %convert_element_type3A_70 = arith.extui %ge3A_69 : i1 to i32
        %cond3A_71 = arith.constant 0 : i32
        %cond3A_72 = arith.cmpi ne, %convert_element_type3A_70, %cond3A_71 : i32
        scf.if %cond3A_72 {
          %sub3A = arith.constant 1 : i32
          %sub3A_81 = arith.subi %mul3A_27, %sub3A : i32
          %mul3A_82 = arith.constant 256 : i32
          %mul3A_83 = arith.muli %sub3A_81, %mul3A_82 : i32
          %add3A_84 = arith.addi %mul3A_2, %mul3A_83 : i32
          %dma_wait3A_85 = arith.constant 0 : i32
          %dma_wait3A_86 = tpu.memref_slice %arg4[%add3A_84, %dma_wait3A_85] : memref<65536x128xf32, #tpu.memory_space<hbm>> -> memref<256x128xf32, #tpu.memory_space<hbm>>
          %dma_wait3A_87 = arith.constant 0 : i32
          %dma_wait3A_88 = tpu.memref_slice %arg4[%add3A_84, %dma_wait3A_87] : memref<65536x128xf32, #tpu.memory_space<hbm>> -> memref<256x128xf32, #tpu.memory_space<hbm>>
          tpu.wait_dma2 semaphore(%arg9 : memref<!tpu.dma_semaphore, #tpu.memory_space<semaphore_mem>>) src(%arg7 : memref<256x128xf32, #tpu.memory_space<vmem>>) dst(%dma_wait3A_88 : memref<256x128xf32, #tpu.memory_space<hbm>>)
        } else {
        }
        %add3A_73 = arith.constant 1 : i32
        %add3A_74 = arith.addi %mul3A_27, %add3A_73 : i32
        %mul3A_75 = arith.constant 256 : i32
        %mul3A_76 = arith.muli %add3A_74, %mul3A_75 : i32
        %dma_start3A_77 = tpu.memref_slice %arg5[%mul3A_76] : memref<2048xi32, #tpu.memory_space<vmem>> -> memref<256xi32, #tpu.memory_space<vmem>>
        %dma_start3A_78 = arith.constant 0 : i32
        %dma_start3A_79 = arith.constant 0 : i32
        %dma_start3A_80 = tpu.memref_slice %arg2[%dma_start3A_78, %dma_start3A_79] : memref<262144x128xf32, #tpu.memory_space<hbm>> -> memref<262144x128xf32, #tpu.memory_space<hbm>>
        tpu.enqueue_indirect_dma source(%dma_start3A_80 : memref<262144x128xf32, #tpu.memory_space<hbm>>) target(%arg7 : memref<256x128xf32, #tpu.memory_space<vmem>>) offsets(%dma_start3A_77 : memref<256xi32, #tpu.memory_space<vmem>>) semaphore(%arg8 : memref<!tpu.dma_semaphore, #tpu.memory_space<semaphore_mem>>)
      } else {
      }
      %mul3A_38 = arith.constant 256 : i32
      %mul3A_39 = arith.muli %mul3A_27, %mul3A_38 : i32
      %add3A_40 = arith.addi %mul3A_2, %mul3A_39 : i32
      %dma_start3A_41 = arith.constant 0 : i32
      %dma_start3A_42 = tpu.memref_slice %arg4[%add3A_40, %dma_start3A_41] : memref<65536x128xf32, #tpu.memory_space<hbm>> -> memref<256x128xf32, #tpu.memory_space<hbm>>
      %dma_start3A_43 = arith.constant 0 : i32
      %dma_start3A_44 = tpu.memref_slice %arg4[%add3A_40, %dma_start3A_43] : memref<65536x128xf32, #tpu.memory_space<hbm>> -> memref<256x128xf32, #tpu.memory_space<hbm>>
      tpu.enqueue_dma source(%arg6 : memref<256x128xf32, #tpu.memory_space<vmem>>) target(%dma_start3A_44 : memref<256x128xf32, #tpu.memory_space<hbm>>) target_semaphore(%arg9 : memref<!tpu.dma_semaphore, #tpu.memory_space<semaphore_mem>>)
      %mul3A_45 = arith.constant 2 : i32
      %mul3A_46 = arith.muli %scan3A_25, %mul3A_45 : i32
      %add3A_47 = arith.constant 1 : i32
      %add3A_48 = arith.addi %mul3A_46, %add3A_47 : i32
      %mul3A_49 = arith.constant 256 : i32
      %mul3A_50 = arith.muli %add3A_48, %mul3A_49 : i32
      %dma_wait3A_51 = tpu.memref_slice %arg5[%mul3A_50] : memref<2048xi32, #tpu.memory_space<vmem>> -> memref<256xi32, #tpu.memory_space<vmem>>
      %dma_wait3A_52 = arith.constant 0 : i32
      %dma_wait3A_53 = arith.constant 0 : i32
      %dma_wait3A_54 = tpu.memref_slice %arg2[%dma_wait3A_52, %dma_wait3A_53] : memref<262144x128xf32, #tpu.memory_space<hbm>> -> memref<262144x128xf32, #tpu.memory_space<hbm>>
      tpu.wait_indirect_dma semaphore(%arg8 : memref<!tpu.dma_semaphore, #tpu.memory_space<semaphore_mem>>) src(%dma_wait3A_54 : memref<262144x128xf32, #tpu.memory_space<hbm>>) dst(%arg7 : memref<256x128xf32, #tpu.memory_space<vmem>>)
      %add3A_55 = arith.constant 1 : i32
      %add3A_56 = arith.addi %add3A_48, %add3A_55 : i32
      %lt3A_57 = arith.constant 8 : i32
      %lt3A_58 = arith.cmpi slt, %add3A_56, %lt3A_57 : i32
      %convert_element_type3A_59 = arith.extui %lt3A_58 : i1 to i32
      %cond3A_60 = arith.constant 0 : i32
      %cond3A_61 = arith.cmpi ne, %convert_element_type3A_59, %cond3A_60 : i32
      scf.if %cond3A_61 {
        %ge3A = arith.constant 1 : i32
        %ge3A_69 = arith.cmpi sge, %add3A_48, %ge3A : i32
        %convert_element_type3A_70 = arith.extui %ge3A_69 : i1 to i32
        %cond3A_71 = arith.constant 0 : i32
        %cond3A_72 = arith.cmpi ne, %convert_element_type3A_70, %cond3A_71 : i32
        scf.if %cond3A_72 {
          %sub3A = arith.constant 1 : i32
          %sub3A_81 = arith.subi %add3A_48, %sub3A : i32
          %mul3A_82 = arith.constant 256 : i32
          %mul3A_83 = arith.muli %sub3A_81, %mul3A_82 : i32
          %add3A_84 = arith.addi %mul3A_2, %mul3A_83 : i32
          %dma_wait3A_85 = arith.constant 0 : i32
          %dma_wait3A_86 = tpu.memref_slice %arg4[%add3A_84, %dma_wait3A_85] : memref<65536x128xf32, #tpu.memory_space<hbm>> -> memref<256x128xf32, #tpu.memory_space<hbm>>
          %dma_wait3A_87 = arith.constant 0 : i32
          %dma_wait3A_88 = tpu.memref_slice %arg4[%add3A_84, %dma_wait3A_87] : memref<65536x128xf32, #tpu.memory_space<hbm>> -> memref<256x128xf32, #tpu.memory_space<hbm>>
          tpu.wait_dma2 semaphore(%arg9 : memref<!tpu.dma_semaphore, #tpu.memory_space<semaphore_mem>>) src(%arg6 : memref<256x128xf32, #tpu.memory_space<vmem>>) dst(%dma_wait3A_88 : memref<256x128xf32, #tpu.memory_space<hbm>>)
        } else {
        }
        %add3A_73 = arith.constant 1 : i32
        %add3A_74 = arith.addi %add3A_48, %add3A_73 : i32
        %mul3A_75 = arith.constant 256 : i32
        %mul3A_76 = arith.muli %add3A_74, %mul3A_75 : i32
        %dma_start3A_77 = tpu.memref_slice %arg5[%mul3A_76] : memref<2048xi32, #tpu.memory_space<vmem>> -> memref<256xi32, #tpu.memory_space<vmem>>
        %dma_start3A_78 = arith.constant 0 : i32
        %dma_start3A_79 = arith.constant 0 : i32
        %dma_start3A_80 = tpu.memref_slice %arg2[%dma_start3A_78, %dma_start3A_79] : memref<262144x128xf32, #tpu.memory_space<hbm>> -> memref<262144x128xf32, #tpu.memory_space<hbm>>
        tpu.enqueue_indirect_dma source(%dma_start3A_80 : memref<262144x128xf32, #tpu.memory_space<hbm>>) target(%arg6 : memref<256x128xf32, #tpu.memory_space<vmem>>) offsets(%dma_start3A_77 : memref<256xi32, #tpu.memory_space<vmem>>) semaphore(%arg8 : memref<!tpu.dma_semaphore, #tpu.memory_space<semaphore_mem>>)
      } else {
      }
      %mul3A_62 = arith.constant 256 : i32
      %mul3A_63 = arith.muli %add3A_48, %mul3A_62 : i32
      %add3A_64 = arith.addi %mul3A_2, %mul3A_63 : i32
      %dma_start3A_65 = arith.constant 0 : i32
      %dma_start3A_66 = tpu.memref_slice %arg4[%add3A_64, %dma_start3A_65] : memref<65536x128xf32, #tpu.memory_space<hbm>> -> memref<256x128xf32, #tpu.memory_space<hbm>>
      %dma_start3A_67 = arith.constant 0 : i32
      %dma_start3A_68 = tpu.memref_slice %arg4[%add3A_64, %dma_start3A_67] : memref<65536x128xf32, #tpu.memory_space<hbm>> -> memref<256x128xf32, #tpu.memory_space<hbm>>
      tpu.enqueue_dma source(%arg7 : memref<256x128xf32, #tpu.memory_space<vmem>>) target(%dma_start3A_68 : memref<256x128xf32, #tpu.memory_space<hbm>>) target_semaphore(%arg9 : memref<!tpu.dma_semaphore, #tpu.memory_space<semaphore_mem>>)
    }
    %scan3A_13 = arith.constant 4 : i32
    %add3A_14 = arith.constant 1536 : i32
    %add3A_15 = arith.addi %mul3A_2, %add3A_14 : i32
    %dma_wait3A = arith.constant 0 : i32
    %dma_wait3A_16 = tpu.memref_slice %arg4[%add3A_15, %dma_wait3A] : memref<65536x128xf32, #tpu.memory_space<hbm>> -> memref<256x128xf32, #tpu.memory_space<hbm>>
    %dma_wait3A_17 = arith.constant 0 : i32
    %dma_wait3A_18 = tpu.memref_slice %arg4[%add3A_15, %dma_wait3A_17] : memref<65536x128xf32, #tpu.memory_space<hbm>> -> memref<256x128xf32, #tpu.memory_space<hbm>>
    tpu.wait_dma2 semaphore(%arg9 : memref<!tpu.dma_semaphore, #tpu.memory_space<semaphore_mem>>) src(%arg6 : memref<256x128xf32, #tpu.memory_space<vmem>>) dst(%dma_wait3A_18 : memref<256x128xf32, #tpu.memory_space<hbm>>)
    %add3A_19 = arith.constant 1792 : i32
    %add3A_20 = arith.addi %mul3A_2, %add3A_19 : i32
    %dma_wait3A_21 = arith.constant 0 : i32
    %dma_wait3A_22 = tpu.memref_slice %arg4[%add3A_20, %dma_wait3A_21] : memref<65536x128xf32, #tpu.memory_space<hbm>> -> memref<256x128xf32, #tpu.memory_space<hbm>>
    %dma_wait3A_23 = arith.constant 0 : i32
    %dma_wait3A_24 = tpu.memref_slice %arg4[%add3A_20, %dma_wait3A_23] : memref<65536x128xf32, #tpu.memory_space<hbm>> -> memref<256x128xf32, #tpu.memory_space<hbm>>
    tpu.wait_dma2 semaphore(%arg9 : memref<!tpu.dma_semaphore, #tpu.memory_space<semaphore_mem>>) src(%arg7 : memref<256x128xf32, #tpu.memory_space<vmem>>) dst(%dma_wait3A_24 : memref<256x128xf32, #tpu.memory_space<hbm>>)
    return
  }
}

module attributes {stable_mosaic.version = 14 : i64} {
  func.func @_t1_body(%arg0: i32, %arg1: memref<128x16384xf32, #tpu.memory_space<vmem>>, %arg2: memref<16384x128xf32, #tpu.memory_space<vmem>>) attributes {dimension_semantics = [#tpu.dimension_semantics<arbitrary>], iteration_bounds = array<i64: 16>, scalar_prefetch = 0 : i64, scratch_operands = 0 : i64, tpu.core_type = #tpu.core_type<tc>, window_params = [{transform_indices = @transform_0, window_bounds = array<i64: 128, 16384>}, {transform_indices = @transform_1, window_bounds = array<i64: 16384, 128>}]} {
    %get3A = arith.constant 0 : index
    %get3A_0 = arith.constant 0 : index
    %get3A_1 = vector.load %arg1[%get3A, %get3A_0] : memref<128x16384xf32, #tpu.memory_space<vmem>>, vector<128x16384xf32>
    %transpose3A = tpu.transpose %get3A_1, [1, 0] : vector<128x16384xf32> -> vector<16384x128xf32>
    %swap3A = arith.constant 0 : index
    %swap3A_2 = arith.constant 0 : index
    %swap3A_3 = vector.load %arg2[%swap3A, %swap3A_2] : memref<16384x128xf32, #tpu.memory_space<vmem>>, vector<16384x128xf32>
    tpu.vector_store %arg2[%swap3A, %swap3A_2], %transpose3A {strides = array<i32>} : memref<16384x128xf32, #tpu.memory_space<vmem>>, vector<16384x128xf32>,
    return
  }
  func.func @transform_0(%arg0: i32) -> (i32, i32) {
    %c0_i32 = arith.constant 0 : i32
    %c0_i32_0 = arith.constant 0 : i32
    return %c0_i32, %arg0 : i32, i32
  }
  func.func @transform_1(%arg0: i32) -> (i32, i32) {
    %c0_i32 = arith.constant 0 : i32
    %c0_i32_0 = arith.constant 0 : i32
    return %arg0, %c0_i32 : i32, i32
  }
}

module attributes {stable_mosaic.version = 14 : i64} {
  func.func @_t2_body0(%arg0: i32, %arg1: i32, %arg2: memref<8x1024x128xf32, #tpu.memory_space<vmem>>, %arg3: memref<8x1024xf32, #tpu.memory_space<vmem>>, %arg4: memref<128x8x1024xf32, #tpu.memory_space<vmem>>) attributes {dimension_semantics = [#tpu.dimension_semantics<arbitrary>, #tpu.dimension_semantics<arbitrary>], iteration_bounds = array<i64: 2, 4>, scalar_prefetch = 0 : i64, scratch_operands = 0 : i64, tpu.core_type = #tpu.core_type<tc>, window_params = [{transform_indices = @transform_0, window_bounds = array<i64: 8, 1024, 128>}, {transform_indices = @transform_1, window_bounds = array<i64: 8, 1024>}, {transform_indices = @transform_2, window_bounds = array<i64: 128, 8, 1024>}]} {
    %get3A = arith.constant 0 : index
    %get3A_0 = arith.constant 0 : index
    %get3A_1 = arith.constant 0 : index
    %get3A_2 = vector.load %arg2[%get3A, %get3A_0, %get3A_1] : memref<8x1024x128xf32, #tpu.memory_space<vmem>>, vector<1x1024x128xf32>
    %get3A_3 = vector.shape_cast %get3A_2 : vector<1x1024x128xf32> to vector<1024x128xf32>
    %transpose3A = tpu.transpose %get3A_3, [1, 0] : vector<1024x128xf32> -> vector<128x1024xf32>
    %get3A_4 = arith.constant 0 : index
    %get3A_5 = arith.constant 0 : index
    %get3A_6 = vector.load %arg3[%get3A_4, %get3A_5] : memref<8x1024xf32, #tpu.memory_space<vmem>>, vector<1x1024xf32>
    %get3A_7 = vector.shape_cast %get3A_6 : vector<1x1024xf32> to vector<1024xf32>
    %broadcast_in_dim3A = vector.shape_cast %get3A_7 : vector<1024xf32> to vector<1x1024xf32>
    %mul3A = vector.broadcast %broadcast_in_dim3A : vector<1x1024xf32> to vector<128x1024xf32>
    %mul3A_8 = arith.mulf %transpose3A, %mul3A : vector<128x1024xf32>
    %swap3A = arith.constant 0 : index
    %swap3A_9 = arith.constant 0 : index
    %swap3A_10 = arith.constant 0 : index
    %swap3A_11 = vector.load %arg4[%swap3A, %swap3A_9, %swap3A_10] : memref<128x8x1024xf32, #tpu.memory_space<vmem>>, vector<128x1x1024xf32>
    %swap3A_12 = vector.shape_cast %swap3A_11 : vector<128x1x1024xf32> to vector<128x1024xf32>
    %swap3A_13 = vector.shape_cast %mul3A_8 : vector<128x1024xf32> to vector<128x1x1024xf32>
    tpu.vector_store %arg4[%swap3A, %swap3A_9, %swap3A_10], %swap3A_13 {strides = array<i32>} : memref<128x8x1024xf32, #tpu.memory_space<vmem>>, vector<128x1x1024xf32>,
    %get3A_14 = arith.constant 1 : index
    %get3A_15 = arith.constant 0 : index
    %get3A_16 = arith.constant 0 : index
    %get3A_17 = vector.load %arg2[%get3A_14, %get3A_15, %get3A_16] : memref<8x1024x128xf32, #tpu.memory_space<vmem>>, vector<1x1024x128xf32>
    %get3A_18 = vector.shape_cast %get3A_17 : vector<1x1024x128xf32> to vector<1024x128xf32>
    %transpose3A_19 = tpu.transpose %get3A_18, [1, 0] : vector<1024x128xf32> -> vector<128x1024xf32>
    %get3A_20 = arith.constant 1 : index
    %get3A_21 = arith.constant 0 : index
    %get3A_22 = vector.load %arg3[%get3A_20, %get3A_21] : memref<8x1024xf32, #tpu.memory_space<vmem>>, vector<1x1024xf32>
    %get3A_23 = vector.shape_cast %get3A_22 : vector<1x1024xf32> to vector<1024xf32>
    %broadcast_in_dim3A_24 = vector.shape_cast %get3A_23 : vector<1024xf32> to vector<1x1024xf32>
    %mul3A_25 = vector.broadcast %broadcast_in_dim3A_24 : vector<1x1024xf32> to vector<128x1024xf32>
    %mul3A_26 = arith.mulf %transpose3A_19, %mul3A_25 : vector<128x1024xf32>
    %swap3A_27 = arith.constant 0 : index
    %swap3A_28 = arith.constant 1 : index
    %swap3A_29 = arith.constant 0 : index
    %swap3A_30 = vector.load %arg4[%swap3A_27, %swap3A_28, %swap3A_29] : memref<128x8x1024xf32, #tpu.memory_space<vmem>>, vector<128x1x1024xf32>
    %swap3A_31 = vector.shape_cast %swap3A_30 : vector<128x1x1024xf32> to vector<128x1024xf32>
    %swap3A_32 = vector.shape_cast %mul3A_26 : vector<128x1024xf32> to vector<128x1x1024xf32>
    tpu.vector_store %arg4[%swap3A_27, %swap3A_28, %swap3A_29], %swap3A_32 {strides = array<i32>} : memref<128x8x1024xf32, #tpu.memory_space<vmem>>, vector<128x1x1024xf32>,
    %get3A_33 = arith.constant 2 : index
    %get3A_34 = arith.constant 0 : index
    %get3A_35 = arith.constant 0 : index
    %get3A_36 = vector.load %arg2[%get3A_33, %get3A_34, %get3A_35] : memref<8x1024x128xf32, #tpu.memory_space<vmem>>, vector<1x1024x128xf32>
    %get3A_37 = vector.shape_cast %get3A_36 : vector<1x1024x128xf32> to vector<1024x128xf32>
    %transpose3A_38 = tpu.transpose %get3A_37, [1, 0] : vector<1024x128xf32> -> vector<128x1024xf32>
    %get3A_39 = arith.constant 2 : index
    %get3A_40 = arith.constant 0 : index
    %get3A_41 = vector.load %arg3[%get3A_39, %get3A_40] : memref<8x1024xf32, #tpu.memory_space<vmem>>, vector<1x1024xf32>
    %get3A_42 = vector.shape_cast %get3A_41 : vector<1x1024xf32> to vector<1024xf32>
    %broadcast_in_dim3A_43 = vector.shape_cast %get3A_42 : vector<1024xf32> to vector<1x1024xf32>
    %mul3A_44 = vector.broadcast %broadcast_in_dim3A_43 : vector<1x1024xf32> to vector<128x1024xf32>
    %mul3A_45 = arith.mulf %transpose3A_38, %mul3A_44 : vector<128x1024xf32>
    %swap3A_46 = arith.constant 0 : index
    %swap3A_47 = arith.constant 2 : index
    %swap3A_48 = arith.constant 0 : index
    %swap3A_49 = vector.load %arg4[%swap3A_46, %swap3A_47, %swap3A_48] : memref<128x8x1024xf32, #tpu.memory_space<vmem>>, vector<128x1x1024xf32>
    %swap3A_50 = vector.shape_cast %swap3A_49 : vector<128x1x1024xf32> to vector<128x1024xf32>
    %swap3A_51 = vector.shape_cast %mul3A_45 : vector<128x1024xf32> to vector<128x1x1024xf32>
    tpu.vector_store %arg4[%swap3A_46, %swap3A_47, %swap3A_48], %swap3A_51 {strides = array<i32>} : memref<128x8x1024xf32, #tpu.memory_space<vmem>>, vector<128x1x1024xf32>,
    %get3A_52 = arith.constant 3 : index
    %get3A_53 = arith.constant 0 : index
    %get3A_54 = arith.constant 0 : index
    %get3A_55 = vector.load %arg2[%get3A_52, %get3A_53, %get3A_54] : memref<8x1024x128xf32, #tpu.memory_space<vmem>>, vector<1x1024x128xf32>
    %get3A_56 = vector.shape_cast %get3A_55 : vector<1x1024x128xf32> to vector<1024x128xf32>
    %transpose3A_57 = tpu.transpose %get3A_56, [1, 0] : vector<1024x128xf32> -> vector<128x1024xf32>
    %get3A_58 = arith.constant 3 : index
    %get3A_59 = arith.constant 0 : index
    %get3A_60 = vector.load %arg3[%get3A_58, %get3A_59] : memref<8x1024xf32, #tpu.memory_space<vmem>>, vector<1x1024xf32>
    %get3A_61 = vector.shape_cast %get3A_60 : vector<1x1024xf32> to vector<1024xf32>
    %broadcast_in_dim3A_62 = vector.shape_cast %get3A_61 : vector<1024xf32> to vector<1x1024xf32>
    %mul3A_63 = vector.broadcast %broadcast_in_dim3A_62 : vector<1x1024xf32> to vector<128x1024xf32>
    %mul3A_64 = arith.mulf %transpose3A_57, %mul3A_63 : vector<128x1024xf32>
    %swap3A_65 = arith.constant 0 : index
    %swap3A_66 = arith.constant 3 : index
    %swap3A_67 = arith.constant 0 : index
    %swap3A_68 = vector.load %arg4[%swap3A_65, %swap3A_66, %swap3A_67] : memref<128x8x1024xf32, #tpu.memory_space<vmem>>, vector<128x1x1024xf32>
    %swap3A_69 = vector.shape_cast %swap3A_68 : vector<128x1x1024xf32> to vector<128x1024xf32>
    %swap3A_70 = vector.shape_cast %mul3A_64 : vector<128x1024xf32> to vector<128x1x1024xf32>
    tpu.vector_store %arg4[%swap3A_65, %swap3A_66, %swap3A_67], %swap3A_70 {strides = array<i32>} : memref<128x8x1024xf32, #tpu.memory_space<vmem>>, vector<128x1x1024xf32>,
    %get3A_71 = arith.constant 4 : index
    %get3A_72 = arith.constant 0 : index
    %get3A_73 = arith.constant 0 : index
    %get3A_74 = vector.load %arg2[%get3A_71, %get3A_72, %get3A_73] : memref<8x1024x128xf32, #tpu.memory_space<vmem>>, vector<1x1024x128xf32>
    %get3A_75 = vector.shape_cast %get3A_74 : vector<1x1024x128xf32> to vector<1024x128xf32>
    %transpose3A_76 = tpu.transpose %get3A_75, [1, 0] : vector<1024x128xf32> -> vector<128x1024xf32>
    %get3A_77 = arith.constant 4 : index
    %get3A_78 = arith.constant 0 : index
    %get3A_79 = vector.load %arg3[%get3A_77, %get3A_78] : memref<8x1024xf32, #tpu.memory_space<vmem>>, vector<1x1024xf32>
    %get3A_80 = vector.shape_cast %get3A_79 : vector<1x1024xf32> to vector<1024xf32>
    %broadcast_in_dim3A_81 = vector.shape_cast %get3A_80 : vector<1024xf32> to vector<1x1024xf32>
    %mul3A_82 = vector.broadcast %broadcast_in_dim3A_81 : vector<1x1024xf32> to vector<128x1024xf32>
    %mul3A_83 = arith.mulf %transpose3A_76, %mul3A_82 : vector<128x1024xf32>
    %swap3A_84 = arith.constant 0 : index
    %swap3A_85 = arith.constant 4 : index
    %swap3A_86 = arith.constant 0 : index
    %swap3A_87 = vector.load %arg4[%swap3A_84, %swap3A_85, %swap3A_86] : memref<128x8x1024xf32, #tpu.memory_space<vmem>>, vector<128x1x1024xf32>
    %swap3A_88 = vector.shape_cast %swap3A_87 : vector<128x1x1024xf32> to vector<128x1024xf32>
    %swap3A_89 = vector.shape_cast %mul3A_83 : vector<128x1024xf32> to vector<128x1x1024xf32>
    tpu.vector_store %arg4[%swap3A_84, %swap3A_85, %swap3A_86], %swap3A_89 {strides = array<i32>} : memref<128x8x1024xf32, #tpu.memory_space<vmem>>, vector<128x1x1024xf32>,
    %get3A_90 = arith.constant 5 : index
    %get3A_91 = arith.constant 0 : index
    %get3A_92 = arith.constant 0 : index
    %get3A_93 = vector.load %arg2[%get3A_90, %get3A_91, %get3A_92] : memref<8x1024x128xf32, #tpu.memory_space<vmem>>, vector<1x1024x128xf32>
    %get3A_94 = vector.shape_cast %get3A_93 : vector<1x1024x128xf32> to vector<1024x128xf32>
    %transpose3A_95 = tpu.transpose %get3A_94, [1, 0] : vector<1024x128xf32> -> vector<128x1024xf32>
    %get3A_96 = arith.constant 5 : index
    %get3A_97 = arith.constant 0 : index
    %get3A_98 = vector.load %arg3[%get3A_96, %get3A_97] : memref<8x1024xf32, #tpu.memory_space<vmem>>, vector<1x1024xf32>
    %get3A_99 = vector.shape_cast %get3A_98 : vector<1x1024xf32> to vector<1024xf32>
    %broadcast_in_dim3A_100 = vector.shape_cast %get3A_99 : vector<1024xf32> to vector<1x1024xf32>
    %mul3A_101 = vector.broadcast %broadcast_in_dim3A_100 : vector<1x1024xf32> to vector<128x1024xf32>
    %mul3A_102 = arith.mulf %transpose3A_95, %mul3A_101 : vector<128x1024xf32>
    %swap3A_103 = arith.constant 0 : index
    %swap3A_104 = arith.constant 5 : index
    %swap3A_105 = arith.constant 0 : index
    %swap3A_106 = vector.load %arg4[%swap3A_103, %swap3A_104, %swap3A_105] : memref<128x8x1024xf32, #tpu.memory_space<vmem>>, vector<128x1x1024xf32>
    %swap3A_107 = vector.shape_cast %swap3A_106 : vector<128x1x1024xf32> to vector<128x1024xf32>
    %swap3A_108 = vector.shape_cast %mul3A_102 : vector<128x1024xf32> to vector<128x1x1024xf32>
    tpu.vector_store %arg4[%swap3A_103, %swap3A_104, %swap3A_105], %swap3A_108 {strides = array<i32>} : memref<128x8x1024xf32, #tpu.memory_space<vmem>>, vector<128x1x1024xf32>,
    %get3A_109 = arith.constant 6 : index
    %get3A_110 = arith.constant 0 : index
    %get3A_111 = arith.constant 0 : index
    %get3A_112 = vector.load %arg2[%get3A_109, %get3A_110, %get3A_111] : memref<8x1024x128xf32, #tpu.memory_space<vmem>>, vector<1x1024x128xf32>
    %get3A_113 = vector.shape_cast %get3A_112 : vector<1x1024x128xf32> to vector<1024x128xf32>
    %transpose3A_114 = tpu.transpose %get3A_113, [1, 0] : vector<1024x128xf32> -> vector<128x1024xf32>
    %get3A_115 = arith.constant 6 : index
    %get3A_116 = arith.constant 0 : index
    %get3A_117 = vector.load %arg3[%get3A_115, %get3A_116] : memref<8x1024xf32, #tpu.memory_space<vmem>>, vector<1x1024xf32>
    %get3A_118 = vector.shape_cast %get3A_117 : vector<1x1024xf32> to vector<1024xf32>
    %broadcast_in_dim3A_119 = vector.shape_cast %get3A_118 : vector<1024xf32> to vector<1x1024xf32>
    %mul3A_120 = vector.broadcast %broadcast_in_dim3A_119 : vector<1x1024xf32> to vector<128x1024xf32>
    %mul3A_121 = arith.mulf %transpose3A_114, %mul3A_120 : vector<128x1024xf32>
    %swap3A_122 = arith.constant 0 : index
    %swap3A_123 = arith.constant 6 : index
    %swap3A_124 = arith.constant 0 : index
    %swap3A_125 = vector.load %arg4[%swap3A_122, %swap3A_123, %swap3A_124] : memref<128x8x1024xf32, #tpu.memory_space<vmem>>, vector<128x1x1024xf32>
    %swap3A_126 = vector.shape_cast %swap3A_125 : vector<128x1x1024xf32> to vector<128x1024xf32>
    %swap3A_127 = vector.shape_cast %mul3A_121 : vector<128x1024xf32> to vector<128x1x1024xf32>
    tpu.vector_store %arg4[%swap3A_122, %swap3A_123, %swap3A_124], %swap3A_127 {strides = array<i32>} : memref<128x8x1024xf32, #tpu.memory_space<vmem>>, vector<128x1x1024xf32>,
    %get3A_128 = arith.constant 7 : index
    %get3A_129 = arith.constant 0 : index
    %get3A_130 = arith.constant 0 : index
    %get3A_131 = vector.load %arg2[%get3A_128, %get3A_129, %get3A_130] : memref<8x1024x128xf32, #tpu.memory_space<vmem>>, vector<1x1024x128xf32>
    %get3A_132 = vector.shape_cast %get3A_131 : vector<1x1024x128xf32> to vector<1024x128xf32>
    %transpose3A_133 = tpu.transpose %get3A_132, [1, 0] : vector<1024x128xf32> -> vector<128x1024xf32>
    %get3A_134 = arith.constant 7 : index
    %get3A_135 = arith.constant 0 : index
    %get3A_136 = vector.load %arg3[%get3A_134, %get3A_135] : memref<8x1024xf32, #tpu.memory_space<vmem>>, vector<1x1024xf32>
    %get3A_137 = vector.shape_cast %get3A_136 : vector<1x1024xf32> to vector<1024xf32>
    %broadcast_in_dim3A_138 = vector.shape_cast %get3A_137 : vector<1024xf32> to vector<1x1024xf32>
    %mul3A_139 = vector.broadcast %broadcast_in_dim3A_138 : vector<1x1024xf32> to vector<128x1024xf32>
    %mul3A_140 = arith.mulf %transpose3A_133, %mul3A_139 : vector<128x1024xf32>
    %swap3A_141 = arith.constant 0 : index
    %swap3A_142 = arith.constant 7 : index
    %swap3A_143 = arith.constant 0 : index
    %swap3A_144 = vector.load %arg4[%swap3A_141, %swap3A_142, %swap3A_143] : memref<128x8x1024xf32, #tpu.memory_space<vmem>>, vector<128x1x1024xf32>
    %swap3A_145 = vector.shape_cast %swap3A_144 : vector<128x1x1024xf32> to vector<128x1024xf32>
    %swap3A_146 = vector.shape_cast %mul3A_140 : vector<128x1024xf32> to vector<128x1x1024xf32>
    tpu.vector_store %arg4[%swap3A_141, %swap3A_142, %swap3A_143], %swap3A_146 {strides = array<i32>} : memref<128x8x1024xf32, #tpu.memory_space<vmem>>, vector<128x1x1024xf32>,
    return
  }
  func.func @transform_0(%arg0: i32, %arg1: i32) -> (i32, i32, i32) {
    %c0_i32 = arith.constant 0 : i32
    %c0_i32_0 = arith.constant 0 : i32
    return %arg0, %arg1, %c0_i32 : i32, i32, i32
  }
  func.func @transform_1(%arg0: i32, %arg1: i32) -> (i32, i32) {
    %add3A = arith.constant 0 : i32
    %add3A_0 = arith.addi %add3A, %arg0 : i32
    %c0_i32 = arith.constant 0 : i32
    return %add3A_0, %arg1 : i32, i32
  }
  func.func @transform_2(%arg0: i32, %arg1: i32) -> (i32, i32, i32) {
    %add3A = arith.constant 0 : i32
    %add3A_0 = arith.addi %add3A, %arg0 : i32
    %c0_i32 = arith.constant 0 : i32
    %c0_i32_1 = arith.constant 0 : i32
    return %c0_i32, %add3A_0, %arg1 : i32, i32, i32
  }
}

module attributes {stable_mosaic.version = 14 : i64} {
  func.func @_t2_body1(%arg0: i32, %arg1: i32, %arg2: memref<8x1024x128xf32, #tpu.memory_space<vmem>>, %arg3: memref<8x1024xf32, #tpu.memory_space<vmem>>, %arg4: memref<128x64x4096xf32, #tpu.memory_space<hbm>>, %arg5: memref<128x8x1024xf32, #tpu.memory_space<vmem>>) attributes {dimension_semantics = [#tpu.dimension_semantics<arbitrary>, #tpu.dimension_semantics<arbitrary>], iteration_bounds = array<i64: 2, 4>, scalar_prefetch = 0 : i64, scratch_operands = 0 : i64, tpu.core_type = #tpu.core_type<tc>, window_params = [{transform_indices = @transform_0, window_bounds = array<i64: 8, 1024, 128>}, {transform_indices = @transform_1, window_bounds = array<i64: 8, 1024>}, {}, {transform_indices = @transform_3, window_bounds = array<i64: 128, 8, 1024>}]} {
    %get3A = arith.constant 0 : index
    %get3A_0 = arith.constant 0 : index
    %get3A_1 = arith.constant 0 : index
    %get3A_2 = vector.load %arg2[%get3A, %get3A_0, %get3A_1] : memref<8x1024x128xf32, #tpu.memory_space<vmem>>, vector<1x1024x128xf32>
    %get3A_3 = vector.shape_cast %get3A_2 : vector<1x1024x128xf32> to vector<1024x128xf32>
    %transpose3A = tpu.transpose %get3A_3, [1, 0] : vector<1024x128xf32> -> vector<128x1024xf32>
    %get3A_4 = arith.constant 0 : index
    %get3A_5 = arith.constant 0 : index
    %get3A_6 = vector.load %arg3[%get3A_4, %get3A_5] : memref<8x1024xf32, #tpu.memory_space<vmem>>, vector<1x1024xf32>
    %get3A_7 = vector.shape_cast %get3A_6 : vector<1x1024xf32> to vector<1024xf32>
    %broadcast_in_dim3A = vector.shape_cast %get3A_7 : vector<1024xf32> to vector<1x1024xf32>
    %mul3A = vector.broadcast %broadcast_in_dim3A : vector<1x1024xf32> to vector<128x1024xf32>
    %mul3A_8 = arith.mulf %transpose3A, %mul3A : vector<128x1024xf32>
    %swap3A = arith.constant 0 : index
    %swap3A_9 = arith.constant 0 : index
    %swap3A_10 = arith.constant 0 : index
    %swap3A_11 = vector.load %arg5[%swap3A, %swap3A_9, %swap3A_10] : memref<128x8x1024xf32, #tpu.memory_space<vmem>>, vector<128x1x1024xf32>
    %swap3A_12 = vector.shape_cast %swap3A_11 : vector<128x1x1024xf32> to vector<128x1024xf32>
    %swap3A_13 = vector.shape_cast %mul3A_8 : vector<128x1024xf32> to vector<128x1x1024xf32>
    tpu.vector_store %arg5[%swap3A, %swap3A_9, %swap3A_10], %swap3A_13 {strides = array<i32>} : memref<128x8x1024xf32, #tpu.memory_space<vmem>>, vector<128x1x1024xf32>,
    %get3A_14 = arith.constant 1 : index
    %get3A_15 = arith.constant 0 : index
    %get3A_16 = arith.constant 0 : index
    %get3A_17 = vector.load %arg2[%get3A_14, %get3A_15, %get3A_16] : memref<8x1024x128xf32, #tpu.memory_space<vmem>>, vector<1x1024x128xf32>
    %get3A_18 = vector.shape_cast %get3A_17 : vector<1x1024x128xf32> to vector<1024x128xf32>
    %transpose3A_19 = tpu.transpose %get3A_18, [1, 0] : vector<1024x128xf32> -> vector<128x1024xf32>
    %get3A_20 = arith.constant 1 : index
    %get3A_21 = arith.constant 0 : index
    %get3A_22 = vector.load %arg3[%get3A_20, %get3A_21] : memref<8x1024xf32, #tpu.memory_space<vmem>>, vector<1x1024xf32>
    %get3A_23 = vector.shape_cast %get3A_22 : vector<1x1024xf32> to vector<1024xf32>
    %broadcast_in_dim3A_24 = vector.shape_cast %get3A_23 : vector<1024xf32> to vector<1x1024xf32>
    %mul3A_25 = vector.broadcast %broadcast_in_dim3A_24 : vector<1x1024xf32> to vector<128x1024xf32>
    %mul3A_26 = arith.mulf %transpose3A_19, %mul3A_25 : vector<128x1024xf32>
    %swap3A_27 = arith.constant 0 : index
    %swap3A_28 = arith.constant 1 : index
    %swap3A_29 = arith.constant 0 : index
    %swap3A_30 = vector.load %arg5[%swap3A_27, %swap3A_28, %swap3A_29] : memref<128x8x1024xf32, #tpu.memory_space<vmem>>, vector<128x1x1024xf32>
    %swap3A_31 = vector.shape_cast %swap3A_30 : vector<128x1x1024xf32> to vector<128x1024xf32>
    %swap3A_32 = vector.shape_cast %mul3A_26 : vector<128x1024xf32> to vector<128x1x1024xf32>
    tpu.vector_store %arg5[%swap3A_27, %swap3A_28, %swap3A_29], %swap3A_32 {strides = array<i32>} : memref<128x8x1024xf32, #tpu.memory_space<vmem>>, vector<128x1x1024xf32>,
    %get3A_33 = arith.constant 2 : index
    %get3A_34 = arith.constant 0 : index
    %get3A_35 = arith.constant 0 : index
    %get3A_36 = vector.load %arg2[%get3A_33, %get3A_34, %get3A_35] : memref<8x1024x128xf32, #tpu.memory_space<vmem>>, vector<1x1024x128xf32>
    %get3A_37 = vector.shape_cast %get3A_36 : vector<1x1024x128xf32> to vector<1024x128xf32>
    %transpose3A_38 = tpu.transpose %get3A_37, [1, 0] : vector<1024x128xf32> -> vector<128x1024xf32>
    %get3A_39 = arith.constant 2 : index
    %get3A_40 = arith.constant 0 : index
    %get3A_41 = vector.load %arg3[%get3A_39, %get3A_40] : memref<8x1024xf32, #tpu.memory_space<vmem>>, vector<1x1024xf32>
    %get3A_42 = vector.shape_cast %get3A_41 : vector<1x1024xf32> to vector<1024xf32>
    %broadcast_in_dim3A_43 = vector.shape_cast %get3A_42 : vector<1024xf32> to vector<1x1024xf32>
    %mul3A_44 = vector.broadcast %broadcast_in_dim3A_43 : vector<1x1024xf32> to vector<128x1024xf32>
    %mul3A_45 = arith.mulf %transpose3A_38, %mul3A_44 : vector<128x1024xf32>
    %swap3A_46 = arith.constant 0 : index
    %swap3A_47 = arith.constant 2 : index
    %swap3A_48 = arith.constant 0 : index
    %swap3A_49 = vector.load %arg5[%swap3A_46, %swap3A_47, %swap3A_48] : memref<128x8x1024xf32, #tpu.memory_space<vmem>>, vector<128x1x1024xf32>
    %swap3A_50 = vector.shape_cast %swap3A_49 : vector<128x1x1024xf32> to vector<128x1024xf32>
    %swap3A_51 = vector.shape_cast %mul3A_45 : vector<128x1024xf32> to vector<128x1x1024xf32>
    tpu.vector_store %arg5[%swap3A_46, %swap3A_47, %swap3A_48], %swap3A_51 {strides = array<i32>} : memref<128x8x1024xf32, #tpu.memory_space<vmem>>, vector<128x1x1024xf32>,
    %get3A_52 = arith.constant 3 : index
    %get3A_53 = arith.constant 0 : index
    %get3A_54 = arith.constant 0 : index
    %get3A_55 = vector.load %arg2[%get3A_52, %get3A_53, %get3A_54] : memref<8x1024x128xf32, #tpu.memory_space<vmem>>, vector<1x1024x128xf32>
    %get3A_56 = vector.shape_cast %get3A_55 : vector<1x1024x128xf32> to vector<1024x128xf32>
    %transpose3A_57 = tpu.transpose %get3A_56, [1, 0] : vector<1024x128xf32> -> vector<128x1024xf32>
    %get3A_58 = arith.constant 3 : index
    %get3A_59 = arith.constant 0 : index
    %get3A_60 = vector.load %arg3[%get3A_58, %get3A_59] : memref<8x1024xf32, #tpu.memory_space<vmem>>, vector<1x1024xf32>
    %get3A_61 = vector.shape_cast %get3A_60 : vector<1x1024xf32> to vector<1024xf32>
    %broadcast_in_dim3A_62 = vector.shape_cast %get3A_61 : vector<1024xf32> to vector<1x1024xf32>
    %mul3A_63 = vector.broadcast %broadcast_in_dim3A_62 : vector<1x1024xf32> to vector<128x1024xf32>
    %mul3A_64 = arith.mulf %transpose3A_57, %mul3A_63 : vector<128x1024xf32>
    %swap3A_65 = arith.constant 0 : index
    %swap3A_66 = arith.constant 3 : index
    %swap3A_67 = arith.constant 0 : index
    %swap3A_68 = vector.load %arg5[%swap3A_65, %swap3A_66, %swap3A_67] : memref<128x8x1024xf32, #tpu.memory_space<vmem>>, vector<128x1x1024xf32>
    %swap3A_69 = vector.shape_cast %swap3A_68 : vector<128x1x1024xf32> to vector<128x1024xf32>
    %swap3A_70 = vector.shape_cast %mul3A_64 : vector<128x1024xf32> to vector<128x1x1024xf32>
    tpu.vector_store %arg5[%swap3A_65, %swap3A_66, %swap3A_67], %swap3A_70 {strides = array<i32>} : memref<128x8x1024xf32, #tpu.memory_space<vmem>>, vector<128x1x1024xf32>,
    %get3A_71 = arith.constant 4 : index
    %get3A_72 = arith.constant 0 : index
    %get3A_73 = arith.constant 0 : index
    %get3A_74 = vector.load %arg2[%get3A_71, %get3A_72, %get3A_73] : memref<8x1024x128xf32, #tpu.memory_space<vmem>>, vector<1x1024x128xf32>
    %get3A_75 = vector.shape_cast %get3A_74 : vector<1x1024x128xf32> to vector<1024x128xf32>
    %transpose3A_76 = tpu.transpose %get3A_75, [1, 0] : vector<1024x128xf32> -> vector<128x1024xf32>
    %get3A_77 = arith.constant 4 : index
    %get3A_78 = arith.constant 0 : index
    %get3A_79 = vector.load %arg3[%get3A_77, %get3A_78] : memref<8x1024xf32, #tpu.memory_space<vmem>>, vector<1x1024xf32>
    %get3A_80 = vector.shape_cast %get3A_79 : vector<1x1024xf32> to vector<1024xf32>
    %broadcast_in_dim3A_81 = vector.shape_cast %get3A_80 : vector<1024xf32> to vector<1x1024xf32>
    %mul3A_82 = vector.broadcast %broadcast_in_dim3A_81 : vector<1x1024xf32> to vector<128x1024xf32>
    %mul3A_83 = arith.mulf %transpose3A_76, %mul3A_82 : vector<128x1024xf32>
    %swap3A_84 = arith.constant 0 : index
    %swap3A_85 = arith.constant 4 : index
    %swap3A_86 = arith.constant 0 : index
    %swap3A_87 = vector.load %arg5[%swap3A_84, %swap3A_85, %swap3A_86] : memref<128x8x1024xf32, #tpu.memory_space<vmem>>, vector<128x1x1024xf32>
    %swap3A_88 = vector.shape_cast %swap3A_87 : vector<128x1x1024xf32> to vector<128x1024xf32>
    %swap3A_89 = vector.shape_cast %mul3A_83 : vector<128x1024xf32> to vector<128x1x1024xf32>
    tpu.vector_store %arg5[%swap3A_84, %swap3A_85, %swap3A_86], %swap3A_89 {strides = array<i32>} : memref<128x8x1024xf32, #tpu.memory_space<vmem>>, vector<128x1x1024xf32>,
    %get3A_90 = arith.constant 5 : index
    %get3A_91 = arith.constant 0 : index
    %get3A_92 = arith.constant 0 : index
    %get3A_93 = vector.load %arg2[%get3A_90, %get3A_91, %get3A_92] : memref<8x1024x128xf32, #tpu.memory_space<vmem>>, vector<1x1024x128xf32>
    %get3A_94 = vector.shape_cast %get3A_93 : vector<1x1024x128xf32> to vector<1024x128xf32>
    %transpose3A_95 = tpu.transpose %get3A_94, [1, 0] : vector<1024x128xf32> -> vector<128x1024xf32>
    %get3A_96 = arith.constant 5 : index
    %get3A_97 = arith.constant 0 : index
    %get3A_98 = vector.load %arg3[%get3A_96, %get3A_97] : memref<8x1024xf32, #tpu.memory_space<vmem>>, vector<1x1024xf32>
    %get3A_99 = vector.shape_cast %get3A_98 : vector<1x1024xf32> to vector<1024xf32>
    %broadcast_in_dim3A_100 = vector.shape_cast %get3A_99 : vector<1024xf32> to vector<1x1024xf32>
    %mul3A_101 = vector.broadcast %broadcast_in_dim3A_100 : vector<1x1024xf32> to vector<128x1024xf32>
    %mul3A_102 = arith.mulf %transpose3A_95, %mul3A_101 : vector<128x1024xf32>
    %swap3A_103 = arith.constant 0 : index
    %swap3A_104 = arith.constant 5 : index
    %swap3A_105 = arith.constant 0 : index
    %swap3A_106 = vector.load %arg5[%swap3A_103, %swap3A_104, %swap3A_105] : memref<128x8x1024xf32, #tpu.memory_space<vmem>>, vector<128x1x1024xf32>
    %swap3A_107 = vector.shape_cast %swap3A_106 : vector<128x1x1024xf32> to vector<128x1024xf32>
    %swap3A_108 = vector.shape_cast %mul3A_102 : vector<128x1024xf32> to vector<128x1x1024xf32>
    tpu.vector_store %arg5[%swap3A_103, %swap3A_104, %swap3A_105], %swap3A_108 {strides = array<i32>} : memref<128x8x1024xf32, #tpu.memory_space<vmem>>, vector<128x1x1024xf32>,
    %get3A_109 = arith.constant 6 : index
    %get3A_110 = arith.constant 0 : index
    %get3A_111 = arith.constant 0 : index
    %get3A_112 = vector.load %arg2[%get3A_109, %get3A_110, %get3A_111] : memref<8x1024x128xf32, #tpu.memory_space<vmem>>, vector<1x1024x128xf32>
    %get3A_113 = vector.shape_cast %get3A_112 : vector<1x1024x128xf32> to vector<1024x128xf32>
    %transpose3A_114 = tpu.transpose %get3A_113, [1, 0] : vector<1024x128xf32> -> vector<128x1024xf32>
    %get3A_115 = arith.constant 6 : index
    %get3A_116 = arith.constant 0 : index
    %get3A_117 = vector.load %arg3[%get3A_115, %get3A_116] : memref<8x1024xf32, #tpu.memory_space<vmem>>, vector<1x1024xf32>
    %get3A_118 = vector.shape_cast %get3A_117 : vector<1x1024xf32> to vector<1024xf32>
    %broadcast_in_dim3A_119 = vector.shape_cast %get3A_118 : vector<1024xf32> to vector<1x1024xf32>
    %mul3A_120 = vector.broadcast %broadcast_in_dim3A_119 : vector<1x1024xf32> to vector<128x1024xf32>
    %mul3A_121 = arith.mulf %transpose3A_114, %mul3A_120 : vector<128x1024xf32>
    %swap3A_122 = arith.constant 0 : index
    %swap3A_123 = arith.constant 6 : index
    %swap3A_124 = arith.constant 0 : index
    %swap3A_125 = vector.load %arg5[%swap3A_122, %swap3A_123, %swap3A_124] : memref<128x8x1024xf32, #tpu.memory_space<vmem>>, vector<128x1x1024xf32>
    %swap3A_126 = vector.shape_cast %swap3A_125 : vector<128x1x1024xf32> to vector<128x1024xf32>
    %swap3A_127 = vector.shape_cast %mul3A_121 : vector<128x1024xf32> to vector<128x1x1024xf32>
    tpu.vector_store %arg5[%swap3A_122, %swap3A_123, %swap3A_124], %swap3A_127 {strides = array<i32>} : memref<128x8x1024xf32, #tpu.memory_space<vmem>>, vector<128x1x1024xf32>,
    %get3A_128 = arith.constant 7 : index
    %get3A_129 = arith.constant 0 : index
    %get3A_130 = arith.constant 0 : index
    %get3A_131 = vector.load %arg2[%get3A_128, %get3A_129, %get3A_130] : memref<8x1024x128xf32, #tpu.memory_space<vmem>>, vector<1x1024x128xf32>
    %get3A_132 = vector.shape_cast %get3A_131 : vector<1x1024x128xf32> to vector<1024x128xf32>
    %transpose3A_133 = tpu.transpose %get3A_132, [1, 0] : vector<1024x128xf32> -> vector<128x1024xf32>
    %get3A_134 = arith.constant 7 : index
    %get3A_135 = arith.constant 0 : index
    %get3A_136 = vector.load %arg3[%get3A_134, %get3A_135] : memref<8x1024xf32, #tpu.memory_space<vmem>>, vector<1x1024xf32>
    %get3A_137 = vector.shape_cast %get3A_136 : vector<1x1024xf32> to vector<1024xf32>
    %broadcast_in_dim3A_138 = vector.shape_cast %get3A_137 : vector<1024xf32> to vector<1x1024xf32>
    %mul3A_139 = vector.broadcast %broadcast_in_dim3A_138 : vector<1x1024xf32> to vector<128x1024xf32>
    %mul3A_140 = arith.mulf %transpose3A_133, %mul3A_139 : vector<128x1024xf32>
    %swap3A_141 = arith.constant 0 : index
    %swap3A_142 = arith.constant 7 : index
    %swap3A_143 = arith.constant 0 : index
    %swap3A_144 = vector.load %arg5[%swap3A_141, %swap3A_142, %swap3A_143] : memref<128x8x1024xf32, #tpu.memory_space<vmem>>, vector<128x1x1024xf32>
    %swap3A_145 = vector.shape_cast %swap3A_144 : vector<128x1x1024xf32> to vector<128x1024xf32>
    %swap3A_146 = vector.shape_cast %mul3A_140 : vector<128x1024xf32> to vector<128x1x1024xf32>
    tpu.vector_store %arg5[%swap3A_141, %swap3A_142, %swap3A_143], %swap3A_146 {strides = array<i32>} : memref<128x8x1024xf32, #tpu.memory_space<vmem>>, vector<128x1x1024xf32>,
    return
  }
  func.func @transform_0(%arg0: i32, %arg1: i32) -> (i32, i32, i32) {
    %c0_i32 = arith.constant 0 : i32
    %c0_i32_0 = arith.constant 0 : i32
    return %arg0, %arg1, %c0_i32 : i32, i32, i32
  }
  func.func @transform_1(%arg0: i32, %arg1: i32) -> (i32, i32) {
    %add3A = arith.constant 2 : i32
    %add3A_0 = arith.addi %add3A, %arg0 : i32
    %c0_i32 = arith.constant 0 : i32
    return %add3A_0, %arg1 : i32, i32
  }
  func.func @transform_3(%arg0: i32, %arg1: i32) -> (i32, i32, i32) {
    %add3A = arith.constant 2 : i32
    %add3A_0 = arith.addi %add3A, %arg0 : i32
    %c0_i32 = arith.constant 0 : i32
    %c0_i32_1 = arith.constant 0 : i32
    return %c0_i32, %add3A_0, %arg1 : i32, i32, i32
  }
}

module attributes {stable_mosaic.version = 14 : i64} {
  func.func @_t2_body1(%arg0: i32, %arg1: i32, %arg2: memref<8x1024x128xf32, #tpu.memory_space<vmem>>, %arg3: memref<8x1024xf32, #tpu.memory_space<vmem>>, %arg4: memref<128x64x4096xf32, #tpu.memory_space<hbm>>, %arg5: memref<128x8x1024xf32, #tpu.memory_space<vmem>>) attributes {dimension_semantics = [#tpu.dimension_semantics<arbitrary>, #tpu.dimension_semantics<arbitrary>], iteration_bounds = array<i64: 2, 4>, scalar_prefetch = 0 : i64, scratch_operands = 0 : i64, tpu.core_type = #tpu.core_type<tc>, window_params = [{transform_indices = @transform_0, window_bounds = array<i64: 8, 1024, 128>}, {transform_indices = @transform_1, window_bounds = array<i64: 8, 1024>}, {}, {transform_indices = @transform_3, window_bounds = array<i64: 128, 8, 1024>}]} {
    %get3A = arith.constant 0 : index
    %get3A_0 = arith.constant 0 : index
    %get3A_1 = arith.constant 0 : index
    %get3A_2 = vector.load %arg2[%get3A, %get3A_0, %get3A_1] : memref<8x1024x128xf32, #tpu.memory_space<vmem>>, vector<1x1024x128xf32>
    %get3A_3 = vector.shape_cast %get3A_2 : vector<1x1024x128xf32> to vector<1024x128xf32>
    %transpose3A = tpu.transpose %get3A_3, [1, 0] : vector<1024x128xf32> -> vector<128x1024xf32>
    %get3A_4 = arith.constant 0 : index
    %get3A_5 = arith.constant 0 : index
    %get3A_6 = vector.load %arg3[%get3A_4, %get3A_5] : memref<8x1024xf32, #tpu.memory_space<vmem>>, vector<1x1024xf32>
    %get3A_7 = vector.shape_cast %get3A_6 : vector<1x1024xf32> to vector<1024xf32>
    %broadcast_in_dim3A = vector.shape_cast %get3A_7 : vector<1024xf32> to vector<1x1024xf32>
    %mul3A = vector.broadcast %broadcast_in_dim3A : vector<1x1024xf32> to vector<128x1024xf32>
    %mul3A_8 = arith.mulf %transpose3A, %mul3A : vector<128x1024xf32>
    %swap3A = arith.constant 0 : index
    %swap3A_9 = arith.constant 0 : index
    %swap3A_10 = arith.constant 0 : index
    %swap3A_11 = vector.load %arg5[%swap3A, %swap3A_9, %swap3A_10] : memref<128x8x1024xf32, #tpu.memory_space<vmem>>, vector<128x1x1024xf32>
    %swap3A_12 = vector.shape_cast %swap3A_11 : vector<128x1x1024xf32> to vector<128x1024xf32>
    %swap3A_13 = vector.shape_cast %mul3A_8 : vector<128x1024xf32> to vector<128x1x1024xf32>
    tpu.vector_store %arg5[%swap3A, %swap3A_9, %swap3A_10], %swap3A_13 {strides = array<i32>} : memref<128x8x1024xf32, #tpu.memory_space<vmem>>, vector<128x1x1024xf32>,
    %get3A_14 = arith.constant 1 : index
    %get3A_15 = arith.constant 0 : index
    %get3A_16 = arith.constant 0 : index
    %get3A_17 = vector.load %arg2[%get3A_14, %get3A_15, %get3A_16] : memref<8x1024x128xf32, #tpu.memory_space<vmem>>, vector<1x1024x128xf32>
    %get3A_18 = vector.shape_cast %get3A_17 : vector<1x1024x128xf32> to vector<1024x128xf32>
    %transpose3A_19 = tpu.transpose %get3A_18, [1, 0] : vector<1024x128xf32> -> vector<128x1024xf32>
    %get3A_20 = arith.constant 1 : index
    %get3A_21 = arith.constant 0 : index
    %get3A_22 = vector.load %arg3[%get3A_20, %get3A_21] : memref<8x1024xf32, #tpu.memory_space<vmem>>, vector<1x1024xf32>
    %get3A_23 = vector.shape_cast %get3A_22 : vector<1x1024xf32> to vector<1024xf32>
    %broadcast_in_dim3A_24 = vector.shape_cast %get3A_23 : vector<1024xf32> to vector<1x1024xf32>
    %mul3A_25 = vector.broadcast %broadcast_in_dim3A_24 : vector<1x1024xf32> to vector<128x1024xf32>
    %mul3A_26 = arith.mulf %transpose3A_19, %mul3A_25 : vector<128x1024xf32>
    %swap3A_27 = arith.constant 0 : index
    %swap3A_28 = arith.constant 1 : index
    %swap3A_29 = arith.constant 0 : index
    %swap3A_30 = vector.load %arg5[%swap3A_27, %swap3A_28, %swap3A_29] : memref<128x8x1024xf32, #tpu.memory_space<vmem>>, vector<128x1x1024xf32>
    %swap3A_31 = vector.shape_cast %swap3A_30 : vector<128x1x1024xf32> to vector<128x1024xf32>
    %swap3A_32 = vector.shape_cast %mul3A_26 : vector<128x1024xf32> to vector<128x1x1024xf32>
    tpu.vector_store %arg5[%swap3A_27, %swap3A_28, %swap3A_29], %swap3A_32 {strides = array<i32>} : memref<128x8x1024xf32, #tpu.memory_space<vmem>>, vector<128x1x1024xf32>,
    %get3A_33 = arith.constant 2 : index
    %get3A_34 = arith.constant 0 : index
    %get3A_35 = arith.constant 0 : index
    %get3A_36 = vector.load %arg2[%get3A_33, %get3A_34, %get3A_35] : memref<8x1024x128xf32, #tpu.memory_space<vmem>>, vector<1x1024x128xf32>
    %get3A_37 = vector.shape_cast %get3A_36 : vector<1x1024x128xf32> to vector<1024x128xf32>
    %transpose3A_38 = tpu.transpose %get3A_37, [1, 0] : vector<1024x128xf32> -> vector<128x1024xf32>
    %get3A_39 = arith.constant 2 : index
    %get3A_40 = arith.constant 0 : index
    %get3A_41 = vector.load %arg3[%get3A_39, %get3A_40] : memref<8x1024xf32, #tpu.memory_space<vmem>>, vector<1x1024xf32>
    %get3A_42 = vector.shape_cast %get3A_41 : vector<1x1024xf32> to vector<1024xf32>
    %broadcast_in_dim3A_43 = vector.shape_cast %get3A_42 : vector<1024xf32> to vector<1x1024xf32>
    %mul3A_44 = vector.broadcast %broadcast_in_dim3A_43 : vector<1x1024xf32> to vector<128x1024xf32>
    %mul3A_45 = arith.mulf %transpose3A_38, %mul3A_44 : vector<128x1024xf32>
    %swap3A_46 = arith.constant 0 : index
    %swap3A_47 = arith.constant 2 : index
    %swap3A_48 = arith.constant 0 : index
    %swap3A_49 = vector.load %arg5[%swap3A_46, %swap3A_47, %swap3A_48] : memref<128x8x1024xf32, #tpu.memory_space<vmem>>, vector<128x1x1024xf32>
    %swap3A_50 = vector.shape_cast %swap3A_49 : vector<128x1x1024xf32> to vector<128x1024xf32>
    %swap3A_51 = vector.shape_cast %mul3A_45 : vector<128x1024xf32> to vector<128x1x1024xf32>
    tpu.vector_store %arg5[%swap3A_46, %swap3A_47, %swap3A_48], %swap3A_51 {strides = array<i32>} : memref<128x8x1024xf32, #tpu.memory_space<vmem>>, vector<128x1x1024xf32>,
    %get3A_52 = arith.constant 3 : index
    %get3A_53 = arith.constant 0 : index
    %get3A_54 = arith.constant 0 : index
    %get3A_55 = vector.load %arg2[%get3A_52, %get3A_53, %get3A_54] : memref<8x1024x128xf32, #tpu.memory_space<vmem>>, vector<1x1024x128xf32>
    %get3A_56 = vector.shape_cast %get3A_55 : vector<1x1024x128xf32> to vector<1024x128xf32>
    %transpose3A_57 = tpu.transpose %get3A_56, [1, 0] : vector<1024x128xf32> -> vector<128x1024xf32>
    %get3A_58 = arith.constant 3 : index
    %get3A_59 = arith.constant 0 : index
    %get3A_60 = vector.load %arg3[%get3A_58, %get3A_59] : memref<8x1024xf32, #tpu.memory_space<vmem>>, vector<1x1024xf32>
    %get3A_61 = vector.shape_cast %get3A_60 : vector<1x1024xf32> to vector<1024xf32>
    %broadcast_in_dim3A_62 = vector.shape_cast %get3A_61 : vector<1024xf32> to vector<1x1024xf32>
    %mul3A_63 = vector.broadcast %broadcast_in_dim3A_62 : vector<1x1024xf32> to vector<128x1024xf32>
    %mul3A_64 = arith.mulf %transpose3A_57, %mul3A_63 : vector<128x1024xf32>
    %swap3A_65 = arith.constant 0 : index
    %swap3A_66 = arith.constant 3 : index
    %swap3A_67 = arith.constant 0 : index
    %swap3A_68 = vector.load %arg5[%swap3A_65, %swap3A_66, %swap3A_67] : memref<128x8x1024xf32, #tpu.memory_space<vmem>>, vector<128x1x1024xf32>
    %swap3A_69 = vector.shape_cast %swap3A_68 : vector<128x1x1024xf32> to vector<128x1024xf32>
    %swap3A_70 = vector.shape_cast %mul3A_64 : vector<128x1024xf32> to vector<128x1x1024xf32>
    tpu.vector_store %arg5[%swap3A_65, %swap3A_66, %swap3A_67], %swap3A_70 {strides = array<i32>} : memref<128x8x1024xf32, #tpu.memory_space<vmem>>, vector<128x1x1024xf32>,
    %get3A_71 = arith.constant 4 : index
    %get3A_72 = arith.constant 0 : index
    %get3A_73 = arith.constant 0 : index
    %get3A_74 = vector.load %arg2[%get3A_71, %get3A_72, %get3A_73] : memref<8x1024x128xf32, #tpu.memory_space<vmem>>, vector<1x1024x128xf32>
    %get3A_75 = vector.shape_cast %get3A_74 : vector<1x1024x128xf32> to vector<1024x128xf32>
    %transpose3A_76 = tpu.transpose %get3A_75, [1, 0] : vector<1024x128xf32> -> vector<128x1024xf32>
    %get3A_77 = arith.constant 4 : index
    %get3A_78 = arith.constant 0 : index
    %get3A_79 = vector.load %arg3[%get3A_77, %get3A_78] : memref<8x1024xf32, #tpu.memory_space<vmem>>, vector<1x1024xf32>
    %get3A_80 = vector.shape_cast %get3A_79 : vector<1x1024xf32> to vector<1024xf32>
    %broadcast_in_dim3A_81 = vector.shape_cast %get3A_80 : vector<1024xf32> to vector<1x1024xf32>
    %mul3A_82 = vector.broadcast %broadcast_in_dim3A_81 : vector<1x1024xf32> to vector<128x1024xf32>
    %mul3A_83 = arith.mulf %transpose3A_76, %mul3A_82 : vector<128x1024xf32>
    %swap3A_84 = arith.constant 0 : index
    %swap3A_85 = arith.constant 4 : index
    %swap3A_86 = arith.constant 0 : index
    %swap3A_87 = vector.load %arg5[%swap3A_84, %swap3A_85, %swap3A_86] : memref<128x8x1024xf32, #tpu.memory_space<vmem>>, vector<128x1x1024xf32>
    %swap3A_88 = vector.shape_cast %swap3A_87 : vector<128x1x1024xf32> to vector<128x1024xf32>
    %swap3A_89 = vector.shape_cast %mul3A_83 : vector<128x1024xf32> to vector<128x1x1024xf32>
    tpu.vector_store %arg5[%swap3A_84, %swap3A_85, %swap3A_86], %swap3A_89 {strides = array<i32>} : memref<128x8x1024xf32, #tpu.memory_space<vmem>>, vector<128x1x1024xf32>,
    %get3A_90 = arith.constant 5 : index
    %get3A_91 = arith.constant 0 : index
    %get3A_92 = arith.constant 0 : index
    %get3A_93 = vector.load %arg2[%get3A_90, %get3A_91, %get3A_92] : memref<8x1024x128xf32, #tpu.memory_space<vmem>>, vector<1x1024x128xf32>
    %get3A_94 = vector.shape_cast %get3A_93 : vector<1x1024x128xf32> to vector<1024x128xf32>
    %transpose3A_95 = tpu.transpose %get3A_94, [1, 0] : vector<1024x128xf32> -> vector<128x1024xf32>
    %get3A_96 = arith.constant 5 : index
    %get3A_97 = arith.constant 0 : index
    %get3A_98 = vector.load %arg3[%get3A_96, %get3A_97] : memref<8x1024xf32, #tpu.memory_space<vmem>>, vector<1x1024xf32>
    %get3A_99 = vector.shape_cast %get3A_98 : vector<1x1024xf32> to vector<1024xf32>
    %broadcast_in_dim3A_100 = vector.shape_cast %get3A_99 : vector<1024xf32> to vector<1x1024xf32>
    %mul3A_101 = vector.broadcast %broadcast_in_dim3A_100 : vector<1x1024xf32> to vector<128x1024xf32>
    %mul3A_102 = arith.mulf %transpose3A_95, %mul3A_101 : vector<128x1024xf32>
    %swap3A_103 = arith.constant 0 : index
    %swap3A_104 = arith.constant 5 : index
    %swap3A_105 = arith.constant 0 : index
    %swap3A_106 = vector.load %arg5[%swap3A_103, %swap3A_104, %swap3A_105] : memref<128x8x1024xf32, #tpu.memory_space<vmem>>, vector<128x1x1024xf32>
    %swap3A_107 = vector.shape_cast %swap3A_106 : vector<128x1x1024xf32> to vector<128x1024xf32>
    %swap3A_108 = vector.shape_cast %mul3A_102 : vector<128x1024xf32> to vector<128x1x1024xf32>
    tpu.vector_store %arg5[%swap3A_103, %swap3A_104, %swap3A_105], %swap3A_108 {strides = array<i32>} : memref<128x8x1024xf32, #tpu.memory_space<vmem>>, vector<128x1x1024xf32>,
    %get3A_109 = arith.constant 6 : index
    %get3A_110 = arith.constant 0 : index
    %get3A_111 = arith.constant 0 : index
    %get3A_112 = vector.load %arg2[%get3A_109, %get3A_110, %get3A_111] : memref<8x1024x128xf32, #tpu.memory_space<vmem>>, vector<1x1024x128xf32>
    %get3A_113 = vector.shape_cast %get3A_112 : vector<1x1024x128xf32> to vector<1024x128xf32>
    %transpose3A_114 = tpu.transpose %get3A_113, [1, 0] : vector<1024x128xf32> -> vector<128x1024xf32>
    %get3A_115 = arith.constant 6 : index
    %get3A_116 = arith.constant 0 : index
    %get3A_117 = vector.load %arg3[%get3A_115, %get3A_116] : memref<8x1024xf32, #tpu.memory_space<vmem>>, vector<1x1024xf32>
    %get3A_118 = vector.shape_cast %get3A_117 : vector<1x1024xf32> to vector<1024xf32>
    %broadcast_in_dim3A_119 = vector.shape_cast %get3A_118 : vector<1024xf32> to vector<1x1024xf32>
    %mul3A_120 = vector.broadcast %broadcast_in_dim3A_119 : vector<1x1024xf32> to vector<128x1024xf32>
    %mul3A_121 = arith.mulf %transpose3A_114, %mul3A_120 : vector<128x1024xf32>
    %swap3A_122 = arith.constant 0 : index
    %swap3A_123 = arith.constant 6 : index
    %swap3A_124 = arith.constant 0 : index
    %swap3A_125 = vector.load %arg5[%swap3A_122, %swap3A_123, %swap3A_124] : memref<128x8x1024xf32, #tpu.memory_space<vmem>>, vector<128x1x1024xf32>
    %swap3A_126 = vector.shape_cast %swap3A_125 : vector<128x1x1024xf32> to vector<128x1024xf32>
    %swap3A_127 = vector.shape_cast %mul3A_121 : vector<128x1024xf32> to vector<128x1x1024xf32>
    tpu.vector_store %arg5[%swap3A_122, %swap3A_123, %swap3A_124], %swap3A_127 {strides = array<i32>} : memref<128x8x1024xf32, #tpu.memory_space<vmem>>, vector<128x1x1024xf32>,
    %get3A_128 = arith.constant 7 : index
    %get3A_129 = arith.constant 0 : index
    %get3A_130 = arith.constant 0 : index
    %get3A_131 = vector.load %arg2[%get3A_128, %get3A_129, %get3A_130] : memref<8x1024x128xf32, #tpu.memory_space<vmem>>, vector<1x1024x128xf32>
    %get3A_132 = vector.shape_cast %get3A_131 : vector<1x1024x128xf32> to vector<1024x128xf32>
    %transpose3A_133 = tpu.transpose %get3A_132, [1, 0] : vector<1024x128xf32> -> vector<128x1024xf32>
    %get3A_134 = arith.constant 7 : index
    %get3A_135 = arith.constant 0 : index
    %get3A_136 = vector.load %arg3[%get3A_134, %get3A_135] : memref<8x1024xf32, #tpu.memory_space<vmem>>, vector<1x1024xf32>
    %get3A_137 = vector.shape_cast %get3A_136 : vector<1x1024xf32> to vector<1024xf32>
    %broadcast_in_dim3A_138 = vector.shape_cast %get3A_137 : vector<1024xf32> to vector<1x1024xf32>
    %mul3A_139 = vector.broadcast %broadcast_in_dim3A_138 : vector<1x1024xf32> to vector<128x1024xf32>
    %mul3A_140 = arith.mulf %transpose3A_133, %mul3A_139 : vector<128x1024xf32>
    %swap3A_141 = arith.constant 0 : index
    %swap3A_142 = arith.constant 7 : index
    %swap3A_143 = arith.constant 0 : index
    %swap3A_144 = vector.load %arg5[%swap3A_141, %swap3A_142, %swap3A_143] : memref<128x8x1024xf32, #tpu.memory_space<vmem>>, vector<128x1x1024xf32>
    %swap3A_145 = vector.shape_cast %swap3A_144 : vector<128x1x1024xf32> to vector<128x1024xf32>
    %swap3A_146 = vector.shape_cast %mul3A_140 : vector<128x1024xf32> to vector<128x1x1024xf32>
    tpu.vector_store %arg5[%swap3A_141, %swap3A_142, %swap3A_143], %swap3A_146 {strides = array<i32>} : memref<128x8x1024xf32, #tpu.memory_space<vmem>>, vector<128x1x1024xf32>,
    return
  }
  func.func @transform_0(%arg0: i32, %arg1: i32) -> (i32, i32, i32) {
    %c0_i32 = arith.constant 0 : i32
    %c0_i32_0 = arith.constant 0 : i32
    return %arg0, %arg1, %c0_i32 : i32, i32, i32
  }
  func.func @transform_1(%arg0: i32, %arg1: i32) -> (i32, i32) {
    %add3A = arith.constant 4 : i32
    %add3A_0 = arith.addi %add3A, %arg0 : i32
    %c0_i32 = arith.constant 0 : i32
    return %add3A_0, %arg1 : i32, i32
  }
  func.func @transform_3(%arg0: i32, %arg1: i32) -> (i32, i32, i32) {
    %add3A = arith.constant 4 : i32
    %add3A_0 = arith.addi %add3A, %arg0 : i32
    %c0_i32 = arith.constant 0 : i32
    %c0_i32_1 = arith.constant 0 : i32
    return %c0_i32, %add3A_0, %arg1 : i32, i32, i32
  }
}

module attributes {stable_mosaic.version = 14 : i64} {
  func.func @_t2_body1(%arg0: i32, %arg1: i32, %arg2: memref<8x1024x128xf32, #tpu.memory_space<vmem>>, %arg3: memref<8x1024xf32, #tpu.memory_space<vmem>>, %arg4: memref<128x64x4096xf32, #tpu.memory_space<hbm>>, %arg5: memref<128x8x1024xf32, #tpu.memory_space<vmem>>) attributes {dimension_semantics = [#tpu.dimension_semantics<arbitrary>, #tpu.dimension_semantics<arbitrary>], iteration_bounds = array<i64: 2, 4>, scalar_prefetch = 0 : i64, scratch_operands = 0 : i64, tpu.core_type = #tpu.core_type<tc>, window_params = [{transform_indices = @transform_0, window_bounds = array<i64: 8, 1024, 128>}, {transform_indices = @transform_1, window_bounds = array<i64: 8, 1024>}, {}, {transform_indices = @transform_3, window_bounds = array<i64: 128, 8, 1024>}]} {
    %get3A = arith.constant 0 : index
    %get3A_0 = arith.constant 0 : index
    %get3A_1 = arith.constant 0 : index
    %get3A_2 = vector.load %arg2[%get3A, %get3A_0, %get3A_1] : memref<8x1024x128xf32, #tpu.memory_space<vmem>>, vector<1x1024x128xf32>
    %get3A_3 = vector.shape_cast %get3A_2 : vector<1x1024x128xf32> to vector<1024x128xf32>
    %transpose3A = tpu.transpose %get3A_3, [1, 0] : vector<1024x128xf32> -> vector<128x1024xf32>
    %get3A_4 = arith.constant 0 : index
    %get3A_5 = arith.constant 0 : index
    %get3A_6 = vector.load %arg3[%get3A_4, %get3A_5] : memref<8x1024xf32, #tpu.memory_space<vmem>>, vector<1x1024xf32>
    %get3A_7 = vector.shape_cast %get3A_6 : vector<1x1024xf32> to vector<1024xf32>
    %broadcast_in_dim3A = vector.shape_cast %get3A_7 : vector<1024xf32> to vector<1x1024xf32>
    %mul3A = vector.broadcast %broadcast_in_dim3A : vector<1x1024xf32> to vector<128x1024xf32>
    %mul3A_8 = arith.mulf %transpose3A, %mul3A : vector<128x1024xf32>
    %swap3A = arith.constant 0 : index
    %swap3A_9 = arith.constant 0 : index
    %swap3A_10 = arith.constant 0 : index
    %swap3A_11 = vector.load %arg5[%swap3A, %swap3A_9, %swap3A_10] : memref<128x8x1024xf32, #tpu.memory_space<vmem>>, vector<128x1x1024xf32>
    %swap3A_12 = vector.shape_cast %swap3A_11 : vector<128x1x1024xf32> to vector<128x1024xf32>
    %swap3A_13 = vector.shape_cast %mul3A_8 : vector<128x1024xf32> to vector<128x1x1024xf32>
    tpu.vector_store %arg5[%swap3A, %swap3A_9, %swap3A_10], %swap3A_13 {strides = array<i32>} : memref<128x8x1024xf32, #tpu.memory_space<vmem>>, vector<128x1x1024xf32>,
    %get3A_14 = arith.constant 1 : index
    %get3A_15 = arith.constant 0 : index
    %get3A_16 = arith.constant 0 : index
    %get3A_17 = vector.load %arg2[%get3A_14, %get3A_15, %get3A_16] : memref<8x1024x128xf32, #tpu.memory_space<vmem>>, vector<1x1024x128xf32>
    %get3A_18 = vector.shape_cast %get3A_17 : vector<1x1024x128xf32> to vector<1024x128xf32>
    %transpose3A_19 = tpu.transpose %get3A_18, [1, 0] : vector<1024x128xf32> -> vector<128x1024xf32>
    %get3A_20 = arith.constant 1 : index
    %get3A_21 = arith.constant 0 : index
    %get3A_22 = vector.load %arg3[%get3A_20, %get3A_21] : memref<8x1024xf32, #tpu.memory_space<vmem>>, vector<1x1024xf32>
    %get3A_23 = vector.shape_cast %get3A_22 : vector<1x1024xf32> to vector<1024xf32>
    %broadcast_in_dim3A_24 = vector.shape_cast %get3A_23 : vector<1024xf32> to vector<1x1024xf32>
    %mul3A_25 = vector.broadcast %broadcast_in_dim3A_24 : vector<1x1024xf32> to vector<128x1024xf32>
    %mul3A_26 = arith.mulf %transpose3A_19, %mul3A_25 : vector<128x1024xf32>
    %swap3A_27 = arith.constant 0 : index
    %swap3A_28 = arith.constant 1 : index
    %swap3A_29 = arith.constant 0 : index
    %swap3A_30 = vector.load %arg5[%swap3A_27, %swap3A_28, %swap3A_29] : memref<128x8x1024xf32, #tpu.memory_space<vmem>>, vector<128x1x1024xf32>
    %swap3A_31 = vector.shape_cast %swap3A_30 : vector<128x1x1024xf32> to vector<128x1024xf32>
    %swap3A_32 = vector.shape_cast %mul3A_26 : vector<128x1024xf32> to vector<128x1x1024xf32>
    tpu.vector_store %arg5[%swap3A_27, %swap3A_28, %swap3A_29], %swap3A_32 {strides = array<i32>} : memref<128x8x1024xf32, #tpu.memory_space<vmem>>, vector<128x1x1024xf32>,
    %get3A_33 = arith.constant 2 : index
    %get3A_34 = arith.constant 0 : index
    %get3A_35 = arith.constant 0 : index
    %get3A_36 = vector.load %arg2[%get3A_33, %get3A_34, %get3A_35] : memref<8x1024x128xf32, #tpu.memory_space<vmem>>, vector<1x1024x128xf32>
    %get3A_37 = vector.shape_cast %get3A_36 : vector<1x1024x128xf32> to vector<1024x128xf32>
    %transpose3A_38 = tpu.transpose %get3A_37, [1, 0] : vector<1024x128xf32> -> vector<128x1024xf32>
    %get3A_39 = arith.constant 2 : index
    %get3A_40 = arith.constant 0 : index
    %get3A_41 = vector.load %arg3[%get3A_39, %get3A_40] : memref<8x1024xf32, #tpu.memory_space<vmem>>, vector<1x1024xf32>
    %get3A_42 = vector.shape_cast %get3A_41 : vector<1x1024xf32> to vector<1024xf32>
    %broadcast_in_dim3A_43 = vector.shape_cast %get3A_42 : vector<1024xf32> to vector<1x1024xf32>
    %mul3A_44 = vector.broadcast %broadcast_in_dim3A_43 : vector<1x1024xf32> to vector<128x1024xf32>
    %mul3A_45 = arith.mulf %transpose3A_38, %mul3A_44 : vector<128x1024xf32>
    %swap3A_46 = arith.constant 0 : index
    %swap3A_47 = arith.constant 2 : index
    %swap3A_48 = arith.constant 0 : index
    %swap3A_49 = vector.load %arg5[%swap3A_46, %swap3A_47, %swap3A_48] : memref<128x8x1024xf32, #tpu.memory_space<vmem>>, vector<128x1x1024xf32>
    %swap3A_50 = vector.shape_cast %swap3A_49 : vector<128x1x1024xf32> to vector<128x1024xf32>
    %swap3A_51 = vector.shape_cast %mul3A_45 : vector<128x1024xf32> to vector<128x1x1024xf32>
    tpu.vector_store %arg5[%swap3A_46, %swap3A_47, %swap3A_48], %swap3A_51 {strides = array<i32>} : memref<128x8x1024xf32, #tpu.memory_space<vmem>>, vector<128x1x1024xf32>,
    %get3A_52 = arith.constant 3 : index
    %get3A_53 = arith.constant 0 : index
    %get3A_54 = arith.constant 0 : index
    %get3A_55 = vector.load %arg2[%get3A_52, %get3A_53, %get3A_54] : memref<8x1024x128xf32, #tpu.memory_space<vmem>>, vector<1x1024x128xf32>
    %get3A_56 = vector.shape_cast %get3A_55 : vector<1x1024x128xf32> to vector<1024x128xf32>
    %transpose3A_57 = tpu.transpose %get3A_56, [1, 0] : vector<1024x128xf32> -> vector<128x1024xf32>
    %get3A_58 = arith.constant 3 : index
    %get3A_59 = arith.constant 0 : index
    %get3A_60 = vector.load %arg3[%get3A_58, %get3A_59] : memref<8x1024xf32, #tpu.memory_space<vmem>>, vector<1x1024xf32>
    %get3A_61 = vector.shape_cast %get3A_60 : vector<1x1024xf32> to vector<1024xf32>
    %broadcast_in_dim3A_62 = vector.shape_cast %get3A_61 : vector<1024xf32> to vector<1x1024xf32>
    %mul3A_63 = vector.broadcast %broadcast_in_dim3A_62 : vector<1x1024xf32> to vector<128x1024xf32>
    %mul3A_64 = arith.mulf %transpose3A_57, %mul3A_63 : vector<128x1024xf32>
    %swap3A_65 = arith.constant 0 : index
    %swap3A_66 = arith.constant 3 : index
    %swap3A_67 = arith.constant 0 : index
    %swap3A_68 = vector.load %arg5[%swap3A_65, %swap3A_66, %swap3A_67] : memref<128x8x1024xf32, #tpu.memory_space<vmem>>, vector<128x1x1024xf32>
    %swap3A_69 = vector.shape_cast %swap3A_68 : vector<128x1x1024xf32> to vector<128x1024xf32>
    %swap3A_70 = vector.shape_cast %mul3A_64 : vector<128x1024xf32> to vector<128x1x1024xf32>
    tpu.vector_store %arg5[%swap3A_65, %swap3A_66, %swap3A_67], %swap3A_70 {strides = array<i32>} : memref<128x8x1024xf32, #tpu.memory_space<vmem>>, vector<128x1x1024xf32>,
    %get3A_71 = arith.constant 4 : index
    %get3A_72 = arith.constant 0 : index
    %get3A_73 = arith.constant 0 : index
    %get3A_74 = vector.load %arg2[%get3A_71, %get3A_72, %get3A_73] : memref<8x1024x128xf32, #tpu.memory_space<vmem>>, vector<1x1024x128xf32>
    %get3A_75 = vector.shape_cast %get3A_74 : vector<1x1024x128xf32> to vector<1024x128xf32>
    %transpose3A_76 = tpu.transpose %get3A_75, [1, 0] : vector<1024x128xf32> -> vector<128x1024xf32>
    %get3A_77 = arith.constant 4 : index
    %get3A_78 = arith.constant 0 : index
    %get3A_79 = vector.load %arg3[%get3A_77, %get3A_78] : memref<8x1024xf32, #tpu.memory_space<vmem>>, vector<1x1024xf32>
    %get3A_80 = vector.shape_cast %get3A_79 : vector<1x1024xf32> to vector<1024xf32>
    %broadcast_in_dim3A_81 = vector.shape_cast %get3A_80 : vector<1024xf32> to vector<1x1024xf32>
    %mul3A_82 = vector.broadcast %broadcast_in_dim3A_81 : vector<1x1024xf32> to vector<128x1024xf32>
    %mul3A_83 = arith.mulf %transpose3A_76, %mul3A_82 : vector<128x1024xf32>
    %swap3A_84 = arith.constant 0 : index
    %swap3A_85 = arith.constant 4 : index
    %swap3A_86 = arith.constant 0 : index
    %swap3A_87 = vector.load %arg5[%swap3A_84, %swap3A_85, %swap3A_86] : memref<128x8x1024xf32, #tpu.memory_space<vmem>>, vector<128x1x1024xf32>
    %swap3A_88 = vector.shape_cast %swap3A_87 : vector<128x1x1024xf32> to vector<128x1024xf32>
    %swap3A_89 = vector.shape_cast %mul3A_83 : vector<128x1024xf32> to vector<128x1x1024xf32>
    tpu.vector_store %arg5[%swap3A_84, %swap3A_85, %swap3A_86], %swap3A_89 {strides = array<i32>} : memref<128x8x1024xf32, #tpu.memory_space<vmem>>, vector<128x1x1024xf32>,
    %get3A_90 = arith.constant 5 : index
    %get3A_91 = arith.constant 0 : index
    %get3A_92 = arith.constant 0 : index
    %get3A_93 = vector.load %arg2[%get3A_90, %get3A_91, %get3A_92] : memref<8x1024x128xf32, #tpu.memory_space<vmem>>, vector<1x1024x128xf32>
    %get3A_94 = vector.shape_cast %get3A_93 : vector<1x1024x128xf32> to vector<1024x128xf32>
    %transpose3A_95 = tpu.transpose %get3A_94, [1, 0] : vector<1024x128xf32> -> vector<128x1024xf32>
    %get3A_96 = arith.constant 5 : index
    %get3A_97 = arith.constant 0 : index
    %get3A_98 = vector.load %arg3[%get3A_96, %get3A_97] : memref<8x1024xf32, #tpu.memory_space<vmem>>, vector<1x1024xf32>
    %get3A_99 = vector.shape_cast %get3A_98 : vector<1x1024xf32> to vector<1024xf32>
    %broadcast_in_dim3A_100 = vector.shape_cast %get3A_99 : vector<1024xf32> to vector<1x1024xf32>
    %mul3A_101 = vector.broadcast %broadcast_in_dim3A_100 : vector<1x1024xf32> to vector<128x1024xf32>
    %mul3A_102 = arith.mulf %transpose3A_95, %mul3A_101 : vector<128x1024xf32>
    %swap3A_103 = arith.constant 0 : index
    %swap3A_104 = arith.constant 5 : index
    %swap3A_105 = arith.constant 0 : index
    %swap3A_106 = vector.load %arg5[%swap3A_103, %swap3A_104, %swap3A_105] : memref<128x8x1024xf32, #tpu.memory_space<vmem>>, vector<128x1x1024xf32>
    %swap3A_107 = vector.shape_cast %swap3A_106 : vector<128x1x1024xf32> to vector<128x1024xf32>
    %swap3A_108 = vector.shape_cast %mul3A_102 : vector<128x1024xf32> to vector<128x1x1024xf32>
    tpu.vector_store %arg5[%swap3A_103, %swap3A_104, %swap3A_105], %swap3A_108 {strides = array<i32>} : memref<128x8x1024xf32, #tpu.memory_space<vmem>>, vector<128x1x1024xf32>,
    %get3A_109 = arith.constant 6 : index
    %get3A_110 = arith.constant 0 : index
    %get3A_111 = arith.constant 0 : index
    %get3A_112 = vector.load %arg2[%get3A_109, %get3A_110, %get3A_111] : memref<8x1024x128xf32, #tpu.memory_space<vmem>>, vector<1x1024x128xf32>
    %get3A_113 = vector.shape_cast %get3A_112 : vector<1x1024x128xf32> to vector<1024x128xf32>
    %transpose3A_114 = tpu.transpose %get3A_113, [1, 0] : vector<1024x128xf32> -> vector<128x1024xf32>
    %get3A_115 = arith.constant 6 : index
    %get3A_116 = arith.constant 0 : index
    %get3A_117 = vector.load %arg3[%get3A_115, %get3A_116] : memref<8x1024xf32, #tpu.memory_space<vmem>>, vector<1x1024xf32>
    %get3A_118 = vector.shape_cast %get3A_117 : vector<1x1024xf32> to vector<1024xf32>
    %broadcast_in_dim3A_119 = vector.shape_cast %get3A_118 : vector<1024xf32> to vector<1x1024xf32>
    %mul3A_120 = vector.broadcast %broadcast_in_dim3A_119 : vector<1x1024xf32> to vector<128x1024xf32>
    %mul3A_121 = arith.mulf %transpose3A_114, %mul3A_120 : vector<128x1024xf32>
    %swap3A_122 = arith.constant 0 : index
    %swap3A_123 = arith.constant 6 : index
    %swap3A_124 = arith.constant 0 : index
    %swap3A_125 = vector.load %arg5[%swap3A_122, %swap3A_123, %swap3A_124] : memref<128x8x1024xf32, #tpu.memory_space<vmem>>, vector<128x1x1024xf32>
    %swap3A_126 = vector.shape_cast %swap3A_125 : vector<128x1x1024xf32> to vector<128x1024xf32>
    %swap3A_127 = vector.shape_cast %mul3A_121 : vector<128x1024xf32> to vector<128x1x1024xf32>
    tpu.vector_store %arg5[%swap3A_122, %swap3A_123, %swap3A_124], %swap3A_127 {strides = array<i32>} : memref<128x8x1024xf32, #tpu.memory_space<vmem>>, vector<128x1x1024xf32>,
    %get3A_128 = arith.constant 7 : index
    %get3A_129 = arith.constant 0 : index
    %get3A_130 = arith.constant 0 : index
    %get3A_131 = vector.load %arg2[%get3A_128, %get3A_129, %get3A_130] : memref<8x1024x128xf32, #tpu.memory_space<vmem>>, vector<1x1024x128xf32>
    %get3A_132 = vector.shape_cast %get3A_131 : vector<1x1024x128xf32> to vector<1024x128xf32>
    %transpose3A_133 = tpu.transpose %get3A_132, [1, 0] : vector<1024x128xf32> -> vector<128x1024xf32>
    %get3A_134 = arith.constant 7 : index
    %get3A_135 = arith.constant 0 : index
    %get3A_136 = vector.load %arg3[%get3A_134, %get3A_135] : memref<8x1024xf32, #tpu.memory_space<vmem>>, vector<1x1024xf32>
    %get3A_137 = vector.shape_cast %get3A_136 : vector<1x1024xf32> to vector<1024xf32>
    %broadcast_in_dim3A_138 = vector.shape_cast %get3A_137 : vector<1024xf32> to vector<1x1024xf32>
    %mul3A_139 = vector.broadcast %broadcast_in_dim3A_138 : vector<1x1024xf32> to vector<128x1024xf32>
    %mul3A_140 = arith.mulf %transpose3A_133, %mul3A_139 : vector<128x1024xf32>
    %swap3A_141 = arith.constant 0 : index
    %swap3A_142 = arith.constant 7 : index
    %swap3A_143 = arith.constant 0 : index
    %swap3A_144 = vector.load %arg5[%swap3A_141, %swap3A_142, %swap3A_143] : memref<128x8x1024xf32, #tpu.memory_space<vmem>>, vector<128x1x1024xf32>
    %swap3A_145 = vector.shape_cast %swap3A_144 : vector<128x1x1024xf32> to vector<128x1024xf32>
    %swap3A_146 = vector.shape_cast %mul3A_140 : vector<128x1024xf32> to vector<128x1x1024xf32>
    tpu.vector_store %arg5[%swap3A_141, %swap3A_142, %swap3A_143], %swap3A_146 {strides = array<i32>} : memref<128x8x1024xf32, #tpu.memory_space<vmem>>, vector<128x1x1024xf32>,
    return
  }
  func.func @transform_0(%arg0: i32, %arg1: i32) -> (i32, i32, i32) {
    %c0_i32 = arith.constant 0 : i32
    %c0_i32_0 = arith.constant 0 : i32
    return %arg0, %arg1, %c0_i32 : i32, i32, i32
  }
  func.func @transform_1(%arg0: i32, %arg1: i32) -> (i32, i32) {
    %add3A = arith.constant 6 : i32
    %add3A_0 = arith.addi %add3A, %arg0 : i32
    %c0_i32 = arith.constant 0 : i32
    return %add3A_0, %arg1 : i32, i32
  }
  func.func @transform_3(%arg0: i32, %arg1: i32) -> (i32, i32, i32) {
    %add3A = arith.constant 6 : i32
    %add3A_0 = arith.addi %add3A, %arg0 : i32
    %c0_i32 = arith.constant 0 : i32
    %c0_i32_1 = arith.constant 0 : i32
    return %c0_i32, %add3A_0, %arg1 : i32, i32, i32
  }
}

</mosaic_0001>

<sc_bundles>
// kernel: _mapper.12.cloned.1.call-start
scs
__scs_entry_jumppad:
0x0: {  	(pc) =	sbr.rel $0x88, $3  }
0x1: {  	(tag) =	ssettag $0x0;
	lr =	simm.s32 $0x1  }
0x2: {  	[smem:$0x3F9D] =	sst lr;
	_ =	strace $0xD0000000  }
0x3: {  	_ = 	snop  }
0x4: {  	_ = 	snop  }
0x5: {  	_ = 	snop  }
0x6: {  	_ = 	snop  }
0x7: {  	_ = 	snop  }
__scs_overlays_trampoline_lowered:
0x8: {  	[smem:$0x3FAC] =	sst s0  }
0x9: {  	[smem:$0x3FAD] =	sst s1  }
0xa: {  	[smem:$0x3FAE] =	sst s2  }
0xb: {  	[smem:$0x3FAF] =	sst s3  }
0xc: {  	[smem:$0x3FB0] =	sst s4  }
0xd: {  	[smem:$0x3FB1] =	sst s5  }
0xe: {  	[smem:$0x3FB2] =	sst s6  }
0xf: {  	[smem:$0x3FB3] =	sst s7  }
0x10: {  	[smem:$0x3FB4] =	sst s8  }
0x11: {  	[smem:$0x3FB5] =	sst s9;
	s0 =	simm.s32 @!p0 $0x0  }
0x12: {  	s1 =	sld [smem:$0x3F9B];
	s0 =	simm.s32 @p0 $0x1  }
0x13: {  	[smem:$0x3FB6] =	sst s0;
	s0 =	simm.s32 @!p1 $0x0  }
0x14: {  	s2 =	sld [smem:$0x3F9A];
	s0 =	simm.s32 @p1 $0x1  }
0x15: {  	[smem:$0x3FB7] =	sst s0;
	s0 =	simm.s32 @!p2 $0x0  }
0x16: {  	s3 =	sld [smem:$0x3FDB];
	s0 =	simm.s32 @p2 $0x1  }
0x17: {  	s4 =	simm.s32 $0x1BF5;
	[smem:$0x3FB9] =	sst s0  }
0x18: {  	s0 =	sld [smem:$0x3F9C];
	_ =	swait.ge [sflag:s4], $0x0  }
0x19: {  	s7 =	sld [smem:$0x3F9D]  }
0x1a: {  	s8 =	sadd.s32 $0xFFFFE003, lr  }
0x1b: {  	s9 =	sadd.s32 $0xFFFFFEF7, lr;
	s5 =	simm.s32 $0xFFFFFFFF;
	p2 =	slt.u32 s8, $0xFFFFF086  }
0x1c: {  	p1 =	slt.u32 s9, $0xF7A;
	s5 =	simm.s32 @!p2 $0x0  }
0x1d: {  	s5 =	simm.s32 @p1 $0x1;
	p0 =	seq.s32 s7, s2  }
0x1e: {  	s7 =	smul.u32 @!p0 $0xF7A, s2;
	p2 =	seq.s32 @!p0 s5, $0x0  }
0x1f: {  	s9 =	smul.u32 $0xF7A, s1;
	s8 =	simm.s32 @!p0 $0x1BF5;
	p2 =	por !p2, p0  }
0x20: {  	[sflag:s8] =	ssyncset.s32 @!p0 $0xFFFFF086;
	s6 =	sadd.s32 @!p0 s3, s7;
	s7 =	simm.s32 @!p0 $0x108  }
0x21: {  	s3 =	sadd.s32 s3, s9;
	s6 =	sadd.s32 @!p0 $0x88, s6;
	s7 =	simm.s32 @p2 $0x1082  }
0x22: {  	[simem:s7], [sflag:s8] =	dma.local @!p0 [hbm:s6], $0xF7A  }
0x23: {  	s9 =	sor.u32 $0xD0000000, s2;
	s6 =	simm.s32 $0x108;
	_ =	swait.ge @!p0 [sflag:s8], $0x0  }
0x24: {  	s3 =	sadd.s32 $0x88, s3;
	s6 =	simm.s32 @!p1 $0x1082;
	[sflag:s4] =	ssyncset.s32 $0xFFFFF086  }
0x25: {  	[simem:s6], [sflag:s4] =	dma.local [hbm:s3], $0xF7A  }
0x26: {  	[smem:$0x3F9D] =	sst s1;
	(tag) =	ssettag s2;
	_ =	strace s9  }
0x27: {  	s1 =	sld [smem:$0x3FAD]  }
0x28: {  	s2 =	sld [smem:$0x3FAE]  }
0x29: {  	s4 =	sld [smem:$0x3FB0]  }
0x2a: {  	p0 =	seq.s32 s5, $0x0;
	s5 =	sld [smem:$0x3FB1]  }
0x2b: {  	s6 =	sld [smem:$0x3FB2]  }
0x2c: {  	s7 =	sld [smem:$0x3FB3]  }
0x2d: {  	s3 =	simm.s32 $0x108;
	s8 =	sld [smem:$0x3FB4]  }
0x2e: {  	s3 =	simm.s32 @!p0 $0x1082;
	s9 =	sld [smem:$0x3FB5]  }
0x2f: {  	lr =	sadd.s32 s0, s3;
	s0 =	sld [smem:$0x3FAC]  }
0x30: {  	s3 =	sld [smem:$0x3FAF]  }
0x31: {  	[smem:$0x3FB8] =	sst s10  }
0x32: {  	s10 =	sld [smem:$0x3FB6];
	_ =	sdelay $0x3  }
0x33: {  	p0 =	seq.s32 s10, $0x1;
	s10 =	sld [smem:$0x3FB8];
	_ =	sdelay $0x3  }
0x34: {  	[smem:$0x3FB8] =	sst s10  }
0x35: {  	s10 =	sld [smem:$0x3FB7];
	_ =	sdelay $0x3  }
0x36: {  	p1 =	seq.s32 s10, $0x1;
	s10 =	sld [smem:$0x3FB8];
	_ =	sdelay $0x3  }
0x37: {  	[smem:$0x3FB8] =	sst s10  }
0x38: {  	s10 =	sld [smem:$0x3FB9]  }
0x39: {  	_ = 	snop;
	(pc) =	sbr.ind lr, $3  }
0x3a: {  	_ = 	snop  }
0x3b: {  	_ = 	snop  }
0x3c: {  	p2 =	seq.s32 s10, $0x1;
	s10 =	sld [smem:$0x3FB8]  }
0x3d: {  	_ =	shalt  }
0x3e: {  	_ =	shalt  }
0x3f: {  	_ =	shalt  }
0x40: {  	_ =	shalt  }
0x41: {  	_ =	shalt  }
0x42: {  	_ =	shalt  }
0x43: {  	_ =	shalt  }
0x44: {  	_ =	shalt  }
0x45: {  	_ =	shalt  }
0x46: {  	_ =	shalt  }
0x47: {  	_ =	shalt  }
0x48: {  	_ =	shalt  }
0x49: {  	_ =	shalt  }
0x4a: {  	_ =	shalt  }
0x4b: {  	_ =	shalt  }
0x4c: {  	_ =	shalt  }
0x4d: {  	_ =	shalt  }
0x4e: {  	_ =	shalt  }
0x4f: {  	_ =	shalt  }
0x50: {  	_ =	shalt  }
0x51: {  	_ =	shalt  }
0x52: {  	_ =	shalt  }
0x53: {  	_ =	shalt  }
0x54: {  	_ =	shalt  }
0x55: {  	_ =	shalt  }
0x56: {  	_ =	shalt  }
0x57: {  	_ =	shalt  }
0x58: {  	_ =	shalt  }
0x59: {  	_ =	shalt  }
0x5a: {  	_ =	shalt  }
0x5b: {  	_ =	shalt  }
0x5c: {  	_ =	shalt  }
0x5d: {  	_ =	shalt  }
0x5e: {  	_ =	shalt  }
0x5f: {  	_ =	shalt  }
0x60: {  	_ =	shalt  }
0x61: {  	_ =	shalt  }
0x62: {  	_ =	shalt  }
0x63: {  	_ =	shalt  }
0x64: {  	_ =	shalt  }
0x65: {  	_ =	shalt  }
0x66: {  	_ =	shalt  }
0x67: {  	_ =	shalt  }
0x68: {  	_ =	shalt  }
0x69: {  	_ =	shalt  }
0x6a: {  	_ =	shalt  }
0x6b: {  	_ =	shalt  }
0x6c: {  	_ =	shalt  }
0x6d: {  	_ =	shalt  }
0x6e: {  	_ =	shalt  }
0x6f: {  	_ =	shalt  }
0x70: {  	_ =	shalt  }
0x71: {  	_ =	shalt  }
0x72: {  	_ =	shalt  }
0x73: {  	_ =	shalt  }
0x74: {  	_ =	shalt  }
0x75: {  	_ =	shalt  }
0x76: {  	_ =	shalt  }
0x77: {  	_ =	shalt  }
0x78: {  	_ =	shalt  }
0x79: {  	_ =	shalt  }
0x7a: {  	_ =	shalt  }
0x7b: {  	_ =	shalt  }
0x7c: {  	_ =	shalt  }
0x7d: {  	_ =	shalt  }
0x7e: {  	_ =	shalt  }
0x7f: {  	_ =	shalt  }
0x80: {  	_ =	shalt  }
0x81: {  	_ =	shalt  }
0x82: {  	_ =	shalt  }
0x83: {  	_ =	shalt  }
0x84: {  	_ =	shalt  }
0x85: {  	_ =	shalt  }
0x86: {  	_ =	shalt  }
0x87: {  	_ =	shalt  }
.Lfunc_end0:
.L_simem_size_0:
called_computation_lowered:
.L_overlay_start_0:
0x88: {  	s2 =	sld [smem:$0x3FD9]  }
0x89: {  	s3 =	sld [smem:$0x3FFE];
	_ =	sdelay $0x1  }
0x8a: {  	s1 =	srdreg.scid  }
0x8b: {  	s0 =	sand.u32 $0x1, s1  }
0x8c: {  	s18 =	sshll.u32 s0, $0xA;
	s2 =	sadd.s32 s3, s2  }
0x8d: {  	s2 =	sadd.s32 s2, s18  }
0x8e: {  	[smem:$0x3FC4] =	sst s2  }
0x8f: {  	_ = 	snop  }
0x90: {  	s2 =	sld [smem:$0x3FC8]  }
0x91: {  	s19 =	sld [smem:$0x3FC6]  }
0x92: {  	s4 =	sld [smem:$0x3FD0];
	(tm) =	ssettm $0x1  }
0x93: {  	s5 =	sld [smem:$0x3FFB];
	_ =	sdelay $0x3  }
0x94: {  	_ =	strace s5  }
0x95: {  	s5 =	sld [smem:$0x3FFC];
	_ =	sdelay $0x3  }
0x96: {  	_ =	strace s5  }
0x97: {  	s5 =	sld [smem:$0x3FFD];
	_ =	sdelay $0x3  }
0x98: {  	_ =	strace s5  }
0x99: {  	_ =	strace $0x8FFFFFFF  }
0x9a: {  	s20 =	sld [smem:$0x3FDB];
	_ =	sdelay $0x1  }
0x9b: {  	s6 =	simm.s32 $_scs_section_size  }
0x9c: {  	s7 =	simm.s32 $_size__tile_overlayer_lowered;
	s8 =	simm.s32 $_tile_overlayer_lowered  }
0x9d: {  	s23 =	simm.s32 $0x1BFF;
	s22 =	sshll.u32 s8, $0x1;
	s5 =	sadd.s32 s6, s20  }
0x9e: {  	s9 =	simm.s32 $0x0;
	s21 =	sshll.u32 s7, $0x1;
	s7 =	sadd.s32 s22, s5  }
0x9f: {  	[timem:s9], [sflag:s23] =	dma.local [hbm:s7], s21  }
0xa0: {  	_ =	swait.ge [sflag:s23], s21  }
0xa1: {  	s6 =	ssub.s32 $0x0, s21;
	[sflag:s23] =	ssyncset.done $0x0  }
0xa2: {  	[sflag:s23] =	ssyncadd.s32 s6;
	_ =	sdelay $0x1  }
0xa3: {  	s24 =	simm.s32 $0x1B8B  }
0xa4: {  	_ =	swait.ge [sflag:s24], $0x1  }
0xa5: {  	[sflag:s24] =	ssyncset.done $0x0  }
0xa6: {  	s25 =	simm.s32 $0x1B8E;
	[sflag:s24] =	ssyncadd.s32 $0xFFFFFFFF  }
0xa7: {  	s26 =	simm.s32 $execute0_lowered;
	[smem:$0x3FD2] =	sst s25  }
0xa8: {  	s6 =	sshll.u32 s26, $0x1;
	_ =	strace $0x80000046;
	[dreg:$0x1] =	wrdreg $0xFFFFFFFF  }
0xa9: {  	s28 =	simm.s32 $_size_execute0_lowered;
	s5 =	sadd.s32 s5, s6;
	[dreg:$0x0] =	wrdreg $0x0  }
0xaa: {  	s6 =	sshll.u32 s28, $0x1;
	[dreg:$0x2] =	wrdreg s5  }
0xab: {  	[dreg:$0x3] =	wrdreg s6  }
0xac: {  	[dreg:$0x4] =	wrdreg $0xC0  }
0xad: {  	_ =	task [dreg:s9], $0x5FFFF  }
0xae: {  	[dreg:$0x1] =	wrdreg $0xFFFFFFFF  }
0xaf: {  	[dreg:$0x0] =	wrdreg $0x60  }
0xb0: {  	[dreg:$0x2] =	wrdreg s2  }
0xb1: {  	[dreg:$0x3] =	wrdreg s19  }
0xb2: {  	[dreg:$0x4] =	wrdreg s4  }
0xb3: {  	[dreg:$0x5] =	wrdreg $0x9  }
0xb4: {  	_ =	task.clear_ibuf [dreg:s9], $0x6FFFF;
	_ =	strace $0x90000046  }
0xb5: {  	s29 =	simm.s32 $0x9;
	_ =	strace $0x80000048  }
0xb6: {  	_ =	swait.ge [sflag:s29], $0x1  }
0xb7: {  	[sflag:s29] =	ssyncadd.s32 $0xFFFFFFFF  }
0xb8: {  	_ =	strace $0x90000048  }
0xb9: {  	_ =	sfence  }
0xba: {  	s30 =	sld [smem:$0x0];
	_ =	sdelay $0x2  }
0xbb: {  	s31 =	sshll.u32 s1, $0xD;
	s1 =	sshrl.u32 s1, $0x2  }
0xbc: {  	s3 =	sand.u32 $0x4000, s31;
	s1 =	sadd.s32 s1, s30  }
0xbd: {  	s0 =	sor.u32 s3, s0;
	s1 =	sshll.u32 s1, $0x11  }
0xbe: {  	s0 =	sor.u32 s1, s0  }
0xbf: {  	s0 =	sadd.s32 $0x8F2B, s0  }
0xc0: {  	[sflag:s0] =	ssyncadd.remote.s32 $0x1  }
0xc1: {  	_ =	sfence.sel $0xFFFF  }
0xc2: {  	[dreg:$0x0] =	wrdreg $0xFFFFFFFF;
	(pc) =	sbr.abs _section_cstart, $3  }
0xc3: {  	[dreg:$0x1] =	wrdreg $0xFFFFFFFF  }
0xc4: {  	_ =	task.clear_ibuf [dreg:s9], $0x2FFFF;
	_ =	strace $0x9FFFFFFF  }
0xc5: {  	(tm) =	ssettm $0x7FFFFFFF  }
tec
execute0_lowered:
.L_overlay_start_1:
0x0: {  	(tag) =	ssettag $0x1  }
0x1: {  	s2 =	rddreg [dreg:$0x0]  }
0x2: {  	s4 =	rddreg [dreg:$0x1]  }
0x3: {  	s14 =	rddreg [dreg:$0x2];
	s3 =	srdreg.scid  }
0x4: {  	s0 =	rddreg [dreg:$0x3];
	s1 =	stileid.u32;
	s15 =	sand.u32 $0x1, s3  }
0x5: {  	s3 =	simm.s32 $0x0;
	s5 =	sshll.u32 s1, $0xB;
	s6 =	sshll.u32 s15, $0xA  }
0x6: {  	[smem:$0x7FF] =	sst s3;
	s16 =	sor.u32 s6, s5  }
0x7: {  	_ =	strace $0x80000047;
	s5 =	sadd.s32 s4, s16;
	s4 =	simm.s32 $0x2  }
0x8: {  	[tilespmem:s3], [sflag:$0x2] =	stream.linear.gather [hbm4b:s5+s3], $0x2000, $0x38;
	[tilespmem:$0x4000] =	vst v63  }
0x9: {  	_ =	swait.ge [sflag:s4], $0x2000  }
0xa: {  	[sflag:s4] =	ssyncset.done $0x0  }
0xb: {  	s7 =	simm.s32 $0x2000;
	s6 =	simm.s32 $0x800;
	[sflag:s4] =	ssyncadd.s32 $0xFFFFE000  }
0xc: {  	[tilespmem:s7], [sflag:$0x1] =	stream.indirect.gather [hbm4b:s2+s6], $0x1, s3, s6, $0xb8;
	[tilespmem:$0x4000] =	vst v63  }
0xd: {  	s8 =	simm.s32 $0x2800  }
0xe: {  	[tilespmem:s8], [sflag:$0x1] =	stream.indirect.gather [hbm4b:s2+s6], $0x1, s6, s6, $0xb8;
	[tilespmem:$0x4000] =	vst v63  }
0xf: {  	s9 =	simm.s32 $0x1000;
	s10 =	simm.s32 $0x3000  }
0x10: {  	[tilespmem:s10], [sflag:$0x1] =	stream.indirect.gather [hbm4b:s2+s6], $0x1, s9, s6, $0xb8;
	[tilespmem:$0x4000] =	vst v63  }
0x11: {  	s11 =	simm.s32 $0x1800;
	s12 =	simm.s32 $0x3800;
	s13 =	simm.s32 $0x1  }
0x12: {  	[tilespmem:s12], [sflag:$0x1] =	stream.indirect.gather [hbm4b:s2+s6], $0x1, s11, s6, $0xb8;
	[tilespmem:$0x4000] =	vst v63  }
0x13: {  	_ =	swait.ge [sflag:s13], $0x800  }
0x14: {  	[sflag:s13] =	ssyncset.done $0x0  }
0x15: {  	[sflag:s13] =	ssyncadd.s32 $0xFFFFF800  }
0x16: {  	_ =	swait.ge [sflag:s13], $0x800  }
0x17: {  	[sflag:s13] =	ssyncset.done $0x0  }
0x18: {  	s15 =	ssub.s32 $0x2, s15;
	[sflag:s13] =	ssyncadd.s32 $0xFFFFF800  }
0x19: {  	s17 =	sshrl.u32 s15, $0x1;
	_ =	swait.ge [sflag:s13], $0x800  }
0x1a: {  	s15 =	ssub.s32 s15, s17;
	[sflag:s13] =	ssyncset.done $0x0  }
0x1b: {  	s15 =	smax.u32 s15, $0x1;
	[sflag:s13] =	ssyncadd.s32 $0xFFFFF800  }
0x1c: {  	p0 =	sne.s32 s15, $0x1;
	_ =	swait.ge [sflag:s13], $0x800  }
.Ltmp0:
0x1d: {  	[sflag:s13] =	ssyncset.done $0x0;
	(pc) =	sbr.rel @!p0 .LBB2_2-.Ltmp0, $4  }
0x1e: {  	s14 =	sadd.s32 s14, s16;
	[sflag:s13] =	ssyncadd.s32 $0xFFFFF800  }
0x1f: {  	[hbm4b:s14+s3] =	stream.linear.scatter [tilespmem:s7], [sflag:$0x2], $0x2000, $0x38;
	[tilespmem:$0x4000] =	vst v63  }
0x20: {  	_ =	swait.ge [sflag:s4], $0x2000  }
0x21: {  	s15 =	sadd.s32 $0xFFFFFFFF, s15;
	[sflag:s4] =	ssyncset.done $0x0  }
.LBB2_1:
0x22: {  	p0 =	sne.s32 s15, $0x1;
	s15 =	sadd.s32 $0xFFFFFFFF, s15;
	[sflag:s4] =	ssyncadd.s32 $0xFFFFE000  }
0x23: {  	[tilespmem:s3], [sflag:$0x2] =	stream.linear.gather [hbm4b:s5+s3], $0x2000, $0x38;
	[tilespmem:$0x4000] =	vst v63  }
0x24: {  	_ =	swait.ge [sflag:s4], $0x2000  }
0x25: {  	[sflag:s4] =	ssyncset.done $0x0  }
0x26: {  	[sflag:s4] =	ssyncadd.s32 $0xFFFFE000  }
0x27: {  	[tilespmem:s7], [sflag:$0x1] =	stream.indirect.gather [hbm4b:s2+s6], $0x1, s3, s6, $0xb8;
	[tilespmem:$0x4000] =	vst v63  }
0x28: {  	_ = 	snop  }
0x29: {  	[tilespmem:s8], [sflag:$0x1] =	stream.indirect.gather [hbm4b:s2+s6], $0x1, s6, s6, $0xb8;
	[tilespmem:$0x4000] =	vst v63  }
0x2a: {  	_ = 	snop  }
0x2b: {  	[tilespmem:s10], [sflag:$0x1] =	stream.indirect.gather [hbm4b:s2+s6], $0x1, s9, s6, $0xb8;
	[tilespmem:$0x4000] =	vst v63  }
0x2c: {  	_ = 	snop  }
0x2d: {  	[tilespmem:s12], [sflag:$0x1] =	stream.indirect.gather [hbm4b:s2+s6], $0x1, s11, s6, $0xb8;
	[tilespmem:$0x4000] =	vst v63  }
0x2e: {  	_ =	swait.ge [sflag:s13], $0x800  }
0x2f: {  	[sflag:s13] =	ssyncset.done $0x0  }
0x30: {  	[sflag:s13] =	ssyncadd.s32 $0xFFFFF800  }
0x31: {  	_ =	swait.ge [sflag:s13], $0x800  }
0x32: {  	[sflag:s13] =	ssyncset.done $0x0  }
0x33: {  	[sflag:s13] =	ssyncadd.s32 $0xFFFFF800  }
0x34: {  	_ =	swait.ge [sflag:s13], $0x800  }
0x35: {  	[sflag:s13] =	ssyncset.done $0x0  }
0x36: {  	[sflag:s13] =	ssyncadd.s32 $0xFFFFF800  }
0x37: {  	_ =	swait.ge [sflag:s13], $0x800  }
.Ltmp1:
0x38: {  	[sflag:s13] =	ssyncset.done $0x0;
	(pc) =	sbr.rel @p0 .LBB2_1-.Ltmp1, $4  }
0x39: {  	[sflag:s13] =	ssyncadd.s32 $0xFFFFF800  }
0x3a: {  	[hbm4b:s14+s3] =	stream.linear.scatter [tilespmem:s7], [sflag:$0x2], $0x2000, $0x38;
	[tilespmem:$0x4000] =	vst v63  }
0x3b: {  	_ =	swait.ge [sflag:s4], $0x2000  }
0x3c: {  	[sflag:s4] =	ssyncset.done $0x0  }
.LBB2_2:
0x3d: {  	[sflag:s4] =	ssyncadd.s32 $0xFFFFE000  }
0x3e: {  	_ =	sfence.sel $0x180000  }
0x3f: {  	[bflag:$0x0] =	sbarrier.arrive $0xFFFF  }
0x40: {  	p0 =	sne.s32 s1, $0x0;
	_ =	strace $0x90000047  }
0x41: {  	s0 =	sadd.s32 @!p0 $0x100000, s0;
	[bflag:$0x2] =	sbarrier.arrive $0xFFFF  }
0x42: {  	[sflag:s0] =	ssyncadd.tile.s32 @!p0 $0x1;
	_ =	shalt  }
.Lfunc_end2:
_tile_overlayer_lowered:
.L_overlay_start_2:
0x43: {  	(tag) =	ssettag $0x2  }
0x44: {  	s0 =	rddreg [dreg:$0x0];
	s2 =	stileid.u32  }
0x45: {  	s1 =	rddreg [dreg:$0x1];
	p0 =	sne.s32 s2, $0x0  }
0x46: {  	s3 =	rddreg [dreg:$0x2];
	[bflag:$0x3] =	sbarrier.arrive $0xFFFF;
	s2 =	simm.s32 @!p0 $0x1C02  }
0x47: {  	[timem:s3], [sflag:s2] =	dma.local @!p0 [hbm:s0], s1  }
0x48: {  	s0 =	simm.s32 @!p0 $0x2  }
0x49: {  	_ =	swait.ge @!p0 [sflag:s0], s1  }
0x4a: {  	s1 =	ssub.s32 @!p0 $0x0, s1;
	[sflag:s0] =	ssyncset.done @!p0 $0x0  }
0x4b: {  	[sflag:s0] =	ssyncadd.s32 @!p0 s1  }
0x4c: {  	[bflag:$0x3] =	sbarrier.arrive $0xFFFF  }
0x4d: {  	_ =	shalt  }

// kernel: _mapper.15.cloned.1.call-start
scs
__scs_entry_jumppad:
0x0: {  	(pc) =	sbr.rel $0x88, $3  }
0x1: {  	(tag) =	ssettag $0x0;
	lr =	simm.s32 $0x1  }
0x2: {  	[smem:$0x3F9D] =	sst lr;
	_ =	strace $0xD0000000  }
0x3: {  	_ = 	snop  }
0x4: {  	_ = 	snop  }
0x5: {  	_ = 	snop  }
0x6: {  	_ = 	snop  }
0x7: {  	_ = 	snop  }
__scs_overlays_trampoline_lowered:
0x8: {  	[smem:$0x3FAC] =	sst s0  }
0x9: {  	[smem:$0x3FAD] =	sst s1  }
0xa: {  	[smem:$0x3FAE] =	sst s2  }
0xb: {  	[smem:$0x3FAF] =	sst s3  }
0xc: {  	[smem:$0x3FB0] =	sst s4  }
0xd: {  	[smem:$0x3FB1] =	sst s5  }
0xe: {  	[smem:$0x3FB2] =	sst s6  }
0xf: {  	[smem:$0x3FB3] =	sst s7  }
0x10: {  	[smem:$0x3FB4] =	sst s8  }
0x11: {  	[smem:$0x3FB5] =	sst s9;
	s0 =	simm.s32 @!p0 $0x0  }
0x12: {  	s1 =	sld [smem:$0x3F9B];
	s0 =	simm.s32 @p0 $0x1  }
0x13: {  	[smem:$0x3FB6] =	sst s0;
	s0 =	simm.s32 @!p1 $0x0  }
0x14: {  	s2 =	sld [smem:$0x3F9A];
	s0 =	simm.s32 @p1 $0x1  }
0x15: {  	[smem:$0x3FB7] =	sst s0;
	s0 =	simm.s32 @!p2 $0x0  }
0x16: {  	s3 =	sld [smem:$0x3FDB];
	s0 =	simm.s32 @p2 $0x1  }
0x17: {  	s4 =	simm.s32 $0x1BF5;
	[smem:$0x3FB9] =	sst s0  }
0x18: {  	s0 =	sld [smem:$0x3F9C];
	_ =	swait.ge [sflag:s4], $0x0  }
0x19: {  	s7 =	sld [smem:$0x3F9D]  }
0x1a: {  	s8 =	sadd.s32 $0xFFFFE003, lr  }
0x1b: {  	s9 =	sadd.s32 $0xFFFFFEF7, lr;
	s5 =	simm.s32 $0xFFFFFFFF;
	p2 =	slt.u32 s8, $0xFFFFF086  }
0x1c: {  	p1 =	slt.u32 s9, $0xF7A;
	s5 =	simm.s32 @!p2 $0x0  }
0x1d: {  	s5 =	simm.s32 @p1 $0x1;
	p0 =	seq.s32 s7, s2  }
0x1e: {  	s7 =	smul.u32 @!p0 $0xF7A, s2;
	p2 =	seq.s32 @!p0 s5, $0x0  }
0x1f: {  	s9 =	smul.u32 $0xF7A, s1;
	s8 =	simm.s32 @!p0 $0x1BF5;
	p2 =	por !p2, p0  }
0x20: {  	[sflag:s8] =	ssyncset.s32 @!p0 $0xFFFFF086;
	s6 =	sadd.s32 @!p0 s3, s7;
	s7 =	simm.s32 @!p0 $0x108  }
0x21: {  	s3 =	sadd.s32 s3, s9;
	s6 =	sadd.s32 @!p0 $0x88, s6;
	s7 =	simm.s32 @p2 $0x1082  }
0x22: {  	[simem:s7], [sflag:s8] =	dma.local @!p0 [hbm:s6], $0xF7A  }
0x23: {  	s9 =	sor.u32 $0xD0000000, s2;
	s6 =	simm.s32 $0x108;
	_ =	swait.ge @!p0 [sflag:s8], $0x0  }
0x24: {  	s3 =	sadd.s32 $0x88, s3;
	s6 =	simm.s32 @!p1 $0x1082;
	[sflag:s4] =	ssyncset.s32 $0xFFFFF086  }
0x25: {  	[simem:s6], [sflag:s4] =	dma.local [hbm:s3], $0xF7A  }
0x26: {  	[smem:$0x3F9D] =	sst s1;
	(tag) =	ssettag s2;
	_ =	strace s9  }
0x27: {  	s1 =	sld [smem:$0x3FAD]  }
0x28: {  	s2 =	sld [smem:$0x3FAE]  }
0x29: {  	s4 =	sld [smem:$0x3FB0]  }
0x2a: {  	p0 =	seq.s32 s5, $0x0;
	s5 =	sld [smem:$0x3FB1]  }
0x2b: {  	s6 =	sld [smem:$0x3FB2]  }
0x2c: {  	s7 =	sld [smem:$0x3FB3]  }
0x2d: {  	s3 =	simm.s32 $0x108;
	s8 =	sld [smem:$0x3FB4]  }
0x2e: {  	s3 =	simm.s32 @!p0 $0x1082;
	s9 =	sld [smem:$0x3FB5]  }
0x2f: {  	lr =	sadd.s32 s0, s3;
	s0 =	sld [smem:$0x3FAC]  }
0x30: {  	s3 =	sld [smem:$0x3FAF]  }
0x31: {  	[smem:$0x3FB8] =	sst s10  }
0x32: {  	s10 =	sld [smem:$0x3FB6];
	_ =	sdelay $0x3  }
0x33: {  	p0 =	seq.s32 s10, $0x1;
	s10 =	sld [smem:$0x3FB8];
	_ =	sdelay $0x3  }
0x34: {  	[smem:$0x3FB8] =	sst s10  }
0x35: {  	s10 =	sld [smem:$0x3FB7];
	_ =	sdelay $0x3  }
0x36: {  	p1 =	seq.s32 s10, $0x1;
	s10 =	sld [smem:$0x3FB8];
	_ =	sdelay $0x3  }
0x37: {  	[smem:$0x3FB8] =	sst s10  }
0x38: {  	s10 =	sld [smem:$0x3FB9]  }
0x39: {  	_ = 	snop;
	(pc) =	sbr.ind lr, $3  }
0x3a: {  	_ = 	snop  }
0x3b: {  	_ = 	snop  }
0x3c: {  	p2 =	seq.s32 s10, $0x1;
	s10 =	sld [smem:$0x3FB8]  }
0x3d: {  	_ =	shalt  }
0x3e: {  	_ =	shalt  }
0x3f: {  	_ =	shalt  }
0x40: {  	_ =	shalt  }
0x41: {  	_ =	shalt  }
0x42: {  	_ =	shalt  }
0x43: {  	_ =	shalt  }
0x44: {  	_ =	shalt  }
0x45: {  	_ =	shalt  }
0x46: {  	_ =	shalt  }
0x47: {  	_ =	shalt  }
0x48: {  	_ =	shalt  }
0x49: {  	_ =	shalt  }
0x4a: {  	_ =	shalt  }
0x4b: {  	_ =	shalt  }
0x4c: {  	_ =	shalt  }
0x4d: {  	_ =	shalt  }
0x4e: {  	_ =	shalt  }
0x4f: {  	_ =	shalt  }
0x50: {  	_ =	shalt  }
0x51: {  	_ =	shalt  }
0x52: {  	_ =	shalt  }
0x53: {  	_ =	shalt  }
0x54: {  	_ =	shalt  }
0x55: {  	_ =	shalt  }
0x56: {  	_ =	shalt  }
0x57: {  	_ =	shalt  }
0x58: {  	_ =	shalt  }
0x59: {  	_ =	shalt  }
0x5a: {  	_ =	shalt  }
0x5b: {  	_ =	shalt  }
0x5c: {  	_ =	shalt  }
0x5d: {  	_ =	shalt  }
0x5e: {  	_ =	shalt  }
0x5f: {  	_ =	shalt  }
0x60: {  	_ =	shalt  }
0x61: {  	_ =	shalt  }
0x62: {  	_ =	shalt  }
0x63: {  	_ =	shalt  }
0x64: {  	_ =	shalt  }
0x65: {  	_ =	shalt  }
0x66: {  	_ =	shalt  }
0x67: {  	_ =	shalt  }
0x68: {  	_ =	shalt  }
0x69: {  	_ =	shalt  }
0x6a: {  	_ =	shalt  }
0x6b: {  	_ =	shalt  }
0x6c: {  	_ =	shalt  }
0x6d: {  	_ =	shalt  }
0x6e: {  	_ =	shalt  }
0x6f: {  	_ =	shalt  }
0x70: {  	_ =	shalt  }
0x71: {  	_ =	shalt  }
0x72: {  	_ =	shalt  }
0x73: {  	_ =	shalt  }
0x74: {  	_ =	shalt  }
0x75: {  	_ =	shalt  }
0x76: {  	_ =	shalt  }
0x77: {  	_ =	shalt  }
0x78: {  	_ =	shalt  }
0x79: {  	_ =	shalt  }
0x7a: {  	_ =	shalt  }
0x7b: {  	_ =	shalt  }
0x7c: {  	_ =	shalt  }
0x7d: {  	_ =	shalt  }
0x7e: {  	_ =	shalt  }
0x7f: {  	_ =	shalt  }
0x80: {  	_ =	shalt  }
0x81: {  	_ =	shalt  }
0x82: {  	_ =	shalt  }
0x83: {  	_ =	shalt  }
0x84: {  	_ =	shalt  }
0x85: {  	_ =	shalt  }
0x86: {  	_ =	shalt  }
0x87: {  	_ =	shalt  }
.Lfunc_end0:
.L_simem_size_0:
called_computation.1_lowered:
.L_overlay_start_0:
0x88: {  	s2 =	sld [smem:$0x3FD9]  }
0x89: {  	s3 =	sld [smem:$0x3FFE];
	_ =	sdelay $0x1  }
0x8a: {  	s1 =	srdreg.scid  }
0x8b: {  	s0 =	sand.u32 $0x1, s1  }
0x8c: {  	s17 =	sshll.u32 s0, $0xA;
	s2 =	sadd.s32 s3, s2  }
0x8d: {  	s2 =	sadd.s32 s2, s17  }
0x8e: {  	[smem:$0x3FC4] =	sst s2  }
0x8f: {  	_ = 	snop  }
0x90: {  	s18 =	sld [smem:$0x3FC7];
	(tm) =	ssettm $0x1  }
0x91: {  	s19 =	sld [smem:$0x3FFB];
	_ =	sdelay $0x3  }
0x92: {  	_ =	strace s19  }
0x93: {  	s2 =	sld [smem:$0x3FFC];
	_ =	sdelay $0x3  }
0x94: {  	_ =	strace s2  }
0x95: {  	s2 =	sld [smem:$0x3FFD];
	_ =	sdelay $0x3  }
0x96: {  	_ =	strace s2  }
0x97: {  	_ =	strace $0x8FFFFFFF  }
0x98: {  	s20 =	sld [smem:$0x3FDB];
	_ =	sdelay $0x1  }
0x99: {  	s4 =	simm.s32 $_scs_section_size  }
0x9a: {  	s5 =	simm.s32 $_size__tile_overlayer_lowered;
	s6 =	simm.s32 $_tile_overlayer_lowered  }
0x9b: {  	s7 =	simm.s32 $0x1BFF;
	s21 =	sshll.u32 s6, $0x1;
	s4 =	sadd.s32 s4, s20  }
0x9c: {  	s22 =	simm.s32 $0x0;
	s5 =	sshll.u32 s5, $0x1;
	s6 =	sadd.s32 s21, s4  }
0x9d: {  	[timem:s22], [sflag:s7] =	dma.local [hbm:s6], s5  }
0x9e: {  	_ =	swait.ge [sflag:s7], s5  }
0x9f: {  	s5 =	ssub.s32 $0x0, s5;
	[sflag:s7] =	ssyncset.done $0x0  }
0xa0: {  	[sflag:s7] =	ssyncadd.s32 s5;
	_ =	sdelay $0x1  }
0xa1: {  	s23 =	simm.s32 $0x1B8B  }
0xa2: {  	_ =	swait.ge [sflag:s23], $0x1  }
0xa3: {  	[sflag:s23] =	ssyncset.done $0x0  }
0xa4: {  	[sflag:s23] =	ssyncadd.s32 $0xFFFFFFFF  }
0xa5: {  	s5 =	sld [smem:$0x0]  }
0xa6: {  	s6 =	sand.u32 $0xFFFFFFFE, s1  }
0xa7: {  	p0 =	sne.s32 s1, s6  }
0xa8: {  	s6 =	sshll.u32 @p0 s6, $0xE  }
0xa9: {  	s6 =	sadd.s32 @p0 $0x11B8D, s6;
	s7 =	sshll.u32 @p0 s5, $0x11  }
0xaa: {  	s6 =	sor.u32 @p0 s7, s6  }
0xab: {  	[sflag:s6] =	ssyncadd.remote.s32 @p0 $0x1;
	_ =	sdelay $0x1  }
0xac: {  	s6 =	simm.s32 @p0 $0x1B8D  }
0xad: {  	_ =	swait.eq @p0 [sflag:s6], $0x1  }
0xae: {  	[sflag:s6] =	ssyncadd.s32 @p0 $0xFFFFFFFF  }
0xaf: {  	s7 =	sshll.u32 @!p0 s1, $0xE  }
0xb0: {  	s7 =	sor.u32 @!p0 $0x4000, s7;
	s6 =	simm.s32 @!p0 $0x1B8D  }
0xb1: {  	s5 =	sshll.u32 @!p0 s5, $0x11;
	s7 =	sadd.s32 @!p0 $0x11B8D, s7;
	_ =	swait.eq @!p0 [sflag:s6], $0x1  }
0xb2: {  	s5 =	sor.u32 @!p0 s5, s7;
	[sflag:s6] =	ssyncadd.s32 @!p0 $0xFFFFFFFF  }
0xb3: {  	s25 =	simm.s32 $0x1B8E;
	s24 =	sld [smem:$0x3FFE];
	[sflag:s5] =	ssyncadd.remote.s32 @!p0 $0x1  }
0xb4: {  	s26 =	simm.s32 $execute0_lowered;
	[smem:$0x3FD2] =	sst s25  }
0xb5: {  	s6 =	sshll.u32 s26, $0x1;
	_ =	strace $0x80000049;
	[dreg:$0x1] =	wrdreg $0xFFFFFFFF  }
0xb6: {  	s28 =	simm.s32 $_size_execute0_lowered;
	s4 =	sadd.s32 s4, s6;
	[dreg:$0x0] =	wrdreg $0x0  }
0xb7: {  	s6 =	sshll.u32 s28, $0x1;
	[dreg:$0x2] =	wrdreg s4  }
0xb8: {  	[dreg:$0x3] =	wrdreg s6  }
0xb9: {  	[dreg:$0x4] =	wrdreg $0xC0  }
0xba: {  	_ =	task [dreg:s22], $0x5FFFF  }
0xbb: {  	[dreg:$0x1] =	wrdreg $0xFFFFFFFF  }
0xbc: {  	[dreg:$0x0] =	wrdreg $0x60  }
0xbd: {  	[dreg:$0x2] =	wrdreg s24  }
0xbe: {  	[dreg:$0x3] =	wrdreg s18  }
0xbf: {  	[dreg:$0x4] =	wrdreg $0xA  }
0xc0: {  	_ =	task.clear_ibuf [dreg:s22], $0x5FFFF;
	_ =	strace $0x90000049  }
0xc1: {  	s29 =	simm.s32 $0xA;
	_ =	strace $0x8000004B  }
0xc2: {  	_ =	swait.ge [sflag:s29], $0x1  }
0xc3: {  	[sflag:s29] =	ssyncadd.s32 $0xFFFFFFFF  }
0xc4: {  	_ =	strace $0x9000004B  }
0xc5: {  	_ =	sfence  }
0xc6: {  	s30 =	sld [smem:$0x0];
	_ =	sdelay $0x2  }
0xc7: {  	s31 =	sshll.u32 s1, $0xD;
	s1 =	sshrl.u32 s1, $0x2  }
0xc8: {  	s4 =	sand.u32 $0x4000, s31;
	s1 =	sadd.s32 s1, s30  }
0xc9: {  	s0 =	sor.u32 s4, s0;
	s1 =	sshll.u32 s1, $0x11  }
0xca: {  	s0 =	sor.u32 s1, s0  }
0xcb: {  	s0 =	sadd.s32 $0x8F2B, s0  }
0xcc: {  	[sflag:s0] =	ssyncadd.remote.s32 $0x1  }
0xcd: {  	_ =	sfence.sel $0xFFFF  }
0xce: {  	[dreg:$0x0] =	wrdreg $0xFFFFFFFF;
	(pc) =	sbr.abs _section_cstart, $3  }
0xcf: {  	[dreg:$0x1] =	wrdreg $0xFFFFFFFF  }
0xd0: {  	_ =	task.clear_ibuf [dreg:s22], $0x2FFFF;
	_ =	strace $0x9FFFFFFF  }
0xd1: {  	(tm) =	ssettm $0x7FFFFFFF  }
tec
execute0_lowered:
.L_overlay_start_1:
0x0: {  	(tag) =	ssettag $0x1  }
0x1: {  	s1 =	srdreg.scid  }
0x2: {  	s9 =	rddreg [dreg:$0x0];
	s0 =	stileid.u32;
	s24 =	sand.u32 $0x1, s1  }
0x3: {  	s3 =	rddreg [dreg:$0x1];
	s4 =	sshll.u32 s0, $0xC;
	s5 =	sshll.u32 s24, $0xB  }
0x4: {  	s2 =	simm.s32 $0x0;
	s1 =	rddreg [dreg:$0x2];
	s10 =	sor.u32 s5, s4  }
0x5: {  	[smem:$0x7FF] =	sst s2;
	s4 =	sshrl.u32 s10, $0x3  }
0x6: {  	_ =	strace $0x8000004A;
	s3 =	sadd.s32 s3, s4;
	s4 =	simm.s32 $0x3  }
0x7: {  	[tilespmem:s2], [sflag:$0x3] =	stream.linear.gather [hbm4b:s3+s2], $0x800, $0x38;
	[tilespmem:$0x10800] =	vst v63  }
0x8: {  	_ =	swait.ge [sflag:s4], $0x800  }
0x9: {  	s6 =	simm.s32 $0x100;
	s7 =	simm.s32 $0x800;
	[sflag:s4] =	ssyncset.done $0x0  }
0xa: {  	s8 =	simm.s32 $0x1;
	s5 =	sadd.s32 $0x1400, s9;
	[sflag:s4] =	ssyncadd.s32 $0xFFFFF800  }
0xb: {  	[tilespmem:s7], [sflag:$0x1] =	stream.indirect.gather [hbm4b:s5+s6], $0x80, s2, s6, $0xb8;
	[tilespmem:$0x10800] =	vst v63  }
0xc: {  	_ =	swait.ge [sflag:s8], $0x8000  }
0xd: {  	s10 =	sshll.u32 s10, $0x4;
	[sflag:s8] =	ssyncset.done $0x0  }
0xe: {  	s25 =	sadd.s32 s10, s9;
	s9 =	simm.s32 $0x8800;
	[sflag:s8] =	ssyncadd.s32 $0xFFFF8000  }
0xf: {  	[tilespmem:s9], [sflag:$0x1] =	stream.indirect.gather [hbm4b:s5+s6], $0x80, s6, s6, $0xb8;
	[tilespmem:$0x10800] =	vst v63  }
0x10: {  	s10 =	sadd.s32 $0x401400, s25  }
0x11: {  	[hbm4b:s10+s2] =	stream.linear.scatter [tilespmem:s7], [sflag:$0x2], $0x8000, $0x38;
	[tilespmem:$0x10800] =	vst v63  }
0x12: {  	_ =	swait.ge [sflag:s8], $0x8000  }
0x13: {  	[sflag:s8] =	ssyncset.done $0x0  }
0x14: {  	s11 =	simm.s32 $0x2;
	[sflag:s8] =	ssyncadd.s32 $0xFFFF8000  }
0x15: {  	_ =	swait.ge [sflag:s11], $0x8000  }
0x16: {  	[sflag:s11] =	ssyncset.done $0x0  }
0x17: {  	s12 =	simm.s32 $0x200;
	[sflag:s11] =	ssyncadd.s32 $0xFFFF8000  }
0x18: {  	[tilespmem:s7], [sflag:$0x1] =	stream.indirect.gather [hbm4b:s5+s6], $0x80, s12, s6, $0xb8;
	[tilespmem:$0x10800] =	vst v63  }
0x19: {  	s13 =	sadd.s32 $0x402400, s25  }
0x1a: {  	[hbm4b:s13+s2] =	stream.linear.scatter [tilespmem:s9], [sflag:$0x2], $0x8000, $0x38;
	[tilespmem:$0x10800] =	vst v63  }
0x1b: {  	_ =	swait.ge [sflag:s8], $0x8000  }
0x1c: {  	[sflag:s8] =	ssyncset.done $0x0  }
0x1d: {  	[sflag:s8] =	ssyncadd.s32 $0xFFFF8000  }
0x1e: {  	_ =	swait.ge [sflag:s11], $0x8000  }
0x1f: {  	[sflag:s11] =	ssyncset.done $0x0  }
0x20: {  	s14 =	simm.s32 $0x300;
	[sflag:s11] =	ssyncadd.s32 $0xFFFF8000  }
0x21: {  	[tilespmem:s9], [sflag:$0x1] =	stream.indirect.gather [hbm4b:s5+s6], $0x80, s14, s6, $0xb8;
	[tilespmem:$0x10800] =	vst v63  }
0x22: {  	s15 =	sadd.s32 $0x403400, s25  }
0x23: {  	[hbm4b:s15+s2] =	stream.linear.scatter [tilespmem:s7], [sflag:$0x2], $0x8000, $0x38;
	[tilespmem:$0x10800] =	vst v63  }
0x24: {  	_ =	swait.ge [sflag:s8], $0x8000  }
0x25: {  	[sflag:s8] =	ssyncset.done $0x0  }
0x26: {  	[sflag:s8] =	ssyncadd.s32 $0xFFFF8000  }
0x27: {  	_ =	swait.ge [sflag:s11], $0x8000  }
0x28: {  	[sflag:s11] =	ssyncset.done $0x0  }
0x29: {  	s16 =	simm.s32 $0x400;
	[sflag:s11] =	ssyncadd.s32 $0xFFFF8000  }
0x2a: {  	[tilespmem:s7], [sflag:$0x1] =	stream.indirect.gather [hbm4b:s5+s6], $0x80, s16, s6, $0xb8;
	[tilespmem:$0x10800] =	vst v63  }
0x2b: {  	s17 =	sadd.s32 $0x404400, s25  }
0x2c: {  	[hbm4b:s17+s2] =	stream.linear.scatter [tilespmem:s9], [sflag:$0x2], $0x8000, $0x38;
	[tilespmem:$0x10800] =	vst v63  }
0x2d: {  	_ =	swait.ge [sflag:s8], $0x8000  }
0x2e: {  	[sflag:s8] =	ssyncset.done $0x0  }
0x2f: {  	[sflag:s8] =	ssyncadd.s32 $0xFFFF8000  }
0x30: {  	_ =	swait.ge [sflag:s11], $0x8000  }
0x31: {  	[sflag:s11] =	ssyncset.done $0x0  }
0x32: {  	s18 =	simm.s32 $0x500;
	[sflag:s11] =	ssyncadd.s32 $0xFFFF8000  }
0x33: {  	[tilespmem:s9], [sflag:$0x1] =	stream.indirect.gather [hbm4b:s5+s6], $0x80, s18, s6, $0xb8;
	[tilespmem:$0x10800] =	vst v63  }
0x34: {  	s19 =	sadd.s32 $0x405400, s25  }
0x35: {  	[hbm4b:s19+s2] =	stream.linear.scatter [tilespmem:s7], [sflag:$0x2], $0x8000, $0x38;
	[tilespmem:$0x10800] =	vst v63  }
0x36: {  	_ =	swait.ge [sflag:s8], $0x8000  }
0x37: {  	[sflag:s8] =	ssyncset.done $0x0  }
0x38: {  	[sflag:s8] =	ssyncadd.s32 $0xFFFF8000  }
0x39: {  	_ =	swait.ge [sflag:s11], $0x8000  }
0x3a: {  	[sflag:s11] =	ssyncset.done $0x0  }
0x3b: {  	s20 =	simm.s32 $0x600;
	[sflag:s11] =	ssyncadd.s32 $0xFFFF8000  }
0x3c: {  	[tilespmem:s7], [sflag:$0x1] =	stream.indirect.gather [hbm4b:s5+s6], $0x80, s20, s6, $0xb8;
	[tilespmem:$0x10800] =	vst v63  }
0x3d: {  	s21 =	sadd.s32 $0x406400, s25  }
0x3e: {  	[hbm4b:s21+s2] =	stream.linear.scatter [tilespmem:s9], [sflag:$0x2], $0x8000, $0x38;
	[tilespmem:$0x10800] =	vst v63  }
0x3f: {  	_ =	swait.ge [sflag:s8], $0x8000  }
0x40: {  	[sflag:s8] =	ssyncset.done $0x0  }
0x41: {  	[sflag:s8] =	ssyncadd.s32 $0xFFFF8000  }
0x42: {  	_ =	swait.ge [sflag:s11], $0x8000  }
0x43: {  	[sflag:s11] =	ssyncset.done $0x0  }
0x44: {  	s22 =	simm.s32 $0x700;
	s26 =	ssub.s32 $0x2, s24;
	[sflag:s11] =	ssyncadd.s32 $0xFFFF8000  }
0x45: {  	[tilespmem:s9], [sflag:$0x1] =	stream.indirect.gather [hbm4b:s5+s6], $0x80, s22, s6, $0xb8;
	[tilespmem:$0x10800] =	vst v63  }
0x46: {  	s31 =	sshrl.u32 s26, $0x1;
	s23 =	sadd.s32 $0x407400, s25  }
0x47: {  	[hbm4b:s23+s2] =	stream.linear.scatter [tilespmem:s7], [sflag:$0x2], $0x8000, $0x38;
	[tilespmem:$0x10800] =	vst v63  }
0x48: {  	s24 =	sadd.s32 $0x408400, s25;
	s25 =	ssub.s32 s26, s31;
	_ =	swait.ge [sflag:s8], $0x8000  }
0x49: {  	s25 =	smax.u32 s25, $0x1;
	[sflag:s8] =	ssyncset.done $0x0  }
0x4a: {  	p0 =	sne.s32 s25, $0x1;
	[sflag:s8] =	ssyncadd.s32 $0xFFFF8000  }
0x4b: {  	[hbm4b:s24+s2] =	stream.linear.scatter [tilespmem:s9], [sflag:$0x2], $0x8000, $0x38;
	[tilespmem:$0x10800] =	vst v63  }
.Ltmp0:
0x4c: {  	_ =	swait.ge [sflag:s11], $0x8000;
	(pc) =	sbr.rel @!p0 .LBB2_2-.Ltmp0, $4  }
0x4d: {  	[sflag:s11] =	ssyncset.done $0x0  }
0x4e: {  	[sflag:s11] =	ssyncadd.s32 $0xFFFF8000  }
0x4f: {  	_ =	swait.ge [sflag:s11], $0x8000  }
0x50: {  	s25 =	sadd.s32 $0xFFFFFFFF, s25;
	[sflag:s11] =	ssyncset.done $0x0  }
.LBB2_1:
0x51: {  	p0 =	sne.s32 s25, $0x1;
	s25 =	sadd.s32 $0xFFFFFFFF, s25;
	[sflag:s11] =	ssyncadd.s32 $0xFFFF8000  }
0x52: {  	[tilespmem:s2], [sflag:$0x3] =	stream.linear.gather [hbm4b:s3+s2], $0x800, $0x38;
	[tilespmem:$0x10800] =	vst v63  }
0x53: {  	_ =	swait.ge [sflag:s4], $0x800  }
0x54: {  	[sflag:s4] =	ssyncset.done $0x0  }
0x55: {  	[sflag:s4] =	ssyncadd.s32 $0xFFFFF800  }
0x56: {  	[tilespmem:s7], [sflag:$0x1] =	stream.indirect.gather [hbm4b:s5+s6], $0x80, s2, s6, $0xb8;
	[tilespmem:$0x10800] =	vst v63  }
0x57: {  	_ =	swait.ge [sflag:s8], $0x8000  }
0x58: {  	[sflag:s8] =	ssyncset.done $0x0  }
0x59: {  	[sflag:s8] =	ssyncadd.s32 $0xFFFF8000  }
0x5a: {  	[tilespmem:s9], [sflag:$0x1] =	stream.indirect.gather [hbm4b:s5+s6], $0x80, s6, s6, $0xb8;
	[tilespmem:$0x10800] =	vst v63  }
0x5b: {  	_ = 	snop  }
0x5c: {  	[hbm4b:s10+s2] =	stream.linear.scatter [tilespmem:s7], [sflag:$0x2], $0x8000, $0x38;
	[tilespmem:$0x10800] =	vst v63  }
0x5d: {  	_ =	swait.ge [sflag:s8], $0x8000  }
0x5e: {  	[sflag:s8] =	ssyncset.done $0x0  }
0x5f: {  	[sflag:s8] =	ssyncadd.s32 $0xFFFF8000  }
0x60: {  	_ =	swait.ge [sflag:s11], $0x8000  }
0x61: {  	[sflag:s11] =	ssyncset.done $0x0  }
0x62: {  	[sflag:s11] =	ssyncadd.s32 $0xFFFF8000  }
0x63: {  	[tilespmem:s7], [sflag:$0x1] =	stream.indirect.gather [hbm4b:s5+s6], $0x80, s12, s6, $0xb8;
	[tilespmem:$0x10800] =	vst v63  }
0x64: {  	_ = 	snop  }
0x65: {  	[hbm4b:s13+s2] =	stream.linear.scatter [tilespmem:s9], [sflag:$0x2], $0x8000, $0x38;
	[tilespmem:$0x10800] =	vst v63  }
0x66: {  	_ =	swait.ge [sflag:s8], $0x8000  }
0x67: {  	[sflag:s8] =	ssyncset.done $0x0  }
0x68: {  	[sflag:s8] =	ssyncadd.s32 $0xFFFF8000  }
0x69: {  	_ =	swait.ge [sflag:s11], $0x8000  }
0x6a: {  	[sflag:s11] =	ssyncset.done $0x0  }
0x6b: {  	[sflag:s11] =	ssyncadd.s32 $0xFFFF8000  }
0x6c: {  	[tilespmem:s9], [sflag:$0x1] =	stream.indirect.gather [hbm4b:s5+s6], $0x80, s14, s6, $0xb8;
	[tilespmem:$0x10800] =	vst v63  }
0x6d: {  	_ = 	snop  }
0x6e: {  	[hbm4b:s15+s2] =	stream.linear.scatter [tilespmem:s7], [sflag:$0x2], $0x8000, $0x38;
	[tilespmem:$0x10800] =	vst v63  }
0x6f: {  	_ =	swait.ge [sflag:s8], $0x8000  }
0x70: {  	[sflag:s8] =	ssyncset.done $0x0  }
0x71: {  	[sflag:s8] =	ssyncadd.s32 $0xFFFF8000  }
0x72: {  	_ =	swait.ge [sflag:s11], $0x8000  }
0x73: {  	[sflag:s11] =	ssyncset.done $0x0  }
0x74: {  	[sflag:s11] =	ssyncadd.s32 $0xFFFF8000  }
0x75: {  	[tilespmem:s7], [sflag:$0x1] =	stream.indirect.gather [hbm4b:s5+s6], $0x80, s16, s6, $0xb8;
	[tilespmem:$0x10800] =	vst v63  }
0x76: {  	_ = 	snop  }
0x77: {  	[hbm4b:s17+s2] =	stream.linear.scatter [tilespmem:s9], [sflag:$0x2], $0x8000, $0x38;
	[tilespmem:$0x10800] =	vst v63  }
0x78: {  	_ =	swait.ge [sflag:s8], $0x8000  }
0x79: {  	[sflag:s8] =	ssyncset.done $0x0  }
0x7a: {  	[sflag:s8] =	ssyncadd.s32 $0xFFFF8000  }
0x7b: {  	_ =	swait.ge [sflag:s11], $0x8000  }
0x7c: {  	[sflag:s11] =	ssyncset.done $0x0  }
0x7d: {  	[sflag:s11] =	ssyncadd.s32 $0xFFFF8000  }
0x7e: {  	[tilespmem:s9], [sflag:$0x1] =	stream.indirect.gather [hbm4b:s5+s6], $0x80, s18, s6, $0xb8;
	[tilespmem:$0x10800] =	vst v63  }
0x7f: {  	_ = 	snop  }
0x80: {  	[hbm4b:s19+s2] =	stream.linear.scatter [tilespmem:s7], [sflag:$0x2], $0x8000, $0x38;
	[tilespmem:$0x10800] =	vst v63  }
0x81: {  	_ =	swait.ge [sflag:s8], $0x8000  }
0x82: {  	[sflag:s8] =	ssyncset.done $0x0  }
0x83: {  	[sflag:s8] =	ssyncadd.s32 $0xFFFF8000  }
0x84: {  	_ =	swait.ge [sflag:s11], $0x8000  }
0x85: {  	[sflag:s11] =	ssyncset.done $0x0  }
0x86: {  	[sflag:s11] =	ssyncadd.s32 $0xFFFF8000  }
0x87: {  	[tilespmem:s7], [sflag:$0x1] =	stream.indirect.gather [hbm4b:s5+s6], $0x80, s20, s6, $0xb8;
	[tilespmem:$0x10800] =	vst v63  }
0x88: {  	_ = 	snop  }
0x89: {  	[hbm4b:s21+s2] =	stream.linear.scatter [tilespmem:s9], [sflag:$0x2], $0x8000, $0x38;
	[tilespmem:$0x10800] =	vst v63  }
0x8a: {  	_ =	swait.ge [sflag:s8], $0x8000  }
0x8b: {  	[sflag:s8] =	ssyncset.done $0x0  }
0x8c: {  	[sflag:s8] =	ssyncadd.s32 $0xFFFF8000  }
0x8d: {  	_ =	swait.ge [sflag:s11], $0x8000  }
0x8e: {  	[sflag:s11] =	ssyncset.done $0x0  }
0x8f: {  	[sflag:s11] =	ssyncadd.s32 $0xFFFF8000  }
0x90: {  	[tilespmem:s9], [sflag:$0x1] =	stream.indirect.gather [hbm4b:s5+s6], $0x80, s22, s6, $0xb8;
	[tilespmem:$0x10800] =	vst v63  }
0x91: {  	_ = 	snop  }
0x92: {  	[hbm4b:s23+s2] =	stream.linear.scatter [tilespmem:s7], [sflag:$0x2], $0x8000, $0x38;
	[tilespmem:$0x10800] =	vst v63  }
0x93: {  	_ =	swait.ge [sflag:s8], $0x8000  }
0x94: {  	[sflag:s8] =	ssyncset.done $0x0  }
0x95: {  	[sflag:s8] =	ssyncadd.s32 $0xFFFF8000  }
0x96: {  	[hbm4b:s24+s2] =	stream.linear.scatter [tilespmem:s9], [sflag:$0x2], $0x8000, $0x38;
	[tilespmem:$0x10800] =	vst v63  }
.Ltmp1:
0x97: {  	_ =	swait.ge [sflag:s11], $0x8000;
	(pc) =	sbr.rel @p0 .LBB2_1-.Ltmp1, $4  }
0x98: {  	[sflag:s11] =	ssyncset.done $0x0  }
0x99: {  	[sflag:s11] =	ssyncadd.s32 $0xFFFF8000  }
0x9a: {  	_ =	swait.ge [sflag:s11], $0x8000  }
0x9b: {  	[sflag:s11] =	ssyncset.done $0x0  }
.LBB2_2:
0x9c: {  	[sflag:s11] =	ssyncadd.s32 $0xFFFF8000  }
0x9d: {  	_ =	sfence.sel $0x180000  }
0x9e: {  	[bflag:$0x0] =	sbarrier.arrive $0xFFFF  }
0x9f: {  	p0 =	sne.s32 s0, $0x0;
	_ =	strace $0x9000004A  }
0xa0: {  	s0 =	sadd.s32 @!p0 $0x100000, s1;
	[bflag:$0x2] =	sbarrier.arrive $0xFFFF  }
0xa1: {  	[sflag:s0] =	ssyncadd.tile.s32 @!p0 $0x1;
	_ =	shalt  }
.Lfunc_end2:
_tile_overlayer_lowered:
.L_overlay_start_2:
0xa2: {  	(tag) =	ssettag $0x2  }
0xa3: {  	s0 =	rddreg [dreg:$0x0];
	s2 =	stileid.u32  }
0xa4: {  	s1 =	rddreg [dreg:$0x1];
	p0 =	sne.s32 s2, $0x0  }
0xa5: {  	s3 =	rddreg [dreg:$0x2];
	[bflag:$0x3] =	sbarrier.arrive $0xFFFF;
	s2 =	simm.s32 @!p0 $0x1C03  }
0xa6: {  	[timem:s3], [sflag:s2] =	dma.local @!p0 [hbm:s0], s1  }
0xa7: {  	s0 =	simm.s32 @!p0 $0x3  }
0xa8: {  	_ =	swait.ge @!p0 [sflag:s0], s1  }
0xa9: {  	s1 =	ssub.s32 @!p0 $0x0, s1;
	[sflag:s0] =	ssyncset.done @!p0 $0x0  }
0xaa: {  	[sflag:s0] =	ssyncadd.s32 @!p0 s1  }
0xab: {  	[bflag:$0x3] =	sbarrier.arrive $0xFFFF  }
0xac: {  	_ =	shalt  }

// kernel: _mapper.18.cloned.1.call-start
scs
__scs_entry_jumppad:
0x0: {  	(pc) =	sbr.rel $0x88, $3  }
0x1: {  	(tag) =	ssettag $0x0;
	lr =	simm.s32 $0x1  }
0x2: {  	[smem:$0x3F9D] =	sst lr;
	_ =	strace $0xD0000000  }
0x3: {  	_ = 	snop  }
0x4: {  	_ = 	snop  }
0x5: {  	_ = 	snop  }
0x6: {  	_ = 	snop  }
0x7: {  	_ = 	snop  }
__scs_overlays_trampoline_lowered:
0x8: {  	[smem:$0x3FAC] =	sst s0  }
0x9: {  	[smem:$0x3FAD] =	sst s1  }
0xa: {  	[smem:$0x3FAE] =	sst s2  }
0xb: {  	[smem:$0x3FAF] =	sst s3  }
0xc: {  	[smem:$0x3FB0] =	sst s4  }
0xd: {  	[smem:$0x3FB1] =	sst s5  }
0xe: {  	[smem:$0x3FB2] =	sst s6  }
0xf: {  	[smem:$0x3FB3] =	sst s7  }
0x10: {  	[smem:$0x3FB4] =	sst s8  }
0x11: {  	[smem:$0x3FB5] =	sst s9;
	s0 =	simm.s32 @!p0 $0x0  }
0x12: {  	s1 =	sld [smem:$0x3F9B];
	s0 =	simm.s32 @p0 $0x1  }
0x13: {  	[smem:$0x3FB6] =	sst s0;
	s0 =	simm.s32 @!p1 $0x0  }
0x14: {  	s2 =	sld [smem:$0x3F9A];
	s0 =	simm.s32 @p1 $0x1  }
0x15: {  	[smem:$0x3FB7] =	sst s0;
	s0 =	simm.s32 @!p2 $0x0  }
0x16: {  	s3 =	sld [smem:$0x3FDB];
	s0 =	simm.s32 @p2 $0x1  }
0x17: {  	s4 =	simm.s32 $0x1BF5;
	[smem:$0x3FB9] =	sst s0  }
0x18: {  	s0 =	sld [smem:$0x3F9C];
	_ =	swait.ge [sflag:s4], $0x0  }
0x19: {  	s7 =	sld [smem:$0x3F9D]  }
0x1a: {  	s8 =	sadd.s32 $0xFFFFE003, lr  }
0x1b: {  	s9 =	sadd.s32 $0xFFFFFEF7, lr;
	s5 =	simm.s32 $0xFFFFFFFF;
	p2 =	slt.u32 s8, $0xFFFFF086  }
0x1c: {  	p1 =	slt.u32 s9, $0xF7A;
	s5 =	simm.s32 @!p2 $0x0  }
0x1d: {  	s5 =	simm.s32 @p1 $0x1;
	p0 =	seq.s32 s7, s2  }
0x1e: {  	s7 =	smul.u32 @!p0 $0xF7A, s2;
	p2 =	seq.s32 @!p0 s5, $0x0  }
0x1f: {  	s9 =	smul.u32 $0xF7A, s1;
	s8 =	simm.s32 @!p0 $0x1BF5;
	p2 =	por !p2, p0  }
0x20: {  	[sflag:s8] =	ssyncset.s32 @!p0 $0xFFFFF086;
	s6 =	sadd.s32 @!p0 s3, s7;
	s7 =	simm.s32 @!p0 $0x108  }
0x21: {  	s3 =	sadd.s32 s3, s9;
	s6 =	sadd.s32 @!p0 $0x88, s6;
	s7 =	simm.s32 @p2 $0x1082  }
0x22: {  	[simem:s7], [sflag:s8] =	dma.local @!p0 [hbm:s6], $0xF7A  }
0x23: {  	s9 =	sor.u32 $0xD0000000, s2;
	s6 =	simm.s32 $0x108;
	_ =	swait.ge @!p0 [sflag:s8], $0x0  }
0x24: {  	s3 =	sadd.s32 $0x88, s3;
	s6 =	simm.s32 @!p1 $0x1082;
	[sflag:s4] =	ssyncset.s32 $0xFFFFF086  }
0x25: {  	[simem:s6], [sflag:s4] =	dma.local [hbm:s3], $0xF7A  }
0x26: {  	[smem:$0x3F9D] =	sst s1;
	(tag) =	ssettag s2;
	_ =	strace s9  }
0x27: {  	s1 =	sld [smem:$0x3FAD]  }
0x28: {  	s2 =	sld [smem:$0x3FAE]  }
0x29: {  	s4 =	sld [smem:$0x3FB0]  }
0x2a: {  	p0 =	seq.s32 s5, $0x0;
	s5 =	sld [smem:$0x3FB1]  }
0x2b: {  	s6 =	sld [smem:$0x3FB2]  }
0x2c: {  	s7 =	sld [smem:$0x3FB3]  }
0x2d: {  	s3 =	simm.s32 $0x108;
	s8 =	sld [smem:$0x3FB4]  }
0x2e: {  	s3 =	simm.s32 @!p0 $0x1082;
	s9 =	sld [smem:$0x3FB5]  }
0x2f: {  	lr =	sadd.s32 s0, s3;
	s0 =	sld [smem:$0x3FAC]  }
0x30: {  	s3 =	sld [smem:$0x3FAF]  }
0x31: {  	[smem:$0x3FB8] =	sst s10  }
0x32: {  	s10 =	sld [smem:$0x3FB6];
	_ =	sdelay $0x3  }
0x33: {  	p0 =	seq.s32 s10, $0x1;
	s10 =	sld [smem:$0x3FB8];
	_ =	sdelay $0x3  }
0x34: {  	[smem:$0x3FB8] =	sst s10  }
0x35: {  	s10 =	sld [smem:$0x3FB7];
	_ =	sdelay $0x3  }
0x36: {  	p1 =	seq.s32 s10, $0x1;
	s10 =	sld [smem:$0x3FB8];
	_ =	sdelay $0x3  }
0x37: {  	[smem:$0x3FB8] =	sst s10  }
0x38: {  	s10 =	sld [smem:$0x3FB9]  }
0x39: {  	_ = 	snop;
	(pc) =	sbr.ind lr, $3  }
0x3a: {  	_ = 	snop  }
0x3b: {  	_ = 	snop  }
0x3c: {  	p2 =	seq.s32 s10, $0x1;
	s10 =	sld [smem:$0x3FB8]  }
0x3d: {  	_ =	shalt  }
0x3e: {  	_ =	shalt  }
0x3f: {  	_ =	shalt  }
0x40: {  	_ =	shalt  }
0x41: {  	_ =	shalt  }
0x42: {  	_ =	shalt  }
0x43: {  	_ =	shalt  }
0x44: {  	_ =	shalt  }
0x45: {  	_ =	shalt  }
0x46: {  	_ =	shalt  }
0x47: {  	_ =	shalt  }
0x48: {  	_ =	shalt  }
0x49: {  	_ =	shalt  }
0x4a: {  	_ =	shalt  }
0x4b: {  	_ =	shalt  }
0x4c: {  	_ =	shalt  }
0x4d: {  	_ =	shalt  }
0x4e: {  	_ =	shalt  }
0x4f: {  	_ =	shalt  }
0x50: {  	_ =	shalt  }
0x51: {  	_ =	shalt  }
0x52: {  	_ =	shalt  }
0x53: {  	_ =	shalt  }
0x54: {  	_ =	shalt  }
0x55: {  	_ =	shalt  }
0x56: {  	_ =	shalt  }
0x57: {  	_ =	shalt  }
0x58: {  	_ =	shalt  }
0x59: {  	_ =	shalt  }
0x5a: {  	_ =	shalt  }
0x5b: {  	_ =	shalt  }
0x5c: {  	_ =	shalt  }
0x5d: {  	_ =	shalt  }
0x5e: {  	_ =	shalt  }
0x5f: {  	_ =	shalt  }
0x60: {  	_ =	shalt  }
0x61: {  	_ =	shalt  }
0x62: {  	_ =	shalt  }
0x63: {  	_ =	shalt  }
0x64: {  	_ =	shalt  }
0x65: {  	_ =	shalt  }
0x66: {  	_ =	shalt  }
0x67: {  	_ =	shalt  }
0x68: {  	_ =	shalt  }
0x69: {  	_ =	shalt  }
0x6a: {  	_ =	shalt  }
0x6b: {  	_ =	shalt  }
0x6c: {  	_ =	shalt  }
0x6d: {  	_ =	shalt  }
0x6e: {  	_ =	shalt  }
0x6f: {  	_ =	shalt  }
0x70: {  	_ =	shalt  }
0x71: {  	_ =	shalt  }
0x72: {  	_ =	shalt  }
0x73: {  	_ =	shalt  }
0x74: {  	_ =	shalt  }
0x75: {  	_ =	shalt  }
0x76: {  	_ =	shalt  }
0x77: {  	_ =	shalt  }
0x78: {  	_ =	shalt  }
0x79: {  	_ =	shalt  }
0x7a: {  	_ =	shalt  }
0x7b: {  	_ =	shalt  }
0x7c: {  	_ =	shalt  }
0x7d: {  	_ =	shalt  }
0x7e: {  	_ =	shalt  }
0x7f: {  	_ =	shalt  }
0x80: {  	_ =	shalt  }
0x81: {  	_ =	shalt  }
0x82: {  	_ =	shalt  }
0x83: {  	_ =	shalt  }
0x84: {  	_ =	shalt  }
0x85: {  	_ =	shalt  }
0x86: {  	_ =	shalt  }
0x87: {  	_ =	shalt  }
.Lfunc_end0:
.L_simem_size_0:
called_computation.2_lowered:
.L_overlay_start_0:
0x88: {  	s2 =	sld [smem:$0x3FD9]  }
0x89: {  	s3 =	sld [smem:$0x3FFE];
	_ =	sdelay $0x1  }
0x8a: {  	s1 =	srdreg.scid  }
0x8b: {  	s0 =	sand.u32 $0x1, s1  }
0x8c: {  	s17 =	sshll.u32 s0, $0xA;
	s2 =	sadd.s32 s3, s2  }
0x8d: {  	s2 =	sadd.s32 s2, s17  }
0x8e: {  	[smem:$0x3FC4] =	sst s2  }
0x8f: {  	_ = 	snop  }
0x90: {  	s18 =	sld [smem:$0x3FC7];
	(tm) =	ssettm $0x1  }
0x91: {  	s19 =	sld [smem:$0x3FFB];
	_ =	sdelay $0x3  }
0x92: {  	_ =	strace s19  }
0x93: {  	s2 =	sld [smem:$0x3FFC];
	_ =	sdelay $0x3  }
0x94: {  	_ =	strace s2  }
0x95: {  	s2 =	sld [smem:$0x3FFD];
	_ =	sdelay $0x3  }
0x96: {  	_ =	strace s2  }
0x97: {  	_ =	strace $0x8FFFFFFF  }
0x98: {  	s20 =	sld [smem:$0x3FDB];
	_ =	sdelay $0x1  }
0x99: {  	s4 =	simm.s32 $_scs_section_size  }
0x9a: {  	s5 =	simm.s32 $_size__tile_overlayer_lowered;
	s6 =	simm.s32 $_tile_overlayer_lowered  }
0x9b: {  	s7 =	simm.s32 $0x1BFF;
	s21 =	sshll.u32 s6, $0x1;
	s4 =	sadd.s32 s4, s20  }
0x9c: {  	s22 =	simm.s32 $0x0;
	s5 =	sshll.u32 s5, $0x1;
	s6 =	sadd.s32 s21, s4  }
0x9d: {  	[timem:s22], [sflag:s7] =	dma.local [hbm:s6], s5  }
0x9e: {  	_ =	swait.ge [sflag:s7], s5  }
0x9f: {  	s5 =	ssub.s32 $0x0, s5;
	[sflag:s7] =	ssyncset.done $0x0  }
0xa0: {  	[sflag:s7] =	ssyncadd.s32 s5;
	_ =	sdelay $0x1  }
0xa1: {  	s23 =	simm.s32 $0x1B8B  }
0xa2: {  	_ =	swait.ge [sflag:s23], $0x1  }
0xa3: {  	[sflag:s23] =	ssyncset.done $0x0  }
0xa4: {  	[sflag:s23] =	ssyncadd.s32 $0xFFFFFFFF  }
0xa5: {  	s5 =	sld [smem:$0x0]  }
0xa6: {  	s6 =	sand.u32 $0xFFFFFFFE, s1  }
0xa7: {  	p0 =	sne.s32 s1, s6  }
0xa8: {  	s6 =	sshll.u32 @p0 s6, $0xE  }
0xa9: {  	s6 =	sadd.s32 @p0 $0x11B8D, s6;
	s7 =	sshll.u32 @p0 s5, $0x11  }
0xaa: {  	s6 =	sor.u32 @p0 s7, s6  }
0xab: {  	[sflag:s6] =	ssyncadd.remote.s32 @p0 $0x1;
	_ =	sdelay $0x1  }
0xac: {  	s6 =	simm.s32 @p0 $0x1B8D  }
0xad: {  	_ =	swait.eq @p0 [sflag:s6], $0x1  }
0xae: {  	[sflag:s6] =	ssyncadd.s32 @p0 $0xFFFFFFFF  }
0xaf: {  	s7 =	sshll.u32 @!p0 s1, $0xE  }
0xb0: {  	s7 =	sor.u32 @!p0 $0x4000, s7;
	s6 =	simm.s32 @!p0 $0x1B8D  }
0xb1: {  	s5 =	sshll.u32 @!p0 s5, $0x11;
	s7 =	sadd.s32 @!p0 $0x11B8D, s7;
	_ =	swait.eq @!p0 [sflag:s6], $0x1  }
0xb2: {  	s5 =	sor.u32 @!p0 s5, s7;
	[sflag:s6] =	ssyncadd.s32 @!p0 $0xFFFFFFFF  }
0xb3: {  	s25 =	simm.s32 $0x1B8E;
	s24 =	sld [smem:$0x3FFE];
	[sflag:s5] =	ssyncadd.remote.s32 @!p0 $0x1  }
0xb4: {  	s26 =	simm.s32 $execute0_lowered;
	[smem:$0x3FD2] =	sst s25  }
0xb5: {  	s6 =	sshll.u32 s26, $0x1;
	_ =	strace $0x8000004C;
	[dreg:$0x1] =	wrdreg $0xFFFFFFFF  }
0xb6: {  	s28 =	simm.s32 $_size_execute0_lowered;
	s4 =	sadd.s32 s4, s6;
	[dreg:$0x0] =	wrdreg $0x0  }
0xb7: {  	s6 =	sshll.u32 s28, $0x1;
	[dreg:$0x2] =	wrdreg s4  }
0xb8: {  	[dreg:$0x3] =	wrdreg s6  }
0xb9: {  	[dreg:$0x4] =	wrdreg $0xC0  }
0xba: {  	_ =	task [dreg:s22], $0x5FFFF  }
0xbb: {  	[dreg:$0x1] =	wrdreg $0xFFFFFFFF  }
0xbc: {  	[dreg:$0x0] =	wrdreg $0x60  }
0xbd: {  	[dreg:$0x2] =	wrdreg s24  }
0xbe: {  	[dreg:$0x3] =	wrdreg s18  }
0xbf: {  	[dreg:$0x4] =	wrdreg $0xB  }
0xc0: {  	_ =	task.clear_ibuf [dreg:s22], $0x5FFFF;
	_ =	strace $0x9000004C  }
0xc1: {  	s29 =	simm.s32 $0xB;
	_ =	strace $0x8000004E  }
0xc2: {  	_ =	swait.ge [sflag:s29], $0x1  }
0xc3: {  	[sflag:s29] =	ssyncadd.s32 $0xFFFFFFFF  }
0xc4: {  	_ =	strace $0x9000004E  }
0xc5: {  	_ =	sfence  }
0xc6: {  	s30 =	sld [smem:$0x0];
	_ =	sdelay $0x2  }
0xc7: {  	s31 =	sshll.u32 s1, $0xD;
	s1 =	sshrl.u32 s1, $0x2  }
0xc8: {  	s4 =	sand.u32 $0x4000, s31;
	s1 =	sadd.s32 s1, s30  }
0xc9: {  	s0 =	sor.u32 s4, s0;
	s1 =	sshll.u32 s1, $0x11  }
0xca: {  	s0 =	sor.u32 s1, s0  }
0xcb: {  	s0 =	sadd.s32 $0x8F2B, s0  }
0xcc: {  	[sflag:s0] =	ssyncadd.remote.s32 $0x1  }
0xcd: {  	_ =	sfence.sel $0xFFFF  }
0xce: {  	[dreg:$0x0] =	wrdreg $0xFFFFFFFF;
	(pc) =	sbr.abs _section_cstart, $3  }
0xcf: {  	[dreg:$0x1] =	wrdreg $0xFFFFFFFF  }
0xd0: {  	_ =	task.clear_ibuf [dreg:s22], $0x2FFFF;
	_ =	strace $0x9FFFFFFF  }
0xd1: {  	(tm) =	ssettm $0x7FFFFFFF  }
tec
execute0_lowered:
.L_overlay_start_1:
0x0: {  	(tag) =	ssettag $0x1  }
0x1: {  	s1 =	srdreg.scid  }
0x2: {  	s0 =	stileid.u32;
	s24 =	sand.u32 $0x1, s1  }
0x3: {  	s9 =	rddreg [dreg:$0x0];
	s30 =	sshll.u32 s0, $0xC;
	s2 =	sshll.u32 s24, $0xB  }
0x4: {  	s3 =	rddreg [dreg:$0x1];
	s10 =	sor.u32 s2, s30  }
0x5: {  	s1 =	rddreg [dreg:$0x2];
	s2 =	simm.s32 $0x0;
	s4 =	sshrl.u32 s10, $0x3  }
0x6: {  	[smem:$0x7FF] =	sst s2;
	s3 =	sadd.s32 s4, s3  }
0x7: {  	_ =	strace $0x8000004D;
	s4 =	simm.s32 $0x3;
	s3 =	sadd.s32 $0x2000, s3  }
0x8: {  	[tilespmem:s2], [sflag:$0x3] =	stream.linear.gather [hbm4b:s3+s2], $0x800, $0x38;
	[tilespmem:$0x10800] =	vst v63  }
0x9: {  	_ =	swait.ge [sflag:s4], $0x800  }
0xa: {  	s6 =	simm.s32 $0x100;
	s7 =	simm.s32 $0x800;
	[sflag:s4] =	ssyncset.done $0x0  }
0xb: {  	s8 =	simm.s32 $0x1;
	s5 =	sadd.s32 $0x1400, s9;
	[sflag:s4] =	ssyncadd.s32 $0xFFFFF800  }
0xc: {  	[tilespmem:s7], [sflag:$0x1] =	stream.indirect.gather [hbm4b:s5+s6], $0x80, s2, s6, $0xb8;
	[tilespmem:$0x10800] =	vst v63  }
0xd: {  	_ =	swait.ge [sflag:s8], $0x8000  }
0xe: {  	s10 =	sshll.u32 s10, $0x4;
	[sflag:s8] =	ssyncset.done $0x0  }
0xf: {  	s25 =	sadd.s32 s10, s9;
	s9 =	simm.s32 $0x8800;
	[sflag:s8] =	ssyncadd.s32 $0xFFFF8000  }
0x10: {  	[tilespmem:s9], [sflag:$0x1] =	stream.indirect.gather [hbm4b:s5+s6], $0x80, s6, s6, $0xb8;
	[tilespmem:$0x10800] =	vst v63  }
0x11: {  	s10 =	sadd.s32 $0x501400, s25  }
0x12: {  	[hbm4b:s10+s2] =	stream.linear.scatter [tilespmem:s7], [sflag:$0x2], $0x8000, $0x38;
	[tilespmem:$0x10800] =	vst v63  }
0x13: {  	_ =	swait.ge [sflag:s8], $0x8000  }
0x14: {  	[sflag:s8] =	ssyncset.done $0x0  }
0x15: {  	s11 =	simm.s32 $0x2;
	[sflag:s8] =	ssyncadd.s32 $0xFFFF8000  }
0x16: {  	_ =	swait.ge [sflag:s11], $0x8000  }
0x17: {  	[sflag:s11] =	ssyncset.done $0x0  }
0x18: {  	s12 =	simm.s32 $0x200;
	[sflag:s11] =	ssyncadd.s32 $0xFFFF8000  }
0x19: {  	[tilespmem:s7], [sflag:$0x1] =	stream.indirect.gather [hbm4b:s5+s6], $0x80, s12, s6, $0xb8;
	[tilespmem:$0x10800] =	vst v63  }
0x1a: {  	s13 =	sadd.s32 $0x502400, s25  }
0x1b: {  	[hbm4b:s13+s2] =	stream.linear.scatter [tilespmem:s9], [sflag:$0x2], $0x8000, $0x38;
	[tilespmem:$0x10800] =	vst v63  }
0x1c: {  	_ =	swait.ge [sflag:s8], $0x8000  }
0x1d: {  	[sflag:s8] =	ssyncset.done $0x0  }
0x1e: {  	[sflag:s8] =	ssyncadd.s32 $0xFFFF8000  }
0x1f: {  	_ =	swait.ge [sflag:s11], $0x8000  }
0x20: {  	[sflag:s11] =	ssyncset.done $0x0  }
0x21: {  	s14 =	simm.s32 $0x300;
	[sflag:s11] =	ssyncadd.s32 $0xFFFF8000  }
0x22: {  	[tilespmem:s9], [sflag:$0x1] =	stream.indirect.gather [hbm4b:s5+s6], $0x80, s14, s6, $0xb8;
	[tilespmem:$0x10800] =	vst v63  }
0x23: {  	s15 =	sadd.s32 $0x503400, s25  }
0x24: {  	[hbm4b:s15+s2] =	stream.linear.scatter [tilespmem:s7], [sflag:$0x2], $0x8000, $0x38;
	[tilespmem:$0x10800] =	vst v63  }
0x25: {  	_ =	swait.ge [sflag:s8], $0x8000  }
0x26: {  	[sflag:s8] =	ssyncset.done $0x0  }
0x27: {  	[sflag:s8] =	ssyncadd.s32 $0xFFFF8000  }
0x28: {  	_ =	swait.ge [sflag:s11], $0x8000  }
0x29: {  	[sflag:s11] =	ssyncset.done $0x0  }
0x2a: {  	s16 =	simm.s32 $0x400;
	[sflag:s11] =	ssyncadd.s32 $0xFFFF8000  }
0x2b: {  	[tilespmem:s7], [sflag:$0x1] =	stream.indirect.gather [hbm4b:s5+s6], $0x80, s16, s6, $0xb8;
	[tilespmem:$0x10800] =	vst v63  }
0x2c: {  	s17 =	sadd.s32 $0x504400, s25  }
0x2d: {  	[hbm4b:s17+s2] =	stream.linear.scatter [tilespmem:s9], [sflag:$0x2], $0x8000, $0x38;
	[tilespmem:$0x10800] =	vst v63  }
0x2e: {  	_ =	swait.ge [sflag:s8], $0x8000  }
0x2f: {  	[sflag:s8] =	ssyncset.done $0x0  }
0x30: {  	[sflag:s8] =	ssyncadd.s32 $0xFFFF8000  }
0x31: {  	_ =	swait.ge [sflag:s11], $0x8000  }
0x32: {  	[sflag:s11] =	ssyncset.done $0x0  }
0x33: {  	s18 =	simm.s32 $0x500;
	[sflag:s11] =	ssyncadd.s32 $0xFFFF8000  }
0x34: {  	[tilespmem:s9], [sflag:$0x1] =	stream.indirect.gather [hbm4b:s5+s6], $0x80, s18, s6, $0xb8;
	[tilespmem:$0x10800] =	vst v63  }
0x35: {  	s19 =	sadd.s32 $0x505400, s25  }
0x36: {  	[hbm4b:s19+s2] =	stream.linear.scatter [tilespmem:s7], [sflag:$0x2], $0x8000, $0x38;
	[tilespmem:$0x10800] =	vst v63  }
0x37: {  	_ =	swait.ge [sflag:s8], $0x8000  }
0x38: {  	[sflag:s8] =	ssyncset.done $0x0  }
0x39: {  	[sflag:s8] =	ssyncadd.s32 $0xFFFF8000  }
0x3a: {  	_ =	swait.ge [sflag:s11], $0x8000  }
0x3b: {  	[sflag:s11] =	ssyncset.done $0x0  }
0x3c: {  	s20 =	simm.s32 $0x600;
	[sflag:s11] =	ssyncadd.s32 $0xFFFF8000  }
0x3d: {  	[tilespmem:s7], [sflag:$0x1] =	stream.indirect.gather [hbm4b:s5+s6], $0x80, s20, s6, $0xb8;
	[tilespmem:$0x10800] =	vst v63  }
0x3e: {  	s21 =	sadd.s32 $0x506400, s25  }
0x3f: {  	[hbm4b:s21+s2] =	stream.linear.scatter [tilespmem:s9], [sflag:$0x2], $0x8000, $0x38;
	[tilespmem:$0x10800] =	vst v63  }
0x40: {  	_ =	swait.ge [sflag:s8], $0x8000  }
0x41: {  	[sflag:s8] =	ssyncset.done $0x0  }
0x42: {  	[sflag:s8] =	ssyncadd.s32 $0xFFFF8000  }
0x43: {  	_ =	swait.ge [sflag:s11], $0x8000  }
0x44: {  	[sflag:s11] =	ssyncset.done $0x0  }
0x45: {  	s22 =	simm.s32 $0x700;
	s26 =	ssub.s32 $0x2, s24;
	[sflag:s11] =	ssyncadd.s32 $0xFFFF8000  }
0x46: {  	[tilespmem:s9], [sflag:$0x1] =	stream.indirect.gather [hbm4b:s5+s6], $0x80, s22, s6, $0xb8;
	[tilespmem:$0x10800] =	vst v63  }
0x47: {  	s31 =	sshrl.u32 s26, $0x1;
	s23 =	sadd.s32 $0x507400, s25  }
0x48: {  	[hbm4b:s23+s2] =	stream.linear.scatter [tilespmem:s7], [sflag:$0x2], $0x8000, $0x38;
	[tilespmem:$0x10800] =	vst v63  }
0x49: {  	s24 =	sadd.s32 $0x508400, s25;
	s25 =	ssub.s32 s26, s31;
	_ =	swait.ge [sflag:s8], $0x8000  }
0x4a: {  	s25 =	smax.u32 s25, $0x1;
	[sflag:s8] =	ssyncset.done $0x0  }
0x4b: {  	p0 =	sne.s32 s25, $0x1;
	[sflag:s8] =	ssyncadd.s32 $0xFFFF8000  }
0x4c: {  	[hbm4b:s24+s2] =	stream.linear.scatter [tilespmem:s9], [sflag:$0x2], $0x8000, $0x38;
	[tilespmem:$0x10800] =	vst v63  }
.Ltmp0:
0x4d: {  	_ =	swait.ge [sflag:s11], $0x8000;
	(pc) =	sbr.rel @!p0 .LBB2_2-.Ltmp0, $4  }
0x4e: {  	[sflag:s11] =	ssyncset.done $0x0  }
0x4f: {  	[sflag:s11] =	ssyncadd.s32 $0xFFFF8000  }
0x50: {  	_ =	swait.ge [sflag:s11], $0x8000  }
0x51: {  	s25 =	sadd.s32 $0xFFFFFFFF, s25;
	[sflag:s11] =	ssyncset.done $0x0  }
.LBB2_1:
0x52: {  	p0 =	sne.s32 s25, $0x1;
	s25 =	sadd.s32 $0xFFFFFFFF, s25;
	[sflag:s11] =	ssyncadd.s32 $0xFFFF8000  }
0x53: {  	[tilespmem:s2], [sflag:$0x3] =	stream.linear.gather [hbm4b:s3+s2], $0x800, $0x38;
	[tilespmem:$0x10800] =	vst v63  }
0x54: {  	_ =	swait.ge [sflag:s4], $0x800  }
0x55: {  	[sflag:s4] =	ssyncset.done $0x0  }
0x56: {  	[sflag:s4] =	ssyncadd.s32 $0xFFFFF800  }
0x57: {  	[tilespmem:s7], [sflag:$0x1] =	stream.indirect.gather [hbm4b:s5+s6], $0x80, s2, s6, $0xb8;
	[tilespmem:$0x10800] =	vst v63  }
0x58: {  	_ =	swait.ge [sflag:s8], $0x8000  }
0x59: {  	[sflag:s8] =	ssyncset.done $0x0  }
0x5a: {  	[sflag:s8] =	ssyncadd.s32 $0xFFFF8000  }
0x5b: {  	[tilespmem:s9], [sflag:$0x1] =	stream.indirect.gather [hbm4b:s5+s6], $0x80, s6, s6, $0xb8;
	[tilespmem:$0x10800] =	vst v63  }
0x5c: {  	_ = 	snop  }
0x5d: {  	[hbm4b:s10+s2] =	stream.linear.scatter [tilespmem:s7], [sflag:$0x2], $0x8000, $0x38;
	[tilespmem:$0x10800] =	vst v63  }
0x5e: {  	_ =	swait.ge [sflag:s8], $0x8000  }
0x5f: {  	[sflag:s8] =	ssyncset.done $0x0  }
0x60: {  	[sflag:s8] =	ssyncadd.s32 $0xFFFF8000  }
0x61: {  	_ =	swait.ge [sflag:s11], $0x8000  }
0x62: {  	[sflag:s11] =	ssyncset.done $0x0  }
0x63: {  	[sflag:s11] =	ssyncadd.s32 $0xFFFF8000  }
0x64: {  	[tilespmem:s7], [sflag:$0x1] =	stream.indirect.gather [hbm4b:s5+s6], $0x80, s12, s6, $0xb8;
	[tilespmem:$0x10800] =	vst v63  }
0x65: {  	_ = 	snop  }
0x66: {  	[hbm4b:s13+s2] =	stream.linear.scatter [tilespmem:s9], [sflag:$0x2], $0x8000, $0x38;
	[tilespmem:$0x10800] =	vst v63  }
0x67: {  	_ =	swait.ge [sflag:s8], $0x8000  }
0x68: {  	[sflag:s8] =	ssyncset.done $0x0  }
0x69: {  	[sflag:s8] =	ssyncadd.s32 $0xFFFF8000  }
0x6a: {  	_ =	swait.ge [sflag:s11], $0x8000  }
0x6b: {  	[sflag:s11] =	ssyncset.done $0x0  }
0x6c: {  	[sflag:s11] =	ssyncadd.s32 $0xFFFF8000  }
0x6d: {  	[tilespmem:s9], [sflag:$0x1] =	stream.indirect.gather [hbm4b:s5+s6], $0x80, s14, s6, $0xb8;
	[tilespmem:$0x10800] =	vst v63  }
0x6e: {  	_ = 	snop  }
0x6f: {  	[hbm4b:s15+s2] =	stream.linear.scatter [tilespmem:s7], [sflag:$0x2], $0x8000, $0x38;
	[tilespmem:$0x10800] =	vst v63  }
0x70: {  	_ =	swait.ge [sflag:s8], $0x8000  }
0x71: {  	[sflag:s8] =	ssyncset.done $0x0  }
0x72: {  	[sflag:s8] =	ssyncadd.s32 $0xFFFF8000  }
0x73: {  	_ =	swait.ge [sflag:s11], $0x8000  }
0x74: {  	[sflag:s11] =	ssyncset.done $0x0  }
0x75: {  	[sflag:s11] =	ssyncadd.s32 $0xFFFF8000  }
0x76: {  	[tilespmem:s7], [sflag:$0x1] =	stream.indirect.gather [hbm4b:s5+s6], $0x80, s16, s6, $0xb8;
	[tilespmem:$0x10800] =	vst v63  }
0x77: {  	_ = 	snop  }
0x78: {  	[hbm4b:s17+s2] =	stream.linear.scatter [tilespmem:s9], [sflag:$0x2], $0x8000, $0x38;
	[tilespmem:$0x10800] =	vst v63  }
0x79: {  	_ =	swait.ge [sflag:s8], $0x8000  }
0x7a: {  	[sflag:s8] =	ssyncset.done $0x0  }
0x7b: {  	[sflag:s8] =	ssyncadd.s32 $0xFFFF8000  }
0x7c: {  	_ =	swait.ge [sflag:s11], $0x8000  }
0x7d: {  	[sflag:s11] =	ssyncset.done $0x0  }
0x7e: {  	[sflag:s11] =	ssyncadd.s32 $0xFFFF8000  }
0x7f: {  	[tilespmem:s9], [sflag:$0x1] =	stream.indirect.gather [hbm4b:s5+s6], $0x80, s18, s6, $0xb8;
	[tilespmem:$0x10800] =	vst v63  }
0x80: {  	_ = 	snop  }
0x81: {  	[hbm4b:s19+s2] =	stream.linear.scatter [tilespmem:s7], [sflag:$0x2], $0x8000, $0x38;
	[tilespmem:$0x10800] =	vst v63  }
0x82: {  	_ =	swait.ge [sflag:s8], $0x8000  }
0x83: {  	[sflag:s8] =	ssyncset.done $0x0  }
0x84: {  	[sflag:s8] =	ssyncadd.s32 $0xFFFF8000  }
0x85: {  	_ =	swait.ge [sflag:s11], $0x8000  }
0x86: {  	[sflag:s11] =	ssyncset.done $0x0  }
0x87: {  	[sflag:s11] =	ssyncadd.s32 $0xFFFF8000  }
0x88: {  	[tilespmem:s7], [sflag:$0x1] =	stream.indirect.gather [hbm4b:s5+s6], $0x80, s20, s6, $0xb8;
	[tilespmem:$0x10800] =	vst v63  }
0x89: {  	_ = 	snop  }
0x8a: {  	[hbm4b:s21+s2] =	stream.linear.scatter [tilespmem:s9], [sflag:$0x2], $0x8000, $0x38;
	[tilespmem:$0x10800] =	vst v63  }
0x8b: {  	_ =	swait.ge [sflag:s8], $0x8000  }
0x8c: {  	[sflag:s8] =	ssyncset.done $0x0  }
0x8d: {  	[sflag:s8] =	ssyncadd.s32 $0xFFFF8000  }
0x8e: {  	_ =	swait.ge [sflag:s11], $0x8000  }
0x8f: {  	[sflag:s11] =	ssyncset.done $0x0  }
0x90: {  	[sflag:s11] =	ssyncadd.s32 $0xFFFF8000  }
0x91: {  	[tilespmem:s9], [sflag:$0x1] =	stream.indirect.gather [hbm4b:s5+s6], $0x80, s22, s6, $0xb8;
	[tilespmem:$0x10800] =	vst v63  }
0x92: {  	_ = 	snop  }
0x93: {  	[hbm4b:s23+s2] =	stream.linear.scatter [tilespmem:s7], [sflag:$0x2], $0x8000, $0x38;
	[tilespmem:$0x10800] =	vst v63  }
0x94: {  	_ =	swait.ge [sflag:s8], $0x8000  }
0x95: {  	[sflag:s8] =	ssyncset.done $0x0  }
0x96: {  	[sflag:s8] =	ssyncadd.s32 $0xFFFF8000  }
0x97: {  	[hbm4b:s24+s2] =	stream.linear.scatter [tilespmem:s9], [sflag:$0x2], $0x8000, $0x38;
	[tilespmem:$0x10800] =	vst v63  }
.Ltmp1:
0x98: {  	_ =	swait.ge [sflag:s11], $0x8000;
	(pc) =	sbr.rel @p0 .LBB2_1-.Ltmp1, $4  }
0x99: {  	[sflag:s11] =	ssyncset.done $0x0  }
0x9a: {  	[sflag:s11] =	ssyncadd.s32 $0xFFFF8000  }
0x9b: {  	_ =	swait.ge [sflag:s11], $0x8000  }
0x9c: {  	[sflag:s11] =	ssyncset.done $0x0  }
.LBB2_2:
0x9d: {  	[sflag:s11] =	ssyncadd.s32 $0xFFFF8000  }
0x9e: {  	_ =	sfence.sel $0x180000  }
0x9f: {  	[bflag:$0x0] =	sbarrier.arrive $0xFFFF  }
0xa0: {  	p0 =	sne.s32 s0, $0x0;
	_ =	strace $0x9000004D  }
0xa1: {  	s0 =	sadd.s32 @!p0 $0x100000, s1;
	[bflag:$0x2] =	sbarrier.arrive $0xFFFF  }
0xa2: {  	[sflag:s0] =	ssyncadd.tile.s32 @!p0 $0x1;
	_ =	shalt  }
.Lfunc_end2:
_tile_overlayer_lowered:
.L_overlay_start_2:
0xa3: {  	(tag) =	ssettag $0x2  }
0xa4: {  	s0 =	rddreg [dreg:$0x0];
	s2 =	stileid.u32  }
0xa5: {  	s1 =	rddreg [dreg:$0x1];
	p0 =	sne.s32 s2, $0x0  }
0xa6: {  	s3 =	rddreg [dreg:$0x2];
	[bflag:$0x3] =	sbarrier.arrive $0xFFFF;
	s2 =	simm.s32 @!p0 $0x1C03  }
0xa7: {  	[timem:s3], [sflag:s2] =	dma.local @!p0 [hbm:s0], s1  }
0xa8: {  	s0 =	simm.s32 @!p0 $0x3  }
0xa9: {  	_ =	swait.ge @!p0 [sflag:s0], s1  }
0xaa: {  	s1 =	ssub.s32 @!p0 $0x0, s1;
	[sflag:s0] =	ssyncset.done @!p0 $0x0  }
0xab: {  	[sflag:s0] =	ssyncadd.s32 @!p0 s1  }
0xac: {  	[bflag:$0x3] =	sbarrier.arrive $0xFFFF  }
0xad: {  	_ =	shalt  }

// kernel: _mapper.21.cloned.1.call-start
scs
__scs_entry_jumppad:
0x0: {  	(pc) =	sbr.rel $0x88, $3  }
0x1: {  	(tag) =	ssettag $0x0;
	lr =	simm.s32 $0x1  }
0x2: {  	[smem:$0x3F9D] =	sst lr;
	_ =	strace $0xD0000000  }
0x3: {  	_ = 	snop  }
0x4: {  	_ = 	snop  }
0x5: {  	_ = 	snop  }
0x6: {  	_ = 	snop  }
0x7: {  	_ = 	snop  }
__scs_overlays_trampoline_lowered:
0x8: {  	[smem:$0x3FAC] =	sst s0  }
0x9: {  	[smem:$0x3FAD] =	sst s1  }
0xa: {  	[smem:$0x3FAE] =	sst s2  }
0xb: {  	[smem:$0x3FAF] =	sst s3  }
0xc: {  	[smem:$0x3FB0] =	sst s4  }
0xd: {  	[smem:$0x3FB1] =	sst s5  }
0xe: {  	[smem:$0x3FB2] =	sst s6  }
0xf: {  	[smem:$0x3FB3] =	sst s7  }
0x10: {  	[smem:$0x3FB4] =	sst s8  }
0x11: {  	[smem:$0x3FB5] =	sst s9;
	s0 =	simm.s32 @!p0 $0x0  }
0x12: {  	s1 =	sld [smem:$0x3F9B];
	s0 =	simm.s32 @p0 $0x1  }
0x13: {  	[smem:$0x3FB6] =	sst s0;
	s0 =	simm.s32 @!p1 $0x0  }
0x14: {  	s2 =	sld [smem:$0x3F9A];
	s0 =	simm.s32 @p1 $0x1  }
0x15: {  	[smem:$0x3FB7] =	sst s0;
	s0 =	simm.s32 @!p2 $0x0  }
0x16: {  	s3 =	sld [smem:$0x3FDB];
	s0 =	simm.s32 @p2 $0x1  }
0x17: {  	s4 =	simm.s32 $0x1BF5;
	[smem:$0x3FB9] =	sst s0  }
0x18: {  	s0 =	sld [smem:$0x3F9C];
	_ =	swait.ge [sflag:s4], $0x0  }
0x19: {  	s7 =	sld [smem:$0x3F9D]  }
0x1a: {  	s8 =	sadd.s32 $0xFFFFE003, lr  }
0x1b: {  	s9 =	sadd.s32 $0xFFFFFEF7, lr;
	s5 =	simm.s32 $0xFFFFFFFF;
	p2 =	slt.u32 s8, $0xFFFFF086  }
0x1c: {  	p1 =	slt.u32 s9, $0xF7A;
	s5 =	simm.s32 @!p2 $0x0  }
0x1d: {  	s5 =	simm.s32 @p1 $0x1;
	p0 =	seq.s32 s7, s2  }
0x1e: {  	s7 =	smul.u32 @!p0 $0xF7A, s2;
	p2 =	seq.s32 @!p0 s5, $0x0  }
0x1f: {  	s9 =	smul.u32 $0xF7A, s1;
	s8 =	simm.s32 @!p0 $0x1BF5;
	p2 =	por !p2, p0  }
0x20: {  	[sflag:s8] =	ssyncset.s32 @!p0 $0xFFFFF086;
	s6 =	sadd.s32 @!p0 s3, s7;
	s7 =	simm.s32 @!p0 $0x108  }
0x21: {  	s3 =	sadd.s32 s3, s9;
	s6 =	sadd.s32 @!p0 $0x88, s6;
	s7 =	simm.s32 @p2 $0x1082  }
0x22: {  	[simem:s7], [sflag:s8] =	dma.local @!p0 [hbm:s6], $0xF7A  }
0x23: {  	s9 =	sor.u32 $0xD0000000, s2;
	s6 =	simm.s32 $0x108;
	_ =	swait.ge @!p0 [sflag:s8], $0x0  }
0x24: {  	s3 =	sadd.s32 $0x88, s3;
	s6 =	simm.s32 @!p1 $0x1082;
	[sflag:s4] =	ssyncset.s32 $0xFFFFF086  }
0x25: {  	[simem:s6], [sflag:s4] =	dma.local [hbm:s3], $0xF7A  }
0x26: {  	[smem:$0x3F9D] =	sst s1;
	(tag) =	ssettag s2;
	_ =	strace s9  }
0x27: {  	s1 =	sld [smem:$0x3FAD]  }
0x28: {  	s2 =	sld [smem:$0x3FAE]  }
0x29: {  	s4 =	sld [smem:$0x3FB0]  }
0x2a: {  	p0 =	seq.s32 s5, $0x0;
	s5 =	sld [smem:$0x3FB1]  }
0x2b: {  	s6 =	sld [smem:$0x3FB2]  }
0x2c: {  	s7 =	sld [smem:$0x3FB3]  }
0x2d: {  	s3 =	simm.s32 $0x108;
	s8 =	sld [smem:$0x3FB4]  }
0x2e: {  	s3 =	simm.s32 @!p0 $0x1082;
	s9 =	sld [smem:$0x3FB5]  }
0x2f: {  	lr =	sadd.s32 s0, s3;
	s0 =	sld [smem:$0x3FAC]  }
0x30: {  	s3 =	sld [smem:$0x3FAF]  }
0x31: {  	[smem:$0x3FB8] =	sst s10  }
0x32: {  	s10 =	sld [smem:$0x3FB6];
	_ =	sdelay $0x3  }
0x33: {  	p0 =	seq.s32 s10, $0x1;
	s10 =	sld [smem:$0x3FB8];
	_ =	sdelay $0x3  }
0x34: {  	[smem:$0x3FB8] =	sst s10  }
0x35: {  	s10 =	sld [smem:$0x3FB7];
	_ =	sdelay $0x3  }
0x36: {  	p1 =	seq.s32 s10, $0x1;
	s10 =	sld [smem:$0x3FB8];
	_ =	sdelay $0x3  }
0x37: {  	[smem:$0x3FB8] =	sst s10  }
0x38: {  	s10 =	sld [smem:$0x3FB9]  }
0x39: {  	_ = 	snop;
	(pc) =	sbr.ind lr, $3  }
0x3a: {  	_ = 	snop  }
0x3b: {  	_ = 	snop  }
0x3c: {  	p2 =	seq.s32 s10, $0x1;
	s10 =	sld [smem:$0x3FB8]  }
0x3d: {  	_ =	shalt  }
0x3e: {  	_ =	shalt  }
0x3f: {  	_ =	shalt  }
0x40: {  	_ =	shalt  }
0x41: {  	_ =	shalt  }
0x42: {  	_ =	shalt  }
0x43: {  	_ =	shalt  }
0x44: {  	_ =	shalt  }
0x45: {  	_ =	shalt  }
0x46: {  	_ =	shalt  }
0x47: {  	_ =	shalt  }
0x48: {  	_ =	shalt  }
0x49: {  	_ =	shalt  }
0x4a: {  	_ =	shalt  }
0x4b: {  	_ =	shalt  }
0x4c: {  	_ =	shalt  }
0x4d: {  	_ =	shalt  }
0x4e: {  	_ =	shalt  }
0x4f: {  	_ =	shalt  }
0x50: {  	_ =	shalt  }
0x51: {  	_ =	shalt  }
0x52: {  	_ =	shalt  }
0x53: {  	_ =	shalt  }
0x54: {  	_ =	shalt  }
0x55: {  	_ =	shalt  }
0x56: {  	_ =	shalt  }
0x57: {  	_ =	shalt  }
0x58: {  	_ =	shalt  }
0x59: {  	_ =	shalt  }
0x5a: {  	_ =	shalt  }
0x5b: {  	_ =	shalt  }
0x5c: {  	_ =	shalt  }
0x5d: {  	_ =	shalt  }
0x5e: {  	_ =	shalt  }
0x5f: {  	_ =	shalt  }
0x60: {  	_ =	shalt  }
0x61: {  	_ =	shalt  }
0x62: {  	_ =	shalt  }
0x63: {  	_ =	shalt  }
0x64: {  	_ =	shalt  }
0x65: {  	_ =	shalt  }
0x66: {  	_ =	shalt  }
0x67: {  	_ =	shalt  }
0x68: {  	_ =	shalt  }
0x69: {  	_ =	shalt  }
0x6a: {  	_ =	shalt  }
0x6b: {  	_ =	shalt  }
0x6c: {  	_ =	shalt  }
0x6d: {  	_ =	shalt  }
0x6e: {  	_ =	shalt  }
0x6f: {  	_ =	shalt  }
0x70: {  	_ =	shalt  }
0x71: {  	_ =	shalt  }
0x72: {  	_ =	shalt  }
0x73: {  	_ =	shalt  }
0x74: {  	_ =	shalt  }
0x75: {  	_ =	shalt  }
0x76: {  	_ =	shalt  }
0x77: {  	_ =	shalt  }
0x78: {  	_ =	shalt  }
0x79: {  	_ =	shalt  }
0x7a: {  	_ =	shalt  }
0x7b: {  	_ =	shalt  }
0x7c: {  	_ =	shalt  }
0x7d: {  	_ =	shalt  }
0x7e: {  	_ =	shalt  }
0x7f: {  	_ =	shalt  }
0x80: {  	_ =	shalt  }
0x81: {  	_ =	shalt  }
0x82: {  	_ =	shalt  }
0x83: {  	_ =	shalt  }
0x84: {  	_ =	shalt  }
0x85: {  	_ =	shalt  }
0x86: {  	_ =	shalt  }
0x87: {  	_ =	shalt  }
.Lfunc_end0:
.L_simem_size_0:
called_computation.3_lowered:
.L_overlay_start_0:
0x88: {  	s2 =	sld [smem:$0x3FD9]  }
0x89: {  	s3 =	sld [smem:$0x3FFE];
	_ =	sdelay $0x1  }
0x8a: {  	s1 =	srdreg.scid  }
0x8b: {  	s0 =	sand.u32 $0x1, s1  }
0x8c: {  	s17 =	sshll.u32 s0, $0xA;
	s2 =	sadd.s32 s3, s2  }
0x8d: {  	s2 =	sadd.s32 s2, s17  }
0x8e: {  	[smem:$0x3FC4] =	sst s2  }
0x8f: {  	_ = 	snop  }
0x90: {  	s18 =	sld [smem:$0x3FC7];
	(tm) =	ssettm $0x1  }
0x91: {  	s19 =	sld [smem:$0x3FFB];
	_ =	sdelay $0x3  }
0x92: {  	_ =	strace s19  }
0x93: {  	s2 =	sld [smem:$0x3FFC];
	_ =	sdelay $0x3  }
0x94: {  	_ =	strace s2  }
0x95: {  	s2 =	sld [smem:$0x3FFD];
	_ =	sdelay $0x3  }
0x96: {  	_ =	strace s2  }
0x97: {  	_ =	strace $0x8FFFFFFF  }
0x98: {  	s20 =	sld [smem:$0x3FDB];
	_ =	sdelay $0x1  }
0x99: {  	s4 =	simm.s32 $_scs_section_size  }
0x9a: {  	s5 =	simm.s32 $_size__tile_overlayer_lowered;
	s6 =	simm.s32 $_tile_overlayer_lowered  }
0x9b: {  	s7 =	simm.s32 $0x1BFF;
	s21 =	sshll.u32 s6, $0x1;
	s4 =	sadd.s32 s4, s20  }
0x9c: {  	s22 =	simm.s32 $0x0;
	s5 =	sshll.u32 s5, $0x1;
	s6 =	sadd.s32 s21, s4  }
0x9d: {  	[timem:s22], [sflag:s7] =	dma.local [hbm:s6], s5  }
0x9e: {  	_ =	swait.ge [sflag:s7], s5  }
0x9f: {  	s5 =	ssub.s32 $0x0, s5;
	[sflag:s7] =	ssyncset.done $0x0  }
0xa0: {  	[sflag:s7] =	ssyncadd.s32 s5;
	_ =	sdelay $0x1  }
0xa1: {  	s23 =	simm.s32 $0x1B8B  }
0xa2: {  	_ =	swait.ge [sflag:s23], $0x1  }
0xa3: {  	[sflag:s23] =	ssyncset.done $0x0  }
0xa4: {  	[sflag:s23] =	ssyncadd.s32 $0xFFFFFFFF  }
0xa5: {  	s5 =	sld [smem:$0x0]  }
0xa6: {  	s6 =	sand.u32 $0xFFFFFFFE, s1  }
0xa7: {  	p0 =	sne.s32 s1, s6  }
0xa8: {  	s6 =	sshll.u32 @p0 s6, $0xE  }
0xa9: {  	s6 =	sadd.s32 @p0 $0x11B8D, s6;
	s7 =	sshll.u32 @p0 s5, $0x11  }
0xaa: {  	s6 =	sor.u32 @p0 s7, s6  }
0xab: {  	[sflag:s6] =	ssyncadd.remote.s32 @p0 $0x1;
	_ =	sdelay $0x1  }
0xac: {  	s6 =	simm.s32 @p0 $0x1B8D  }
0xad: {  	_ =	swait.eq @p0 [sflag:s6], $0x1  }
0xae: {  	[sflag:s6] =	ssyncadd.s32 @p0 $0xFFFFFFFF  }
0xaf: {  	s7 =	sshll.u32 @!p0 s1, $0xE  }
0xb0: {  	s7 =	sor.u32 @!p0 $0x4000, s7;
	s6 =	simm.s32 @!p0 $0x1B8D  }
0xb1: {  	s5 =	sshll.u32 @!p0 s5, $0x11;
	s7 =	sadd.s32 @!p0 $0x11B8D, s7;
	_ =	swait.eq @!p0 [sflag:s6], $0x1  }
0xb2: {  	s5 =	sor.u32 @!p0 s5, s7;
	[sflag:s6] =	ssyncadd.s32 @!p0 $0xFFFFFFFF  }
0xb3: {  	s25 =	simm.s32 $0x1B8E;
	s24 =	sld [smem:$0x3FFE];
	[sflag:s5] =	ssyncadd.remote.s32 @!p0 $0x1  }
0xb4: {  	s26 =	simm.s32 $execute0_lowered;
	[smem:$0x3FD2] =	sst s25  }
0xb5: {  	s6 =	sshll.u32 s26, $0x1;
	_ =	strace $0x8000004F;
	[dreg:$0x1] =	wrdreg $0xFFFFFFFF  }
0xb6: {  	s28 =	simm.s32 $_size_execute0_lowered;
	s4 =	sadd.s32 s4, s6;
	[dreg:$0x0] =	wrdreg $0x0  }
0xb7: {  	s6 =	sshll.u32 s28, $0x1;
	[dreg:$0x2] =	wrdreg s4  }
0xb8: {  	[dreg:$0x3] =	wrdreg s6  }
0xb9: {  	[dreg:$0x4] =	wrdreg $0xC0  }
0xba: {  	_ =	task [dreg:s22], $0x5FFFF  }
0xbb: {  	[dreg:$0x1] =	wrdreg $0xFFFFFFFF  }
0xbc: {  	[dreg:$0x0] =	wrdreg $0x60  }
0xbd: {  	[dreg:$0x2] =	wrdreg s24  }
0xbe: {  	[dreg:$0x3] =	wrdreg s18  }
0xbf: {  	[dreg:$0x4] =	wrdreg $0xC  }
0xc0: {  	_ =	task.clear_ibuf [dreg:s22], $0x5FFFF;
	_ =	strace $0x9000004F  }
0xc1: {  	s29 =	simm.s32 $0xC;
	_ =	strace $0x80000051  }
0xc2: {  	_ =	swait.ge [sflag:s29], $0x1  }
0xc3: {  	[sflag:s29] =	ssyncadd.s32 $0xFFFFFFFF  }
0xc4: {  	_ =	strace $0x90000051  }
0xc5: {  	_ =	sfence  }
0xc6: {  	s30 =	sld [smem:$0x0];
	_ =	sdelay $0x2  }
0xc7: {  	s31 =	sshll.u32 s1, $0xD;
	s1 =	sshrl.u32 s1, $0x2  }
0xc8: {  	s4 =	sand.u32 $0x4000, s31;
	s1 =	sadd.s32 s1, s30  }
0xc9: {  	s0 =	sor.u32 s4, s0;
	s1 =	sshll.u32 s1, $0x11  }
0xca: {  	s0 =	sor.u32 s1, s0  }
0xcb: {  	s0 =	sadd.s32 $0x8F2B, s0  }
0xcc: {  	[sflag:s0] =	ssyncadd.remote.s32 $0x1  }
0xcd: {  	_ =	sfence.sel $0xFFFF  }
0xce: {  	[dreg:$0x0] =	wrdreg $0xFFFFFFFF;
	(pc) =	sbr.abs _section_cstart, $3  }
0xcf: {  	[dreg:$0x1] =	wrdreg $0xFFFFFFFF  }
0xd0: {  	_ =	task.clear_ibuf [dreg:s22], $0x2FFFF;
	_ =	strace $0x9FFFFFFF  }
0xd1: {  	(tm) =	ssettm $0x7FFFFFFF  }
tec
execute0_lowered:
.L_overlay_start_1:
0x0: {  	(tag) =	ssettag $0x1  }
0x1: {  	s1 =	srdreg.scid  }
0x2: {  	s0 =	stileid.u32;
	s24 =	sand.u32 $0x1, s1  }
0x3: {  	s9 =	rddreg [dreg:$0x0];
	s30 =	sshll.u32 s0, $0xC;
	s2 =	sshll.u32 s24, $0xB  }
0x4: {  	s3 =	rddreg [dreg:$0x1];
	s10 =	sor.u32 s2, s30  }
0x5: {  	s1 =	rddreg [dreg:$0x2];
	s2 =	simm.s32 $0x0;
	s4 =	sshrl.u32 s10, $0x3  }
0x6: {  	[smem:$0x7FF] =	sst s2;
	s3 =	sadd.s32 s4, s3  }
0x7: {  	_ =	strace $0x80000050;
	s4 =	simm.s32 $0x3;
	s3 =	sadd.s32 $0x4000, s3  }
0x8: {  	[tilespmem:s2], [sflag:$0x3] =	stream.linear.gather [hbm4b:s3+s2], $0x800, $0x38;
	[tilespmem:$0x10800] =	vst v63  }
0x9: {  	_ =	swait.ge [sflag:s4], $0x800  }
0xa: {  	s6 =	simm.s32 $0x100;
	s7 =	simm.s32 $0x800;
	[sflag:s4] =	ssyncset.done $0x0  }
0xb: {  	s8 =	simm.s32 $0x1;
	s5 =	sadd.s32 $0x1400, s9;
	[sflag:s4] =	ssyncadd.s32 $0xFFFFF800  }
0xc: {  	[tilespmem:s7], [sflag:$0x1] =	stream.indirect.gather [hbm4b:s5+s6], $0x80, s2, s6, $0xb8;
	[tilespmem:$0x10800] =	vst v63  }
0xd: {  	_ =	swait.ge [sflag:s8], $0x8000  }
0xe: {  	s10 =	sshll.u32 s10, $0x4;
	[sflag:s8] =	ssyncset.done $0x0  }
0xf: {  	s25 =	sadd.s32 s10, s9;
	s9 =	simm.s32 $0x8800;
	[sflag:s8] =	ssyncadd.s32 $0xFFFF8000  }
0x10: {  	[tilespmem:s9], [sflag:$0x1] =	stream.indirect.gather [hbm4b:s5+s6], $0x80, s6, s6, $0xb8;
	[tilespmem:$0x10800] =	vst v63  }
0x11: {  	s10 =	sadd.s32 $0x601400, s25  }
0x12: {  	[hbm4b:s10+s2] =	stream.linear.scatter [tilespmem:s7], [sflag:$0x2], $0x8000, $0x38;
	[tilespmem:$0x10800] =	vst v63  }
0x13: {  	_ =	swait.ge [sflag:s8], $0x8000  }
0x14: {  	[sflag:s8] =	ssyncset.done $0x0  }
0x15: {  	s11 =	simm.s32 $0x2;
	[sflag:s8] =	ssyncadd.s32 $0xFFFF8000  }
0x16: {  	_ =	swait.ge [sflag:s11], $0x8000  }
0x17: {  	[sflag:s11] =	ssyncset.done $0x0  }
0x18: {  	s12 =	simm.s32 $0x200;
	[sflag:s11] =	ssyncadd.s32 $0xFFFF8000  }
0x19: {  	[tilespmem:s7], [sflag:$0x1] =	stream.indirect.gather [hbm4b:s5+s6], $0x80, s12, s6, $0xb8;
	[tilespmem:$0x10800] =	vst v63  }
0x1a: {  	s13 =	sadd.s32 $0x602400, s25  }
0x1b: {  	[hbm4b:s13+s2] =	stream.linear.scatter [tilespmem:s9], [sflag:$0x2], $0x8000, $0x38;
	[tilespmem:$0x10800] =	vst v63  }
0x1c: {  	_ =	swait.ge [sflag:s8], $0x8000  }
0x1d: {  	[sflag:s8] =	ssyncset.done $0x0  }
0x1e: {  	[sflag:s8] =	ssyncadd.s32 $0xFFFF8000  }
0x1f: {  	_ =	swait.ge [sflag:s11], $0x8000  }
0x20: {  	[sflag:s11] =	ssyncset.done $0x0  }
0x21: {  	s14 =	simm.s32 $0x300;
	[sflag:s11] =	ssyncadd.s32 $0xFFFF8000  }
0x22: {  	[tilespmem:s9], [sflag:$0x1] =	stream.indirect.gather [hbm4b:s5+s6], $0x80, s14, s6, $0xb8;
	[tilespmem:$0x10800] =	vst v63  }
0x23: {  	s15 =	sadd.s32 $0x603400, s25  }
0x24: {  	[hbm4b:s15+s2] =	stream.linear.scatter [tilespmem:s7], [sflag:$0x2], $0x8000, $0x38;
	[tilespmem:$0x10800] =	vst v63  }
0x25: {  	_ =	swait.ge [sflag:s8], $0x8000  }
0x26: {  	[sflag:s8] =	ssyncset.done $0x0  }
0x27: {  	[sflag:s8] =	ssyncadd.s32 $0xFFFF8000  }
0x28: {  	_ =	swait.ge [sflag:s11], $0x8000  }
0x29: {  	[sflag:s11] =	ssyncset.done $0x0  }
0x2a: {  	s16 =	simm.s32 $0x400;
	[sflag:s11] =	ssyncadd.s32 $0xFFFF8000  }
0x2b: {  	[tilespmem:s7], [sflag:$0x1] =	stream.indirect.gather [hbm4b:s5+s6], $0x80, s16, s6, $0xb8;
	[tilespmem:$0x10800] =	vst v63  }
0x2c: {  	s17 =	sadd.s32 $0x604400, s25  }
0x2d: {  	[hbm4b:s17+s2] =	stream.linear.scatter [tilespmem:s9], [sflag:$0x2], $0x8000, $0x38;
	[tilespmem:$0x10800] =	vst v63  }
0x2e: {  	_ =	swait.ge [sflag:s8], $0x8000  }
0x2f: {  	[sflag:s8] =	ssyncset.done $0x0  }
0x30: {  	[sflag:s8] =	ssyncadd.s32 $0xFFFF8000  }
0x31: {  	_ =	swait.ge [sflag:s11], $0x8000  }
0x32: {  	[sflag:s11] =	ssyncset.done $0x0  }
0x33: {  	s18 =	simm.s32 $0x500;
	[sflag:s11] =	ssyncadd.s32 $0xFFFF8000  }
0x34: {  	[tilespmem:s9], [sflag:$0x1] =	stream.indirect.gather [hbm4b:s5+s6], $0x80, s18, s6, $0xb8;
	[tilespmem:$0x10800] =	vst v63  }
0x35: {  	s19 =	sadd.s32 $0x605400, s25  }
0x36: {  	[hbm4b:s19+s2] =	stream.linear.scatter [tilespmem:s7], [sflag:$0x2], $0x8000, $0x38;
	[tilespmem:$0x10800] =	vst v63  }
0x37: {  	_ =	swait.ge [sflag:s8], $0x8000  }
0x38: {  	[sflag:s8] =	ssyncset.done $0x0  }
0x39: {  	[sflag:s8] =	ssyncadd.s32 $0xFFFF8000  }
0x3a: {  	_ =	swait.ge [sflag:s11], $0x8000  }
0x3b: {  	[sflag:s11] =	ssyncset.done $0x0  }
0x3c: {  	s20 =	simm.s32 $0x600;
	[sflag:s11] =	ssyncadd.s32 $0xFFFF8000  }
0x3d: {  	[tilespmem:s7], [sflag:$0x1] =	stream.indirect.gather [hbm4b:s5+s6], $0x80, s20, s6, $0xb8;
	[tilespmem:$0x10800] =	vst v63  }
0x3e: {  	s21 =	sadd.s32 $0x606400, s25  }
0x3f: {  	[hbm4b:s21+s2] =	stream.linear.scatter [tilespmem:s9], [sflag:$0x2], $0x8000, $0x38;
	[tilespmem:$0x10800] =	vst v63  }
0x40: {  	_ =	swait.ge [sflag:s8], $0x8000  }
0x41: {  	[sflag:s8] =	ssyncset.done $0x0  }
0x42: {  	[sflag:s8] =	ssyncadd.s32 $0xFFFF8000  }
0x43: {  	_ =	swait.ge [sflag:s11], $0x8000  }
0x44: {  	[sflag:s11] =	ssyncset.done $0x0  }
0x45: {  	s22 =	simm.s32 $0x700;
	s26 =	ssub.s32 $0x2, s24;
	[sflag:s11] =	ssyncadd.s32 $0xFFFF8000  }
0x46: {  	[tilespmem:s9], [sflag:$0x1] =	stream.indirect.gather [hbm4b:s5+s6], $0x80, s22, s6, $0xb8;
	[tilespmem:$0x10800] =	vst v63  }
0x47: {  	s31 =	sshrl.u32 s26, $0x1;
	s23 =	sadd.s32 $0x607400, s25  }
0x48: {  	[hbm4b:s23+s2] =	stream.linear.scatter [tilespmem:s7], [sflag:$0x2], $0x8000, $0x38;
	[tilespmem:$0x10800] =	vst v63  }
0x49: {  	s24 =	sadd.s32 $0x608400, s25;
	s25 =	ssub.s32 s26, s31;
	_ =	swait.ge [sflag:s8], $0x8000  }
0x4a: {  	s25 =	smax.u32 s25, $0x1;
	[sflag:s8] =	ssyncset.done $0x0  }
0x4b: {  	p0 =	sne.s32 s25, $0x1;
	[sflag:s8] =	ssyncadd.s32 $0xFFFF8000  }
0x4c: {  	[hbm4b:s24+s2] =	stream.linear.scatter [tilespmem:s9], [sflag:$0x2], $0x8000, $0x38;
	[tilespmem:$0x10800] =	vst v63  }
.Ltmp0:
0x4d: {  	_ =	swait.ge [sflag:s11], $0x8000;
	(pc) =	sbr.rel @!p0 .LBB2_2-.Ltmp0, $4  }
0x4e: {  	[sflag:s11] =	ssyncset.done $0x0  }
0x4f: {  	[sflag:s11] =	ssyncadd.s32 $0xFFFF8000  }
0x50: {  	_ =	swait.ge [sflag:s11], $0x8000  }
0x51: {  	s25 =	sadd.s32 $0xFFFFFFFF, s25;
	[sflag:s11] =	ssyncset.done $0x0  }
.LBB2_1:
0x52: {  	p0 =	sne.s32 s25, $0x1;
	s25 =	sadd.s32 $0xFFFFFFFF, s25;
	[sflag:s11] =	ssyncadd.s32 $0xFFFF8000  }
0x53: {  	[tilespmem:s2], [sflag:$0x3] =	stream.linear.gather [hbm4b:s3+s2], $0x800, $0x38;
	[tilespmem:$0x10800] =	vst v63  }
0x54: {  	_ =	swait.ge [sflag:s4], $0x800  }
0x55: {  	[sflag:s4] =	ssyncset.done $0x0  }
0x56: {  	[sflag:s4] =	ssyncadd.s32 $0xFFFFF800  }
0x57: {  	[tilespmem:s7], [sflag:$0x1] =	stream.indirect.gather [hbm4b:s5+s6], $0x80, s2, s6, $0xb8;
	[tilespmem:$0x10800] =	vst v63  }
0x58: {  	_ =	swait.ge [sflag:s8], $0x8000  }
0x59: {  	[sflag:s8] =	ssyncset.done $0x0  }
0x5a: {  	[sflag:s8] =	ssyncadd.s32 $0xFFFF8000  }
0x5b: {  	[tilespmem:s9], [sflag:$0x1] =	stream.indirect.gather [hbm4b:s5+s6], $0x80, s6, s6, $0xb8;
	[tilespmem:$0x10800] =	vst v63  }
0x5c: {  	_ = 	snop  }
0x5d: {  	[hbm4b:s10+s2] =	stream.linear.scatter [tilespmem:s7], [sflag:$0x2], $0x8000, $0x38;
	[tilespmem:$0x10800] =	vst v63  }
0x5e: {  	_ =	swait.ge [sflag:s8], $0x8000  }
0x5f: {  	[sflag:s8] =	ssyncset.done $0x0  }
0x60: {  	[sflag:s8] =	ssyncadd.s32 $0xFFFF8000  }
0x61: {  	_ =	swait.ge [sflag:s11], $0x8000  }
0x62: {  	[sflag:s11] =	ssyncset.done $0x0  }
0x63: {  	[sflag:s11] =	ssyncadd.s32 $0xFFFF8000  }
0x64: {  	[tilespmem:s7], [sflag:$0x1] =	stream.indirect.gather [hbm4b:s5+s6], $0x80, s12, s6, $0xb8;
	[tilespmem:$0x10800] =	vst v63  }
0x65: {  	_ = 	snop  }
0x66: {  	[hbm4b:s13+s2] =	stream.linear.scatter [tilespmem:s9], [sflag:$0x2], $0x8000, $0x38;
	[tilespmem:$0x10800] =	vst v63  }
0x67: {  	_ =	swait.ge [sflag:s8], $0x8000  }
0x68: {  	[sflag:s8] =	ssyncset.done $0x0  }
0x69: {  	[sflag:s8] =	ssyncadd.s32 $0xFFFF8000  }
0x6a: {  	_ =	swait.ge [sflag:s11], $0x8000  }
0x6b: {  	[sflag:s11] =	ssyncset.done $0x0  }
0x6c: {  	[sflag:s11] =	ssyncadd.s32 $0xFFFF8000  }
0x6d: {  	[tilespmem:s9], [sflag:$0x1] =	stream.indirect.gather [hbm4b:s5+s6], $0x80, s14, s6, $0xb8;
	[tilespmem:$0x10800] =	vst v63  }
0x6e: {  	_ = 	snop  }
0x6f: {  	[hbm4b:s15+s2] =	stream.linear.scatter [tilespmem:s7], [sflag:$0x2], $0x8000, $0x38;
	[tilespmem:$0x10800] =	vst v63  }
0x70: {  	_ =	swait.ge [sflag:s8], $0x8000  }
0x71: {  	[sflag:s8] =	ssyncset.done $0x0  }
0x72: {  	[sflag:s8] =	ssyncadd.s32 $0xFFFF8000  }
0x73: {  	_ =	swait.ge [sflag:s11], $0x8000  }
0x74: {  	[sflag:s11] =	ssyncset.done $0x0  }
0x75: {  	[sflag:s11] =	ssyncadd.s32 $0xFFFF8000  }
0x76: {  	[tilespmem:s7], [sflag:$0x1] =	stream.indirect.gather [hbm4b:s5+s6], $0x80, s16, s6, $0xb8;
	[tilespmem:$0x10800] =	vst v63  }
0x77: {  	_ = 	snop  }
0x78: {  	[hbm4b:s17+s2] =	stream.linear.scatter [tilespmem:s9], [sflag:$0x2], $0x8000, $0x38;
	[tilespmem:$0x10800] =	vst v63  }
0x79: {  	_ =	swait.ge [sflag:s8], $0x8000  }
0x7a: {  	[sflag:s8] =	ssyncset.done $0x0  }
0x7b: {  	[sflag:s8] =	ssyncadd.s32 $0xFFFF8000  }
0x7c: {  	_ =	swait.ge [sflag:s11], $0x8000  }
0x7d: {  	[sflag:s11] =	ssyncset.done $0x0  }
0x7e: {  	[sflag:s11] =	ssyncadd.s32 $0xFFFF8000  }
0x7f: {  	[tilespmem:s9], [sflag:$0x1] =	stream.indirect.gather [hbm4b:s5+s6], $0x80, s18, s6, $0xb8;
	[tilespmem:$0x10800] =	vst v63  }
0x80: {  	_ = 	snop  }
0x81: {  	[hbm4b:s19+s2] =	stream.linear.scatter [tilespmem:s7], [sflag:$0x2], $0x8000, $0x38;
	[tilespmem:$0x10800] =	vst v63  }
0x82: {  	_ =	swait.ge [sflag:s8], $0x8000  }
0x83: {  	[sflag:s8] =	ssyncset.done $0x0  }
0x84: {  	[sflag:s8] =	ssyncadd.s32 $0xFFFF8000  }
0x85: {  	_ =	swait.ge [sflag:s11], $0x8000  }
0x86: {  	[sflag:s11] =	ssyncset.done $0x0  }
0x87: {  	[sflag:s11] =	ssyncadd.s32 $0xFFFF8000  }
0x88: {  	[tilespmem:s7], [sflag:$0x1] =	stream.indirect.gather [hbm4b:s5+s6], $0x80, s20, s6, $0xb8;
	[tilespmem:$0x10800] =	vst v63  }
0x89: {  	_ = 	snop  }
0x8a: {  	[hbm4b:s21+s2] =	stream.linear.scatter [tilespmem:s9], [sflag:$0x2], $0x8000, $0x38;
	[tilespmem:$0x10800] =	vst v63  }
0x8b: {  	_ =	swait.ge [sflag:s8], $0x8000  }
0x8c: {  	[sflag:s8] =	ssyncset.done $0x0  }
0x8d: {  	[sflag:s8] =	ssyncadd.s32 $0xFFFF8000  }
0x8e: {  	_ =	swait.ge [sflag:s11], $0x8000  }
0x8f: {  	[sflag:s11] =	ssyncset.done $0x0  }
0x90: {  	[sflag:s11] =	ssyncadd.s32 $0xFFFF8000  }
0x91: {  	[tilespmem:s9], [sflag:$0x1] =	stream.indirect.gather [hbm4b:s5+s6], $0x80, s22, s6, $0xb8;
	[tilespmem:$0x10800] =	vst v63  }
0x92: {  	_ = 	snop  }
0x93: {  	[hbm4b:s23+s2] =	stream.linear.scatter [tilespmem:s7], [sflag:$0x2], $0x8000, $0x38;
	[tilespmem:$0x10800] =	vst v63  }
0x94: {  	_ =	swait.ge [sflag:s8], $0x8000  }
0x95: {  	[sflag:s8] =	ssyncset.done $0x0  }
0x96: {  	[sflag:s8] =	ssyncadd.s32 $0xFFFF8000  }
0x97: {  	[hbm4b:s24+s2] =	stream.linear.scatter [tilespmem:s9], [sflag:$0x2], $0x8000, $0x38;
	[tilespmem:$0x10800] =	vst v63  }
.Ltmp1:
0x98: {  	_ =	swait.ge [sflag:s11], $0x8000;
	(pc) =	sbr.rel @p0 .LBB2_1-.Ltmp1, $4  }
0x99: {  	[sflag:s11] =	ssyncset.done $0x0  }
0x9a: {  	[sflag:s11] =	ssyncadd.s32 $0xFFFF8000  }
0x9b: {  	_ =	swait.ge [sflag:s11], $0x8000  }
0x9c: {  	[sflag:s11] =	ssyncset.done $0x0  }
.LBB2_2:
0x9d: {  	[sflag:s11] =	ssyncadd.s32 $0xFFFF8000  }
0x9e: {  	_ =	sfence.sel $0x180000  }
0x9f: {  	[bflag:$0x0] =	sbarrier.arrive $0xFFFF  }
0xa0: {  	p0 =	sne.s32 s0, $0x0;
	_ =	strace $0x90000050  }
0xa1: {  	s0 =	sadd.s32 @!p0 $0x100000, s1;
	[bflag:$0x2] =	sbarrier.arrive $0xFFFF  }
0xa2: {  	[sflag:s0] =	ssyncadd.tile.s32 @!p0 $0x1;
	_ =	shalt  }
.Lfunc_end2:
_tile_overlayer_lowered:
.L_overlay_start_2:
0xa3: {  	(tag) =	ssettag $0x2  }
0xa4: {  	s0 =	rddreg [dreg:$0x0];
	s2 =	stileid.u32  }
0xa5: {  	s1 =	rddreg [dreg:$0x1];
	p0 =	sne.s32 s2, $0x0  }
0xa6: {  	s3 =	rddreg [dreg:$0x2];
	[bflag:$0x3] =	sbarrier.arrive $0xFFFF;
	s2 =	simm.s32 @!p0 $0x1C03  }
0xa7: {  	[timem:s3], [sflag:s2] =	dma.local @!p0 [hbm:s0], s1  }
0xa8: {  	s0 =	simm.s32 @!p0 $0x3  }
0xa9: {  	_ =	swait.ge @!p0 [sflag:s0], s1  }
0xaa: {  	s1 =	ssub.s32 @!p0 $0x0, s1;
	[sflag:s0] =	ssyncset.done @!p0 $0x0  }
0xab: {  	[sflag:s0] =	ssyncadd.s32 @!p0 s1  }
0xac: {  	[bflag:$0x3] =	sbarrier.arrive $0xFFFF  }
0xad: {  	_ =	shalt  }

// kernel: _mapper.24.cloned.1.call-start
scs
__scs_entry_jumppad:
0x0: {  	(pc) =	sbr.rel $0x88, $3  }
0x1: {  	(tag) =	ssettag $0x0;
	lr =	simm.s32 $0x1  }
0x2: {  	[smem:$0x3F9D] =	sst lr;
	_ =	strace $0xD0000000  }
0x3: {  	_ = 	snop  }
0x4: {  	_ = 	snop  }
0x5: {  	_ = 	snop  }
0x6: {  	_ = 	snop  }
0x7: {  	_ = 	snop  }
__scs_overlays_trampoline_lowered:
0x8: {  	[smem:$0x3FAC] =	sst s0  }
0x9: {  	[smem:$0x3FAD] =	sst s1  }
0xa: {  	[smem:$0x3FAE] =	sst s2  }
0xb: {  	[smem:$0x3FAF] =	sst s3  }
0xc: {  	[smem:$0x3FB0] =	sst s4  }
0xd: {  	[smem:$0x3FB1] =	sst s5  }
0xe: {  	[smem:$0x3FB2] =	sst s6  }
0xf: {  	[smem:$0x3FB3] =	sst s7  }
0x10: {  	[smem:$0x3FB4] =	sst s8  }
0x11: {  	[smem:$0x3FB5] =	sst s9;
	s0 =	simm.s32 @!p0 $0x0  }
0x12: {  	s1 =	sld [smem:$0x3F9B];
	s0 =	simm.s32 @p0 $0x1  }
0x13: {  	[smem:$0x3FB6] =	sst s0;
	s0 =	simm.s32 @!p1 $0x0  }
0x14: {  	s2 =	sld [smem:$0x3F9A];
	s0 =	simm.s32 @p1 $0x1  }
0x15: {  	[smem:$0x3FB7] =	sst s0;
	s0 =	simm.s32 @!p2 $0x0  }
0x16: {  	s3 =	sld [smem:$0x3FDB];
	s0 =	simm.s32 @p2 $0x1  }
0x17: {  	s4 =	simm.s32 $0x1BF5;
	[smem:$0x3FB9] =	sst s0  }
0x18: {  	s0 =	sld [smem:$0x3F9C];
	_ =	swait.ge [sflag:s4], $0x0  }
0x19: {  	s7 =	sld [smem:$0x3F9D]  }
0x1a: {  	s8 =	sadd.s32 $0xFFFFE003, lr  }
0x1b: {  	s9 =	sadd.s32 $0xFFFFFEF7, lr;
	s5 =	simm.s32 $0xFFFFFFFF;
	p2 =	slt.u32 s8, $0xFFFFF086  }
0x1c: {  	p1 =	slt.u32 s9, $0xF7A;
	s5 =	simm.s32 @!p2 $0x0  }
0x1d: {  	s5 =	simm.s32 @p1 $0x1;
	p0 =	seq.s32 s7, s2  }
0x1e: {  	s7 =	smul.u32 @!p0 $0xF7A, s2;
	p2 =	seq.s32 @!p0 s5, $0x0  }
0x1f: {  	s9 =	smul.u32 $0xF7A, s1;
	s8 =	simm.s32 @!p0 $0x1BF5;
	p2 =	por !p2, p0  }
0x20: {  	[sflag:s8] =	ssyncset.s32 @!p0 $0xFFFFF086;
	s6 =	sadd.s32 @!p0 s3, s7;
	s7 =	simm.s32 @!p0 $0x108  }
0x21: {  	s3 =	sadd.s32 s3, s9;
	s6 =	sadd.s32 @!p0 $0x88, s6;
	s7 =	simm.s32 @p2 $0x1082  }
0x22: {  	[simem:s7], [sflag:s8] =	dma.local @!p0 [hbm:s6], $0xF7A  }
0x23: {  	s9 =	sor.u32 $0xD0000000, s2;
	s6 =	simm.s32 $0x108;
	_ =	swait.ge @!p0 [sflag:s8], $0x0  }
0x24: {  	s3 =	sadd.s32 $0x88, s3;
	s6 =	simm.s32 @!p1 $0x1082;
	[sflag:s4] =	ssyncset.s32 $0xFFFFF086  }
0x25: {  	[simem:s6], [sflag:s4] =	dma.local [hbm:s3], $0xF7A  }
0x26: {  	[smem:$0x3F9D] =	sst s1;
	(tag) =	ssettag s2;
	_ =	strace s9  }
0x27: {  	s1 =	sld [smem:$0x3FAD]  }
0x28: {  	s2 =	sld [smem:$0x3FAE]  }
0x29: {  	s4 =	sld [smem:$0x3FB0]  }
0x2a: {  	p0 =	seq.s32 s5, $0x0;
	s5 =	sld [smem:$0x3FB1]  }
0x2b: {  	s6 =	sld [smem:$0x3FB2]  }
0x2c: {  	s7 =	sld [smem:$0x3FB3]  }
0x2d: {  	s3 =	simm.s32 $0x108;
	s8 =	sld [smem:$0x3FB4]  }
0x2e: {  	s3 =	simm.s32 @!p0 $0x1082;
	s9 =	sld [smem:$0x3FB5]  }
0x2f: {  	lr =	sadd.s32 s0, s3;
	s0 =	sld [smem:$0x3FAC]  }
0x30: {  	s3 =	sld [smem:$0x3FAF]  }
0x31: {  	[smem:$0x3FB8] =	sst s10  }
0x32: {  	s10 =	sld [smem:$0x3FB6];
	_ =	sdelay $0x3  }
0x33: {  	p0 =	seq.s32 s10, $0x1;
	s10 =	sld [smem:$0x3FB8];
	_ =	sdelay $0x3  }
0x34: {  	[smem:$0x3FB8] =	sst s10  }
0x35: {  	s10 =	sld [smem:$0x3FB7];
	_ =	sdelay $0x3  }
0x36: {  	p1 =	seq.s32 s10, $0x1;
	s10 =	sld [smem:$0x3FB8];
	_ =	sdelay $0x3  }
0x37: {  	[smem:$0x3FB8] =	sst s10  }
0x38: {  	s10 =	sld [smem:$0x3FB9]  }
0x39: {  	_ = 	snop;
	(pc) =	sbr.ind lr, $3  }
0x3a: {  	_ = 	snop  }
0x3b: {  	_ = 	snop  }
0x3c: {  	p2 =	seq.s32 s10, $0x1;
	s10 =	sld [smem:$0x3FB8]  }
0x3d: {  	_ =	shalt  }
0x3e: {  	_ =	shalt  }
0x3f: {  	_ =	shalt  }
0x40: {  	_ =	shalt  }
0x41: {  	_ =	shalt  }
0x42: {  	_ =	shalt  }
0x43: {  	_ =	shalt  }
0x44: {  	_ =	shalt  }
0x45: {  	_ =	shalt  }
0x46: {  	_ =	shalt  }
0x47: {  	_ =	shalt  }
0x48: {  	_ =	shalt  }
0x49: {  	_ =	shalt  }
0x4a: {  	_ =	shalt  }
0x4b: {  	_ =	shalt  }
0x4c: {  	_ =	shalt  }
0x4d: {  	_ =	shalt  }
0x4e: {  	_ =	shalt  }
0x4f: {  	_ =	shalt  }
0x50: {  	_ =	shalt  }
0x51: {  	_ =	shalt  }
0x52: {  	_ =	shalt  }
0x53: {  	_ =	shalt  }
0x54: {  	_ =	shalt  }
0x55: {  	_ =	shalt  }
0x56: {  	_ =	shalt  }
0x57: {  	_ =	shalt  }
0x58: {  	_ =	shalt  }
0x59: {  	_ =	shalt  }
0x5a: {  	_ =	shalt  }
0x5b: {  	_ =	shalt  }
0x5c: {  	_ =	shalt  }
0x5d: {  	_ =	shalt  }
0x5e: {  	_ =	shalt  }
0x5f: {  	_ =	shalt  }
0x60: {  	_ =	shalt  }
0x61: {  	_ =	shalt  }
0x62: {  	_ =	shalt  }
0x63: {  	_ =	shalt  }
0x64: {  	_ =	shalt  }
0x65: {  	_ =	shalt  }
0x66: {  	_ =	shalt  }
0x67: {  	_ =	shalt  }
0x68: {  	_ =	shalt  }
0x69: {  	_ =	shalt  }
0x6a: {  	_ =	shalt  }
0x6b: {  	_ =	shalt  }
0x6c: {  	_ =	shalt  }
0x6d: {  	_ =	shalt  }
0x6e: {  	_ =	shalt  }
0x6f: {  	_ =	shalt  }
0x70: {  	_ =	shalt  }
0x71: {  	_ =	shalt  }
0x72: {  	_ =	shalt  }
0x73: {  	_ =	shalt  }
0x74: {  	_ =	shalt  }
0x75: {  	_ =	shalt  }
0x76: {  	_ =	shalt  }
0x77: {  	_ =	shalt  }
0x78: {  	_ =	shalt  }
0x79: {  	_ =	shalt  }
0x7a: {  	_ =	shalt  }
0x7b: {  	_ =	shalt  }
0x7c: {  	_ =	shalt  }
0x7d: {  	_ =	shalt  }
0x7e: {  	_ =	shalt  }
0x7f: {  	_ =	shalt  }
0x80: {  	_ =	shalt  }
0x81: {  	_ =	shalt  }
0x82: {  	_ =	shalt  }
0x83: {  	_ =	shalt  }
0x84: {  	_ =	shalt  }
0x85: {  	_ =	shalt  }
0x86: {  	_ =	shalt  }
0x87: {  	_ =	shalt  }
.Lfunc_end0:
.L_simem_size_0:
called_computation.4_lowered:
.L_overlay_start_0:
0x88: {  	s2 =	sld [smem:$0x3FD9]  }
0x89: {  	s3 =	sld [smem:$0x3FFE];
	_ =	sdelay $0x1  }
0x8a: {  	s1 =	srdreg.scid  }
0x8b: {  	s0 =	sand.u32 $0x1, s1  }
0x8c: {  	s17 =	sshll.u32 s0, $0xA;
	s2 =	sadd.s32 s3, s2  }
0x8d: {  	s2 =	sadd.s32 s2, s17  }
0x8e: {  	[smem:$0x3FC4] =	sst s2  }
0x8f: {  	_ = 	snop  }
0x90: {  	s18 =	sld [smem:$0x3FC7];
	(tm) =	ssettm $0x1  }
0x91: {  	s19 =	sld [smem:$0x3FFB];
	_ =	sdelay $0x3  }
0x92: {  	_ =	strace s19  }
0x93: {  	s2 =	sld [smem:$0x3FFC];
	_ =	sdelay $0x3  }
0x94: {  	_ =	strace s2  }
0x95: {  	s2 =	sld [smem:$0x3FFD];
	_ =	sdelay $0x3  }
0x96: {  	_ =	strace s2  }
0x97: {  	_ =	strace $0x8FFFFFFF  }
0x98: {  	s20 =	sld [smem:$0x3FDB];
	_ =	sdelay $0x1  }
0x99: {  	s4 =	simm.s32 $_scs_section_size  }
0x9a: {  	s5 =	simm.s32 $_size__tile_overlayer_lowered;
	s6 =	simm.s32 $_tile_overlayer_lowered  }
0x9b: {  	s7 =	simm.s32 $0x1BFF;
	s21 =	sshll.u32 s6, $0x1;
	s4 =	sadd.s32 s4, s20  }
0x9c: {  	s22 =	simm.s32 $0x0;
	s5 =	sshll.u32 s5, $0x1;
	s6 =	sadd.s32 s21, s4  }
0x9d: {  	[timem:s22], [sflag:s7] =	dma.local [hbm:s6], s5  }
0x9e: {  	_ =	swait.ge [sflag:s7], s5  }
0x9f: {  	s5 =	ssub.s32 $0x0, s5;
	[sflag:s7] =	ssyncset.done $0x0  }
0xa0: {  	[sflag:s7] =	ssyncadd.s32 s5;
	_ =	sdelay $0x1  }
0xa1: {  	s23 =	simm.s32 $0x1B8B  }
0xa2: {  	_ =	swait.ge [sflag:s23], $0x1  }
0xa3: {  	[sflag:s23] =	ssyncset.done $0x0  }
0xa4: {  	[sflag:s23] =	ssyncadd.s32 $0xFFFFFFFF  }
0xa5: {  	s5 =	sld [smem:$0x0]  }
0xa6: {  	s6 =	sand.u32 $0xFFFFFFFE, s1  }
0xa7: {  	p0 =	sne.s32 s1, s6  }
0xa8: {  	s6 =	sshll.u32 @p0 s6, $0xE  }
0xa9: {  	s6 =	sadd.s32 @p0 $0x11B8D, s6;
	s7 =	sshll.u32 @p0 s5, $0x11  }
0xaa: {  	s6 =	sor.u32 @p0 s7, s6  }
0xab: {  	[sflag:s6] =	ssyncadd.remote.s32 @p0 $0x1;
	_ =	sdelay $0x1  }
0xac: {  	s6 =	simm.s32 @p0 $0x1B8D  }
0xad: {  	_ =	swait.eq @p0 [sflag:s6], $0x1  }
0xae: {  	[sflag:s6] =	ssyncadd.s32 @p0 $0xFFFFFFFF  }
0xaf: {  	s7 =	sshll.u32 @!p0 s1, $0xE  }
0xb0: {  	s7 =	sor.u32 @!p0 $0x4000, s7;
	s6 =	simm.s32 @!p0 $0x1B8D  }
0xb1: {  	s5 =	sshll.u32 @!p0 s5, $0x11;
	s7 =	sadd.s32 @!p0 $0x11B8D, s7;
	_ =	swait.eq @!p0 [sflag:s6], $0x1  }
0xb2: {  	s5 =	sor.u32 @!p0 s5, s7;
	[sflag:s6] =	ssyncadd.s32 @!p0 $0xFFFFFFFF  }
0xb3: {  	s25 =	simm.s32 $0x1B8E;
	s24 =	sld [smem:$0x3FFE];
	[sflag:s5] =	ssyncadd.remote.s32 @!p0 $0x1  }
0xb4: {  	s26 =	simm.s32 $execute0_lowered;
	[smem:$0x3FD2] =	sst s25  }
0xb5: {  	s6 =	sshll.u32 s26, $0x1;
	_ =	strace $0x80000052;
	[dreg:$0x1] =	wrdreg $0xFFFFFFFF  }
0xb6: {  	s28 =	simm.s32 $_size_execute0_lowered;
	s4 =	sadd.s32 s4, s6;
	[dreg:$0x0] =	wrdreg $0x0  }
0xb7: {  	s6 =	sshll.u32 s28, $0x1;
	[dreg:$0x2] =	wrdreg s4  }
0xb8: {  	[dreg:$0x3] =	wrdreg s6  }
0xb9: {  	[dreg:$0x4] =	wrdreg $0xC0  }
0xba: {  	_ =	task [dreg:s22], $0x5FFFF  }
0xbb: {  	[dreg:$0x1] =	wrdreg $0xFFFFFFFF  }
0xbc: {  	[dreg:$0x0] =	wrdreg $0x60  }
0xbd: {  	[dreg:$0x2] =	wrdreg s24  }
0xbe: {  	[dreg:$0x3] =	wrdreg s18  }
0xbf: {  	[dreg:$0x4] =	wrdreg $0xD  }
0xc0: {  	_ =	task.clear_ibuf [dreg:s22], $0x5FFFF;
	_ =	strace $0x90000052  }
0xc1: {  	s29 =	simm.s32 $0xD;
	_ =	strace $0x80000054  }
0xc2: {  	_ =	swait.ge [sflag:s29], $0x1  }
0xc3: {  	[sflag:s29] =	ssyncadd.s32 $0xFFFFFFFF  }
0xc4: {  	_ =	strace $0x90000054  }
0xc5: {  	_ =	sfence  }
0xc6: {  	s30 =	sld [smem:$0x0];
	_ =	sdelay $0x2  }
0xc7: {  	s31 =	sshll.u32 s1, $0xD;
	s1 =	sshrl.u32 s1, $0x2  }
0xc8: {  	s4 =	sand.u32 $0x4000, s31;
	s1 =	sadd.s32 s1, s30  }
0xc9: {  	s0 =	sor.u32 s4, s0;
	s1 =	sshll.u32 s1, $0x11  }
0xca: {  	s0 =	sor.u32 s1, s0  }
0xcb: {  	s0 =	sadd.s32 $0x8F2B, s0  }
0xcc: {  	[sflag:s0] =	ssyncadd.remote.s32 $0x1  }
0xcd: {  	_ =	sfence.sel $0xFFFF  }
0xce: {  	[dreg:$0x0] =	wrdreg $0xFFFFFFFF;
	(pc) =	sbr.abs _section_cstart, $3  }
0xcf: {  	[dreg:$0x1] =	wrdreg $0xFFFFFFFF  }
0xd0: {  	_ =	task.clear_ibuf [dreg:s22], $0x2FFFF;
	_ =	strace $0x9FFFFFFF  }
0xd1: {  	(tm) =	ssettm $0x7FFFFFFF  }
tec
execute0_lowered:
.L_overlay_start_1:
0x0: {  	(tag) =	ssettag $0x1  }
0x1: {  	s1 =	srdreg.scid  }
0x2: {  	s0 =	stileid.u32;
	s24 =	sand.u32 $0x1, s1  }
0x3: {  	s9 =	rddreg [dreg:$0x0];
	s30 =	sshll.u32 s0, $0xC;
	s2 =	sshll.u32 s24, $0xB  }
0x4: {  	s3 =	rddreg [dreg:$0x1];
	s10 =	sor.u32 s2, s30  }
0x5: {  	s1 =	rddreg [dreg:$0x2];
	s2 =	simm.s32 $0x0;
	s4 =	sshrl.u32 s10, $0x3  }
0x6: {  	[smem:$0x7FF] =	sst s2;
	s3 =	sadd.s32 s4, s3  }
0x7: {  	_ =	strace $0x80000053;
	s4 =	simm.s32 $0x3;
	s3 =	sadd.s32 $0x6000, s3  }
0x8: {  	[tilespmem:s2], [sflag:$0x3] =	stream.linear.gather [hbm4b:s3+s2], $0x800, $0x38;
	[tilespmem:$0x10800] =	vst v63  }
0x9: {  	_ =	swait.ge [sflag:s4], $0x800  }
0xa: {  	s6 =	simm.s32 $0x100;
	s7 =	simm.s32 $0x800;
	[sflag:s4] =	ssyncset.done $0x0  }
0xb: {  	s8 =	simm.s32 $0x1;
	s5 =	sadd.s32 $0x1400, s9;
	[sflag:s4] =	ssyncadd.s32 $0xFFFFF800  }
0xc: {  	[tilespmem:s7], [sflag:$0x1] =	stream.indirect.gather [hbm4b:s5+s6], $0x80, s2, s6, $0xb8;
	[tilespmem:$0x10800] =	vst v63  }
0xd: {  	_ =	swait.ge [sflag:s8], $0x8000  }
0xe: {  	s10 =	sshll.u32 s10, $0x4;
	[sflag:s8] =	ssyncset.done $0x0  }
0xf: {  	s25 =	sadd.s32 s10, s9;
	s9 =	simm.s32 $0x8800;
	[sflag:s8] =	ssyncadd.s32 $0xFFFF8000  }
0x10: {  	[tilespmem:s9], [sflag:$0x1] =	stream.indirect.gather [hbm4b:s5+s6], $0x80, s6, s6, $0xb8;
	[tilespmem:$0x10800] =	vst v63  }
0x11: {  	s10 =	sadd.s32 $0x701400, s25  }
0x12: {  	[hbm4b:s10+s2] =	stream.linear.scatter [tilespmem:s7], [sflag:$0x2], $0x8000, $0x38;
	[tilespmem:$0x10800] =	vst v63  }
0x13: {  	_ =	swait.ge [sflag:s8], $0x8000  }
0x14: {  	[sflag:s8] =	ssyncset.done $0x0  }
0x15: {  	s11 =	simm.s32 $0x2;
	[sflag:s8] =	ssyncadd.s32 $0xFFFF8000  }
0x16: {  	_ =	swait.ge [sflag:s11], $0x8000  }
0x17: {  	[sflag:s11] =	ssyncset.done $0x0  }
0x18: {  	s12 =	simm.s32 $0x200;
	[sflag:s11] =	ssyncadd.s32 $0xFFFF8000  }
0x19: {  	[tilespmem:s7], [sflag:$0x1] =	stream.indirect.gather [hbm4b:s5+s6], $0x80, s12, s6, $0xb8;
	[tilespmem:$0x10800] =	vst v63  }
0x1a: {  	s13 =	sadd.s32 $0x702400, s25  }
0x1b: {  	[hbm4b:s13+s2] =	stream.linear.scatter [tilespmem:s9], [sflag:$0x2], $0x8000, $0x38;
	[tilespmem:$0x10800] =	vst v63  }
0x1c: {  	_ =	swait.ge [sflag:s8], $0x8000  }
0x1d: {  	[sflag:s8] =	ssyncset.done $0x0  }
0x1e: {  	[sflag:s8] =	ssyncadd.s32 $0xFFFF8000  }
0x1f: {  	_ =	swait.ge [sflag:s11], $0x8000  }
0x20: {  	[sflag:s11] =	ssyncset.done $0x0  }
0x21: {  	s14 =	simm.s32 $0x300;
	[sflag:s11] =	ssyncadd.s32 $0xFFFF8000  }
0x22: {  	[tilespmem:s9], [sflag:$0x1] =	stream.indirect.gather [hbm4b:s5+s6], $0x80, s14, s6, $0xb8;
	[tilespmem:$0x10800] =	vst v63  }
0x23: {  	s15 =	sadd.s32 $0x703400, s25  }
0x24: {  	[hbm4b:s15+s2] =	stream.linear.scatter [tilespmem:s7], [sflag:$0x2], $0x8000, $0x38;
	[tilespmem:$0x10800] =	vst v63  }
0x25: {  	_ =	swait.ge [sflag:s8], $0x8000  }
0x26: {  	[sflag:s8] =	ssyncset.done $0x0  }
0x27: {  	[sflag:s8] =	ssyncadd.s32 $0xFFFF8000  }
0x28: {  	_ =	swait.ge [sflag:s11], $0x8000  }
0x29: {  	[sflag:s11] =	ssyncset.done $0x0  }
0x2a: {  	s16 =	simm.s32 $0x400;
	[sflag:s11] =	ssyncadd.s32 $0xFFFF8000  }
0x2b: {  	[tilespmem:s7], [sflag:$0x1] =	stream.indirect.gather [hbm4b:s5+s6], $0x80, s16, s6, $0xb8;
	[tilespmem:$0x10800] =	vst v63  }
0x2c: {  	s17 =	sadd.s32 $0x704400, s25  }
0x2d: {  	[hbm4b:s17+s2] =	stream.linear.scatter [tilespmem:s9], [sflag:$0x2], $0x8000, $0x38;
	[tilespmem:$0x10800] =	vst v63  }
0x2e: {  	_ =	swait.ge [sflag:s8], $0x8000  }
0x2f: {  	[sflag:s8] =	ssyncset.done $0x0  }
0x30: {  	[sflag:s8] =	ssyncadd.s32 $0xFFFF8000  }
0x31: {  	_ =	swait.ge [sflag:s11], $0x8000  }
0x32: {  	[sflag:s11] =	ssyncset.done $0x0  }
0x33: {  	s18 =	simm.s32 $0x500;
	[sflag:s11] =	ssyncadd.s32 $0xFFFF8000  }
0x34: {  	[tilespmem:s9], [sflag:$0x1] =	stream.indirect.gather [hbm4b:s5+s6], $0x80, s18, s6, $0xb8;
	[tilespmem:$0x10800] =	vst v63  }
0x35: {  	s19 =	sadd.s32 $0x705400, s25  }
0x36: {  	[hbm4b:s19+s2] =	stream.linear.scatter [tilespmem:s7], [sflag:$0x2], $0x8000, $0x38;
	[tilespmem:$0x10800] =	vst v63  }
0x37: {  	_ =	swait.ge [sflag:s8], $0x8000  }
0x38: {  	[sflag:s8] =	ssyncset.done $0x0  }
0x39: {  	[sflag:s8] =	ssyncadd.s32 $0xFFFF8000  }
0x3a: {  	_ =	swait.ge [sflag:s11], $0x8000  }
0x3b: {  	[sflag:s11] =	ssyncset.done $0x0  }
0x3c: {  	s20 =	simm.s32 $0x600;
	[sflag:s11] =	ssyncadd.s32 $0xFFFF8000  }
0x3d: {  	[tilespmem:s7], [sflag:$0x1] =	stream.indirect.gather [hbm4b:s5+s6], $0x80, s20, s6, $0xb8;
	[tilespmem:$0x10800] =	vst v63  }
0x3e: {  	s21 =	sadd.s32 $0x706400, s25  }
0x3f: {  	[hbm4b:s21+s2] =	stream.linear.scatter [tilespmem:s9], [sflag:$0x2], $0x8000, $0x38;
	[tilespmem:$0x10800] =	vst v63  }
0x40: {  	_ =	swait.ge [sflag:s8], $0x8000  }
0x41: {  	[sflag:s8] =	ssyncset.done $0x0  }
0x42: {  	[sflag:s8] =	ssyncadd.s32 $0xFFFF8000  }
0x43: {  	_ =	swait.ge [sflag:s11], $0x8000  }
0x44: {  	[sflag:s11] =	ssyncset.done $0x0  }
0x45: {  	s22 =	simm.s32 $0x700;
	s26 =	ssub.s32 $0x2, s24;
	[sflag:s11] =	ssyncadd.s32 $0xFFFF8000  }
0x46: {  	[tilespmem:s9], [sflag:$0x1] =	stream.indirect.gather [hbm4b:s5+s6], $0x80, s22, s6, $0xb8;
	[tilespmem:$0x10800] =	vst v63  }
0x47: {  	s31 =	sshrl.u32 s26, $0x1;
	s23 =	sadd.s32 $0x707400, s25  }
0x48: {  	[hbm4b:s23+s2] =	stream.linear.scatter [tilespmem:s7], [sflag:$0x2], $0x8000, $0x38;
	[tilespmem:$0x10800] =	vst v63  }
0x49: {  	s24 =	sadd.s32 $0x708400, s25;
	s25 =	ssub.s32 s26, s31;
	_ =	swait.ge [sflag:s8], $0x8000  }
0x4a: {  	s25 =	smax.u32 s25, $0x1;
	[sflag:s8] =	ssyncset.done $0x0  }
0x4b: {  	p0 =	sne.s32 s25, $0x1;
	[sflag:s8] =	ssyncadd.s32 $0xFFFF8000  }
0x4c: {  	[hbm4b:s24+s2] =	stream.linear.scatter [tilespmem:s9], [sflag:$0x2], $0x8000, $0x38;
	[tilespmem:$0x10800] =	vst v63  }
.Ltmp0:
0x4d: {  	_ =	swait.ge [sflag:s11], $0x8000;
	(pc) =	sbr.rel @!p0 .LBB2_2-.Ltmp0, $4  }
0x4e: {  	[sflag:s11] =	ssyncset.done $0x0  }
0x4f: {  	[sflag:s11] =	ssyncadd.s32 $0xFFFF8000  }
0x50: {  	_ =	swait.ge [sflag:s11], $0x8000  }
0x51: {  	s25 =	sadd.s32 $0xFFFFFFFF, s25;
	[sflag:s11] =	ssyncset.done $0x0  }
.LBB2_1:
0x52: {  	p0 =	sne.s32 s25, $0x1;
	s25 =	sadd.s32 $0xFFFFFFFF, s25;
	[sflag:s11] =	ssyncadd.s32 $0xFFFF8000  }
0x53: {  	[tilespmem:s2], [sflag:$0x3] =	stream.linear.gather [hbm4b:s3+s2], $0x800, $0x38;
	[tilespmem:$0x10800] =	vst v63  }
0x54: {  	_ =	swait.ge [sflag:s4], $0x800  }
0x55: {  	[sflag:s4] =	ssyncset.done $0x0  }
0x56: {  	[sflag:s4] =	ssyncadd.s32 $0xFFFFF800  }
0x57: {  	[tilespmem:s7], [sflag:$0x1] =	stream.indirect.gather [hbm4b:s5+s6], $0x80, s2, s6, $0xb8;
	[tilespmem:$0x10800] =	vst v63  }
0x58: {  	_ =	swait.ge [sflag:s8], $0x8000  }
0x59: {  	[sflag:s8] =	ssyncset.done $0x0  }
0x5a: {  	[sflag:s8] =	ssyncadd.s32 $0xFFFF8000  }
0x5b: {  	[tilespmem:s9], [sflag:$0x1] =	stream.indirect.gather [hbm4b:s5+s6], $0x80, s6, s6, $0xb8;
	[tilespmem:$0x10800] =	vst v63  }
0x5c: {  	_ = 	snop  }
0x5d: {  	[hbm4b:s10+s2] =	stream.linear.scatter [tilespmem:s7], [sflag:$0x2], $0x8000, $0x38;
	[tilespmem:$0x10800] =	vst v63  }
0x5e: {  	_ =	swait.ge [sflag:s8], $0x8000  }
0x5f: {  	[sflag:s8] =	ssyncset.done $0x0  }
0x60: {  	[sflag:s8] =	ssyncadd.s32 $0xFFFF8000  }
0x61: {  	_ =	swait.ge [sflag:s11], $0x8000  }
0x62: {  	[sflag:s11] =	ssyncset.done $0x0  }
0x63: {  	[sflag:s11] =	ssyncadd.s32 $0xFFFF8000  }
0x64: {  	[tilespmem:s7], [sflag:$0x1] =	stream.indirect.gather [hbm4b:s5+s6], $0x80, s12, s6, $0xb8;
	[tilespmem:$0x10800] =	vst v63  }
0x65: {  	_ = 	snop  }
0x66: {  	[hbm4b:s13+s2] =	stream.linear.scatter [tilespmem:s9], [sflag:$0x2], $0x8000, $0x38;
	[tilespmem:$0x10800] =	vst v63  }
0x67: {  	_ =	swait.ge [sflag:s8], $0x8000  }
0x68: {  	[sflag:s8] =	ssyncset.done $0x0  }
0x69: {  	[sflag:s8] =	ssyncadd.s32 $0xFFFF8000  }
0x6a: {  	_ =	swait.ge [sflag:s11], $0x8000  }
0x6b: {  	[sflag:s11] =	ssyncset.done $0x0  }
0x6c: {  	[sflag:s11] =	ssyncadd.s32 $0xFFFF8000  }
0x6d: {  	[tilespmem:s9], [sflag:$0x1] =	stream.indirect.gather [hbm4b:s5+s6], $0x80, s14, s6, $0xb8;
	[tilespmem:$0x10800] =	vst v63  }
0x6e: {  	_ = 	snop  }
0x6f: {  	[hbm4b:s15+s2] =	stream.linear.scatter [tilespmem:s7], [sflag:$0x2], $0x8000, $0x38;
	[tilespmem:$0x10800] =	vst v63  }
0x70: {  	_ =	swait.ge [sflag:s8], $0x8000  }
0x71: {  	[sflag:s8] =	ssyncset.done $0x0  }
0x72: {  	[sflag:s8] =	ssyncadd.s32 $0xFFFF8000  }
0x73: {  	_ =	swait.ge [sflag:s11], $0x8000  }
0x74: {  	[sflag:s11] =	ssyncset.done $0x0  }
0x75: {  	[sflag:s11] =	ssyncadd.s32 $0xFFFF8000  }
0x76: {  	[tilespmem:s7], [sflag:$0x1] =	stream.indirect.gather [hbm4b:s5+s6], $0x80, s16, s6, $0xb8;
	[tilespmem:$0x10800] =	vst v63  }
0x77: {  	_ = 	snop  }
0x78: {  	[hbm4b:s17+s2] =	stream.linear.scatter [tilespmem:s9], [sflag:$0x2], $0x8000, $0x38;
	[tilespmem:$0x10800] =	vst v63  }
0x79: {  	_ =	swait.ge [sflag:s8], $0x8000  }
0x7a: {  	[sflag:s8] =	ssyncset.done $0x0  }
0x7b: {  	[sflag:s8] =	ssyncadd.s32 $0xFFFF8000  }
0x7c: {  	_ =	swait.ge [sflag:s11], $0x8000  }
0x7d: {  	[sflag:s11] =	ssyncset.done $0x0  }
0x7e: {  	[sflag:s11] =	ssyncadd.s32 $0xFFFF8000  }
0x7f: {  	[tilespmem:s9], [sflag:$0x1] =	stream.indirect.gather [hbm4b:s5+s6], $0x80, s18, s6, $0xb8;
	[tilespmem:$0x10800] =	vst v63  }
0x80: {  	_ = 	snop  }
0x81: {  	[hbm4b:s19+s2] =	stream.linear.scatter [tilespmem:s7], [sflag:$0x2], $0x8000, $0x38;
	[tilespmem:$0x10800] =	vst v63  }
0x82: {  	_ =	swait.ge [sflag:s8], $0x8000  }
0x83: {  	[sflag:s8] =	ssyncset.done $0x0  }
0x84: {  	[sflag:s8] =	ssyncadd.s32 $0xFFFF8000  }
0x85: {  	_ =	swait.ge [sflag:s11], $0x8000  }
0x86: {  	[sflag:s11] =	ssyncset.done $0x0  }
0x87: {  	[sflag:s11] =	ssyncadd.s32 $0xFFFF8000  }
0x88: {  	[tilespmem:s7], [sflag:$0x1] =	stream.indirect.gather [hbm4b:s5+s6], $0x80, s20, s6, $0xb8;
	[tilespmem:$0x10800] =	vst v63  }
0x89: {  	_ = 	snop  }
0x8a: {  	[hbm4b:s21+s2] =	stream.linear.scatter [tilespmem:s9], [sflag:$0x2], $0x8000, $0x38;
	[tilespmem:$0x10800] =	vst v63  }
0x8b: {  	_ =	swait.ge [sflag:s8], $0x8000  }
0x8c: {  	[sflag:s8] =	ssyncset.done $0x0  }
0x8d: {  	[sflag:s8] =	ssyncadd.s32 $0xFFFF8000  }
0x8e: {  	_ =	swait.ge [sflag:s11], $0x8000  }
0x8f: {  	[sflag:s11] =	ssyncset.done $0x0  }
0x90: {  	[sflag:s11] =	ssyncadd.s32 $0xFFFF8000  }
0x91: {  	[tilespmem:s9], [sflag:$0x1] =	stream.indirect.gather [hbm4b:s5+s6], $0x80, s22, s6, $0xb8;
	[tilespmem:$0x10800] =	vst v63  }
0x92: {  	_ = 	snop  }
0x93: {  	[hbm4b:s23+s2] =	stream.linear.scatter [tilespmem:s7], [sflag:$0x2], $0x8000, $0x38;
	[tilespmem:$0x10800] =	vst v63  }
0x94: {  	_ =	swait.ge [sflag:s8], $0x8000  }
0x95: {  	[sflag:s8] =	ssyncset.done $0x0  }
0x96: {  	[sflag:s8] =	ssyncadd.s32 $0xFFFF8000  }
0x97: {  	[hbm4b:s24+s2] =	stream.linear.scatter [tilespmem:s9], [sflag:$0x2], $0x8000, $0x38;
	[tilespmem:$0x10800] =	vst v63  }
.Ltmp1:
0x98: {  	_ =	swait.ge [sflag:s11], $0x8000;
	(pc) =	sbr.rel @p0 .LBB2_1-.Ltmp1, $4  }
0x99: {  	[sflag:s11] =	ssyncset.done $0x0  }
0x9a: {  	[sflag:s11] =	ssyncadd.s32 $0xFFFF8000  }
0x9b: {  	_ =	swait.ge [sflag:s11], $0x8000  }
0x9c: {  	[sflag:s11] =	ssyncset.done $0x0  }
.LBB2_2:
0x9d: {  	[sflag:s11] =	ssyncadd.s32 $0xFFFF8000  }
0x9e: {  	_ =	sfence.sel $0x180000  }
0x9f: {  	[bflag:$0x0] =	sbarrier.arrive $0xFFFF  }
0xa0: {  	p0 =	sne.s32 s0, $0x0;
	_ =	strace $0x90000053  }
0xa1: {  	s0 =	sadd.s32 @!p0 $0x100000, s1;
	[bflag:$0x2] =	sbarrier.arrive $0xFFFF  }
0xa2: {  	[sflag:s0] =	ssyncadd.tile.s32 @!p0 $0x1;
	_ =	shalt  }
.Lfunc_end2:
_tile_overlayer_lowered:
.L_overlay_start_2:
0xa3: {  	(tag) =	ssettag $0x2  }
0xa4: {  	s0 =	rddreg [dreg:$0x0];
	s2 =	stileid.u32  }
0xa5: {  	s1 =	rddreg [dreg:$0x1];
	p0 =	sne.s32 s2, $0x0  }
0xa6: {  	s3 =	rddreg [dreg:$0x2];
	[bflag:$0x3] =	sbarrier.arrive $0xFFFF;
	s2 =	simm.s32 @!p0 $0x1C03  }
0xa7: {  	[timem:s3], [sflag:s2] =	dma.local @!p0 [hbm:s0], s1  }
0xa8: {  	s0 =	simm.s32 @!p0 $0x3  }
0xa9: {  	_ =	swait.ge @!p0 [sflag:s0], s1  }
0xaa: {  	s1 =	ssub.s32 @!p0 $0x0, s1;
	[sflag:s0] =	ssyncset.done @!p0 $0x0  }
0xab: {  	[sflag:s0] =	ssyncadd.s32 @!p0 s1  }
0xac: {  	[bflag:$0x3] =	sbarrier.arrive $0xFFFF  }
0xad: {  	_ =	shalt  }

</sc_bundles>
